<compile_context>
chip_gen: v7x
topology: tpu7x:2x2x1
jax: 0.10.2.dev20260603
libtpu: 0.0.44.dev20260713+nightly
codegen_flags: <defaults>
</compile_context>

<pallas_src>
import functools

import numpy as np
import jax
import jax.numpy as jnp
from jax import lax
from jax.experimental import pallas as pl
from jax.experimental.pallas import tpu as pltpu
from jax.experimental.pallas import tpu_sc as plsc

NBOX = 1000
L = 16
NPAD = 1024
NCHUNK = NPAD // L
NB = 4
NC = 21
NCLS = NC - 1
NPAIR = NB * NCLS
NWORK = 32
TH_CONF = 0.05
TH_IOU = 0.5
NEG = float("-inf")
BIGI = np.int32(2**30)
UNR = 4
PLEN = NPAD + UNR * L
DUMP = PLEN - 1
KCOMP = 32


def _body(conf_hbm, loc_hbm, anch_hbm, out_hbm,
          conf_v, cls_v, loc_v, anch_v,
          cx1_v, cy1_v, cx2_v, cy2_v, car_v, cs_v, cs0_v, cidx_v, cidx0_v,
          o0_v, o1_v, o2_v, o3_v, o4_v, wq_s):
    cid = lax.axis_index("c")
    sid = lax.axis_index("s")
    wid = sid * 2 + cid
    lane = lax.iota(jnp.int32, L)

    pltpu.sync_copy(anch_hbm, anch_v)

    negv = jnp.full((L,), NEG, jnp.float32)
    bigv = jnp.full((L,), BIGI, jnp.int32)
    zi = jnp.zeros((L,), jnp.int32)

    def arg_update(sv, posv, best_s, best_p):
        c2 = sv > best_s
        return (jnp.where(c2, sv, best_s), jnp.where(c2, posv, best_p))

    def finalize(best_s, best_p):
        mval = jnp.max(best_s)
        bpos = jnp.min(jnp.where(best_s == mval, best_p, BIGI))
        return (mval, bpos)

    def do_pair(pair):
        b = pair // NCLS
        cls = pair % NCLS + 1
        pltpu.sync_copy(conf_hbm.at[b], conf_v)
        pltpu.sync_copy(conf_hbm.at[b, pl.ds(cls, 1)], cls_v)
        pltpu.sync_copy(loc_hbm.at[b], loc_v)

        def chunk_body(i, cnt):
            sl = pl.ds(i * L, L)
            m = conf_v[0, sl]
            for c in range(1, NC):
                m = jnp.maximum(m, conf_v[c, sl])
            z = jnp.exp(conf_v[0, sl] - m)
            for c in range(1, NC):
                z = z + jnp.exp(conf_v[c, sl] - m)
            s = jnp.exp(cls_v[0, sl] - m) / z

            a0 = anch_v[0, sl]
            a1 = anch_v[1, sl]
            a2 = anch_v[2, sl]
            a3 = anch_v[3, sl]
            cx = a0 + loc_v[0, sl] * 0.1 * a2
            cy = a1 + loc_v[1, sl] * 0.1 * a3
            w = a2 * jnp.exp(loc_v[2, sl] * 0.2)
            h = a3 * jnp.exp(loc_v[3, sl] * 0.2)
            x1 = cx - w / 2.0
            y1 = cy - h / 2.0
            x2 = cx + w / 2.0
            y2 = cy + h / 2.0
            area = (x2 - x1) * (y2 - y1)

            mask = s >= TH_CONF
            csum = lax.cumsum(mask.astype(jnp.int32))
            pos = jnp.where(mask, cnt + csum - 1, DUMP)
            plsc.store_scatter(cx1_v, [pos], x1)
            plsc.store_scatter(cy1_v, [pos], y1)
            plsc.store_scatter(cx2_v, [pos], x2)
            plsc.store_scatter(cy2_v, [pos], y2)
            plsc.store_scatter(car_v, [pos], area)
            plsc.store_scatter(cs_v, [pos], s)
            plsc.store_scatter(cs0_v, [pos], s)
            plsc.store_scatter(cidx_v, [pos], lane + i * L)
            plsc.store_scatter(cidx0_v, [pos], lane + i * L)

            zv = jnp.zeros((L,), jnp.float32)
            for o in (o0_v, o1_v, o2_v, o3_v, o4_v):
                o[0, sl] = zv

            return cnt + jnp.max(csum)

        cnt = lax.fori_loop(0, NCHUNK, chunk_body, np.int32(0))

        def pad_live(at):
            for t in range(UNR):
                off = pl.ds(at + t * L, L)
                cs_v[off] = negv
                cidx_v[off] = bigv

        pad_live(cnt)
        for t in range(UNR):
            off = pl.ds(cnt + t * L, L)
            cs0_v[off] = negv
            cidx0_v[off] = bigv

        def ib(v, carry):
            best_s, best_p = carry
            for u in range(UNR):
                base = UNR * v * L + u * L
                best_s, best_p = arg_update(
                    cs_v[pl.ds(base, L)], lane + base, best_s, best_p)
            return (best_s, best_p)

        nh0 = (cnt + UNR * L - 1) // (UNR * L)
        mval0, bpos0 = finalize(*lax.fori_loop(0, nh0, ib, (negv, zi)))

        def ocond(st):
            return st[0] > np.float32(-1e38)

        def obody(st):
            mval, bpos, m = st
            nh = (m + UNR * L - 1) // (UNR * L)

            def icond(st2):
                return (st2[0] > np.float32(-1e38)) & (st2[2] < KCOMP)

            def ibody(st2):
                mval, bpos, k = st2
                pv = jnp.full((L,), bpos, jnp.int32)
                x1s = plsc.load_gather(cx1_v, [pv])
                y1s = plsc.load_gather(cy1_v, [pv])
                x2s = plsc.load_gather(cx2_v, [pv])
                y2s = plsc.load_gather(cy2_v, [pv])
                ars = plsc.load_gather(car_v, [pv])
                bidx = plsc.load_gather(cidx_v, [pv])

                def rb(v, rkv):
                    for u in range(UNR):
                        sl2 = pl.ds(UNR * v * L + u * L, L)
                        s0 = cs0_v[sl2]
                        i0 = cidx0_v[sl2]
                        before = (s0 > mval) | ((s0 == mval) & (i0 < bidx))
                        rkv = rkv + jnp.where(before, 1, 0)
                    return rkv

                rank = jnp.sum(lax.fori_loop(0, nh0, rb, zi))

                rv = jnp.full((L,), rank, jnp.int32)
                zrow = jnp.zeros((L,), jnp.int32)
                plsc.store_scatter(o0_v, [zrow, rv], x1s)
                plsc.store_scatter(o1_v, [zrow, rv], y1s)
                plsc.store_scatter(o2_v, [zrow, rv], x2s)
                plsc.store_scatter(o3_v, [zrow, rv], y2s)
                plsc.store_scatter(o4_v, [zrow, rv],
                                   jnp.full((L,), mval, jnp.float32))

                def fb(v, carry):
                    best_s, best_p = carry
                    for u in range(UNR):
                        base = UNR * v * L + u * L
                        sl2 = pl.ds(base, L)
                        x1 = cx1_v[sl2]
                        y1 = cy1_v[sl2]
                        x2 = cx2_v[sl2]
                        y2 = cy2_v[sl2]
                        ar = car_v[sl2]
                        sv = cs_v[sl2]
                        ix1 = jnp.maximum(x1s, x1)
                        iy1 = jnp.maximum(y1s, y1)
                        ix2 = jnp.minimum(x2s, x2)
                        iy2 = jnp.minimum(y2s, y2)
                        inter = (jnp.maximum(ix2 - ix1, 0.0)
                                 * jnp.maximum(iy2 - iy1, 0.0))
                        union = jnp.maximum(ars + ar - inter, 1e-9)
                        hit = inter > TH_IOU * union
                        posv = lane + base
                        sv2 = jnp.where(hit | (posv == bpos), NEG, sv)
                        cs_v[sl2] = sv2
                        best_s, best_p = arg_update(sv2, posv, best_s, best_p)
                    return (best_s, best_p)

                best_s, best_p = lax.fori_loop(0, nh, fb, (negv, zi))

                nmval, nbpos = finalize(best_s, best_p)
                return (nmval, nbpos, k + 1)

            st2 = lax.while_loop(icond, ibody, (mval, bpos, np.int32(0)))
            mval, bpos = st2[:2]

            def cb(v, carry):
                best_s, best_p, nc = carry
                for u in range(UNR):
                    base = UNR * v * L + u * L
                    sl2 = pl.ds(base, L)
                    sv = cs_v[sl2]
                    iv = cidx_v[sl2]
                    x1 = cx1_v[sl2]
                    y1 = cy1_v[sl2]
                    x2 = cx2_v[sl2]
                    y2 = cy2_v[sl2]
                    ar = car_v[sl2]
                    alive = sv > np.float32(-1e38)
                    ci = lax.cumsum(alive.astype(jnp.int32))
                    npos = jnp.where(alive, nc + ci - 1, DUMP)
                    plsc.store_scatter(cx1_v, [npos], x1)
                    plsc.store_scatter(cy1_v, [npos], y1)
                    plsc.store_scatter(cx2_v, [npos], x2)
                    plsc.store_scatter(cy2_v, [npos], y2)
                    plsc.store_scatter(car_v, [npos], ar)
                    plsc.store_scatter(cs_v, [npos], sv)
                    plsc.store_scatter(cidx_v, [npos], iv)
                    best_s, best_p = arg_update(sv, npos, best_s, best_p)
                    nc = nc + jnp.max(ci)
                return (best_s, best_p, nc)

            best_s, best_p, newm = lax.fori_loop(
                0, nh, cb, (negv, zi, np.int32(0)))
            pad_live(newm)
            mval, bpos = finalize(best_s, best_p)
            return (mval, bpos, newm)

        lax.while_loop(ocond, obody, (mval0, bpos0, cnt))

        for j, o in enumerate((o0_v, o1_v, o2_v, o3_v, o4_v)):
            pltpu.sync_copy(o, out_hbm.at[pair, pl.ds(j, 1)])

    npc = NPAIR // 2

    @pl.when(sid == 0)
    def _():
        wq_s[0] = np.int32(0)
    plsc.subcore_barrier()

    def wcond(t):
        return t < npc

    def wbody(t):
        do_pair(cid * npc + t)
        return plsc.fetch_and_add(wq_s, np.int32(1), subcore_id=0)

    lax.while_loop(wcond, wbody, plsc.fetch_and_add(wq_s, np.int32(1), subcore_id=0))


@jax.jit
def kernel(conf, loc, anchors):
    padn = NPAD - NBOX
    pad_cls = jnp.where(jnp.arange(NC) == 0, 100.0, -100.0).astype(jnp.float32)
    conf_p = jnp.concatenate(
        [conf, jnp.broadcast_to(pad_cls, (NB, padn, NC))], axis=1)
    conf_t = jnp.transpose(conf_p, (0, 2, 1))
    loc_t = jnp.transpose(
        jnp.pad(loc, ((0, 0), (0, padn), (0, 0))), (0, 2, 1))
    anch_t = jnp.transpose(
        jnp.pad(anchors, ((0, padn), (0, 0))), (1, 0))

    mesh = plsc.VectorSubcoreMesh(core_axis_name="c", subcore_axis_name="s",
                                  num_cores=2, num_subcores=16)
    out = pl.kernel(
        _body,
        out_type=jax.ShapeDtypeStruct((NPAIR, 5, NPAD), jnp.float32),
        mesh=mesh,
        compiler_params=pltpu.CompilerParams(needs_layout_passes=False),
        scratch_types=[
            pltpu.VMEM((NC, NPAD), jnp.float32),
            pltpu.VMEM((1, NPAD), jnp.float32),
            pltpu.VMEM((4, NPAD), jnp.float32),
            pltpu.VMEM((4, NPAD), jnp.float32),
        ] + [pltpu.VMEM((PLEN,), jnp.float32)] * 7
          + [pltpu.VMEM((PLEN,), jnp.int32)] * 2
          + [pltpu.VMEM((1, NPAD), jnp.float32)] * 5
          + [pltpu.SMEM((1,), jnp.int32)],
    )(conf_t, loc_t, anch_t)

    return (out[:, :, :NBOX]
            .reshape(NB, NCLS, 5, NBOX)
            .transpose(0, 1, 3, 2))

# --- scband reference (transcript-rebuilt; emitter-appended) ---
"""Pipeline reference for scband-detect-post-process-75161927680371 (READ-ONLY COPY).

The authoritative reference and input builder live on the scoring server;
editing this copy changes nothing except your own understanding.
"""

import jax, jax.numpy as jnp
import numpy as np
from jax import lax

TH_CONF = 0.05
TH_IOU = 0.5


def setup_inputs(seed: int = 0) -> dict:
    key = jax.random.key(seed)
    k1, k2, k3, k4 = jax.random.split(key, 4)
    B, N, C = 4, 1000, 21
    conf = jax.random.normal(k1, (B, N, C), dtype=jnp.float32)
    loc = jax.random.normal(k2, (B, N, 4), dtype=jnp.float32)
    centers = jax.random.uniform(k3, (N, 2), minval=0.05, maxval=0.95, dtype=jnp.float32)
    wh = jax.random.uniform(k4, (N, 2), minval=0.02, maxval=0.30, dtype=jnp.float32)
    anchors = jnp.concatenate([centers, wh], axis=1)
    return {"conf": conf, "loc": loc, "anchors": anchors}


def _decode(loc, anchors):
    # SSD-style decode: anchors are (cx, cy, w, h); loc offsets with variances (0.1, 0.2)
    cxcy = anchors[None, :, :2] + loc[..., :2] * 0.1 * anchors[None, :, 2:]
    wh = anchors[None, :, 2:] * jnp.exp(loc[..., 2:] * 0.2)
    return jnp.concatenate([cxcy - wh / 2.0, cxcy + wh / 2.0], axis=-1)  # corners [B,N,4]


def _iou_one(box, boxes):
    x1 = jnp.maximum(box[0], boxes[:, 0])
    y1 = jnp.maximum(box[1], boxes[:, 1])
    x2 = jnp.minimum(box[2], boxes[:, 2])
    y2 = jnp.minimum(box[3], boxes[:, 3])
    inter = jnp.clip(x2 - x1, 0.0) * jnp.clip(y2 - y1, 0.0)
    a1 = (box[2] - box[0]) * (box[3] - box[1])
    a2 = (boxes[:, 2] - boxes[:, 0]) * (boxes[:, 3] - boxes[:, 1])
    return inter / jnp.maximum(a1 + a2 - inter, 1e-9)


def _nms_class(boxes, scores):
    # greedy NMS for one (batch, class): boxes [N,4], scores [N]
    N = boxes.shape[0]
    valid = scores >= TH_CONF
    order = jnp.argsort(-jnp.where(valid, scores, -jnp.inf))
    b = boxes[order]
    s = scores[order]
    v = valid[order]

    def step(state, i):
        keep, sup = state
        active = v[i] & (~sup[i])
        keep = keep.at[i].set(active)
        iou = _iou_one(b[i], b)
        sup = sup | (active & (iou > TH_IOU) & (jnp.arange(N) > i))
        return (keep, sup), None

    init = (jnp.zeros((N,), dtype=bool), jnp.zeros((N,), dtype=bool))
    (keep, _), _ = lax.scan(step, init, jnp.arange(N))
    objs = jnp.where(keep[:, None], jnp.concatenate([b, s[:, None]], axis=1), 0.0)
    return objs  # [N, 5] zero-padded (box, score) like the ragged torch output


def reference(conf, loc, anchors):
    score = jax.nn.softmax(conf, axis=2)          # [B, N, C]
    box = _decode(loc, anchors)                   # [B, N, 4]
    score_fg = jnp.moveaxis(score[..., 1:], -1, 1)  # [B, C-1, N], skip background class 0
    per_batch = jax.vmap(lambda bb, ss: jax.vmap(lambda sc: _nms_class(bb, sc))(ss))
    return per_batch(box, score_fg)               # [B, C-1, N, 5]

if __name__ == "__main__":
    import jax
    _d = setup_inputs()
    print(jax.jit(kernel)(*tuple(_d.values())))

</pallas_src>

<mosaic_0001>
#map = affine_map<(d0, d1) -> (0, 0, 0)>
#map1 = affine_map<(d0, d1) -> (0, 0)>
module attributes {stable_mosaic.version = 14 : i64} {
  func.func @_body(%arg0: i32, %arg1: i32, %arg2: memref<4x21x1024xf32, #tpu.memory_space<hbm>>, %arg3: memref<4x4x1024xf32, #tpu.memory_space<hbm>>, %arg4: memref<4x1024xf32, #tpu.memory_space<hbm>>, %arg5: memref<80x5x1024xf32, #tpu.memory_space<hbm>>, %arg6: memref<21x1024xf32, #tpu.memory_space<vmem>>, %arg7: memref<1x1024xf32, #tpu.memory_space<vmem>>, %arg8: memref<4x1024xf32, #tpu.memory_space<vmem>>, %arg9: memref<4x1024xf32, #tpu.memory_space<vmem>>, %arg10: memref<1088xf32, #tpu.memory_space<vmem>>, %arg11: memref<1088xf32, #tpu.memory_space<vmem>>, %arg12: memref<1088xf32, #tpu.memory_space<vmem>>, %arg13: memref<1088xf32, #tpu.memory_space<vmem>>, %arg14: memref<1088xf32, #tpu.memory_space<vmem>>, %arg15: memref<1088xf32, #tpu.memory_space<vmem>>, %arg16: memref<1088xf32, #tpu.memory_space<vmem>>, %arg17: memref<1088xi32, #tpu.memory_space<vmem>>, %arg18: memref<1088xi32, #tpu.memory_space<vmem>>, %arg19: memref<1x1024xf32, #tpu.memory_space<vmem>>, %arg20: memref<1x1024xf32, #tpu.memory_space<vmem>>, %arg21: memref<1x1024xf32, #tpu.memory_space<vmem>>, %arg22: memref<1x1024xf32, #tpu.memory_space<vmem>>, %arg23: memref<1x1024xf32, #tpu.memory_space<vmem>>, %arg24: memref<1xi32, #tpu.memory_space<smem>>) attributes {dimension_semantics = [#tpu.dimension_semantics<core_parallel>, #tpu.dimension_semantics<subcore_parallel>], iteration_bounds = array<i64: 2, 16>, scalar_prefetch = 0 : i64, scratch_operands = 19 : i64, tpu.core_type = #tpu.core_type<sc_vector_subcore>, window_params = [{transform_indices = #map}, {transform_indices = #map}, {transform_indices = #map1}, {transform_indices = #map}]} {
    %mul3A = arith.constant 2 : i32
    %mul3A_0 = arith.muli %arg1, %mul3A : i32
    %add3A = arith.addi %mul3A_0, %arg0 : i32
    %iota3A = tpu.iota {dimensions = array<i32: 0>} : vector<16xi32>
    "tpu.region"() ({
      %run_scoped3A = tpu.sem_alloc : memref<!tpu.dma_semaphore, #tpu.memory_space<semaphore_mem>>
      tpu.enqueue_dma source(%arg4 : memref<4x1024xf32, #tpu.memory_space<hbm>>) target(%arg9 : memref<4x1024xf32, #tpu.memory_space<vmem>>) target_semaphore(%run_scoped3A : memref<!tpu.dma_semaphore, #tpu.memory_space<semaphore_mem>>)
      tpu.wait_dma2 semaphore(%run_scoped3A : memref<!tpu.dma_semaphore, #tpu.memory_space<semaphore_mem>>) src(%arg4 : memref<4x1024xf32, #tpu.memory_space<hbm>>) dst(%arg9 : memref<4x1024xf32, #tpu.memory_space<vmem>>)
      tpu.yield
    }) : () -> ()
    %broadcast_in_dim3A = arith.constant 0xFF800000 : f32
    %broadcast_in_dim3A_1 = vector.broadcast %broadcast_in_dim3A : f32 to vector<16xf32>
    %broadcast_in_dim3A_2 = arith.constant 1073741824 : i32
    %broadcast_in_dim3A_3 = vector.broadcast %broadcast_in_dim3A_2 : i32 to vector<16xi32>
    %broadcast_in_dim3A_4 = arith.constant 0 : i32
    %broadcast_in_dim3A_5 = vector.broadcast %broadcast_in_dim3A_4 : i32 to vector<16xi32>
    %eq3A = arith.constant 0 : i32
    %eq3A_6 = arith.cmpi eq, %arg1, %eq3A : i32
    %convert_element_type3A = arith.extui %eq3A_6 : i1 to i32
    %cond3A = arith.constant 0 : i32
    %cond3A_7 = arith.cmpi ne, %convert_element_type3A, %cond3A : i32
    scf.if %cond3A_7 {
      %swap3A = arith.constant 0 : i32
      %swap3A_11 = arith.constant 0 : i32
      %swap3A_12 = arith.index_cast %swap3A_11 : i32 to index
      %swap3A_13 = memref.load %arg24[%swap3A_12] : memref<1xi32, #tpu.memory_space<smem>>
      memref.store %swap3A, %arg24[%swap3A_12] : memref<1xi32, #tpu.memory_space<smem>>
    } else {
    }
    %barrier3A = arith.constant 0 : index
    tpu.barrier barrier_id(%barrier3A)
    %sc_fetch_and_add3A = arith.constant 1 : i32
    %sc_fetch_and_add3A_8 = arith.constant 0 : i32
    %sc_fetch_and_add3A_9 = arith.constant 0 : i32
    %sc_fetch_and_add3A_10 = tpu.fetch_and_add_sync %arg24[%sc_fetch_and_add3A_8], %sc_fetch_and_add3A, %sc_fetch_and_add3A_9 : memref<1xi32, #tpu.memory_space<smem>>, i32 -> i32
    %while3A = scf.while (%while3A_11 = %sc_fetch_and_add3A_10) : (i32) -> i32 {
      %lt3A = arith.constant 40 : i32
      %lt3A_12 = arith.cmpi slt, %while3A_11, %lt3A : i32
      scf.condition(%lt3A_12) %while3A_11 : i32
    } do {
    ^bb0(%while3A_11: i32):
      %mul3A_12 = arith.constant 40 : i32
      %mul3A_13 = arith.muli %arg0, %mul3A_12 : i32
      %add3A_14 = arith.addi %mul3A_13, %while3A_11 : i32
      %jit3A = arith.constant 20 : i32
      %div3A = arith.divsi %add3A_14, %jit3A : i32
      %sign3A = arith.constant 0 : i32
      %sign3A_15 = arith.cmpi sgt, %add3A_14, %sign3A : i32
      %sign3A_16 = arith.extui %sign3A_15 : i1 to i32
      %sign3A_17 = arith.constant 0 : i32
      %sign3A_18 = arith.cmpi slt, %add3A_14, %sign3A_17 : i32
      %sign3A_19 = arith.extui %sign3A_18 : i1 to i32
      %sign3A_20 = arith.subi %sign3A_16, %sign3A_19 : i32
      %sign3A_21 = arith.constant 0 : i32
      %sign3A_22 = arith.cmpi sgt, %jit3A, %sign3A_21 : i32
      %sign3A_23 = arith.extui %sign3A_22 : i1 to i32
      %sign3A_24 = arith.constant 0 : i32
      %sign3A_25 = arith.cmpi slt, %jit3A, %sign3A_24 : i32
      %sign3A_26 = arith.extui %sign3A_25 : i1 to i32
      %sign3A_27 = arith.subi %sign3A_23, %sign3A_26 : i32
      %ne3A = arith.cmpi ne, %sign3A_20, %sign3A_27 : i32
      %rem3A = arith.remsi %add3A_14, %jit3A : i32
      %ne3A_28 = arith.constant 0 : i32
      %ne3A_29 = arith.cmpi ne, %rem3A, %ne3A_28 : i32
      %and3A = arith.andi %ne3A, %ne3A_29 : i1
      %sub3A = arith.constant 1 : i32
      %sub3A_30 = arith.subi %div3A, %sub3A : i32
      %select_n3A = arith.select %and3A, %sub3A_30, %div3A : i32
      %jit3A_31 = arith.constant 20 : i32
      %eq3A_32 = arith.constant 0 : i32
      %eq3A_33 = arith.cmpi eq, %jit3A_31, %eq3A_32 : i32
      %jit3A_34 = arith.constant 1 : i32
      %select_n3A_35 = arith.select %eq3A_33, %jit3A_34, %jit3A_31 : i32
      %rem3A_36 = arith.remsi %add3A_14, %select_n3A_35 : i32
      %ne3A_37 = arith.constant 0 : i32
      %ne3A_38 = arith.cmpi ne, %rem3A_36, %ne3A_37 : i32
      %lt3A = arith.constant 0 : i32
      %lt3A_39 = arith.cmpi slt, %rem3A_36, %lt3A : i32
      %lt3A_40 = arith.constant 0 : i32
      %lt3A_41 = arith.cmpi slt, %select_n3A_35, %lt3A_40 : i32
      %ne3A_42 = arith.xori %lt3A_39, %lt3A_41 : i1
      %and3A_43 = arith.andi %ne3A_42, %ne3A_38 : i1
      %add3A_44 = arith.addi %rem3A_36, %select_n3A_35 : i32
      %select_n3A_45 = arith.select %and3A_43, %add3A_44, %rem3A_36 : i32
      %add3A_46 = arith.constant 1 : i32
      %add3A_47 = arith.addi %select_n3A_45, %add3A_46 : i32
      "tpu.region"() ({
        %run_scoped3A = tpu.sem_alloc : memref<!tpu.dma_semaphore, #tpu.memory_space<semaphore_mem>>
        %dma_start3A = arith.constant 0 : i32
        %dma_start3A_160 = arith.constant 0 : i32
        %dma_start3A_161 = tpu.memref_slice %arg2[%select_n3A, %dma_start3A, %dma_start3A_160] : memref<4x21x1024xf32, #tpu.memory_space<hbm>> -> memref<1x21x1024xf32, #tpu.memory_space<hbm>>
        %dma_start3A_162 = tpu.memref_squeeze %dma_start3A_161 : memref<1x21x1024xf32, #tpu.memory_space<hbm>> -> memref<21x1024xf32, #tpu.memory_space<hbm>>
        %dma_start3A_163 = arith.constant 0 : i32
        %dma_start3A_164 = arith.constant 0 : i32
        %dma_start3A_165 = tpu.memref_slice %arg2[%select_n3A, %dma_start3A_163, %dma_start3A_164] : memref<4x21x1024xf32, #tpu.memory_space<hbm>> -> memref<1x21x1024xf32, #tpu.memory_space<hbm>>
        %dma_start3A_166 = tpu.memref_squeeze %dma_start3A_165 : memref<1x21x1024xf32, #tpu.memory_space<hbm>> -> memref<21x1024xf32, #tpu.memory_space<hbm>>
        tpu.enqueue_dma source(%dma_start3A_166 : memref<21x1024xf32, #tpu.memory_space<hbm>>) target(%arg6 : memref<21x1024xf32, #tpu.memory_space<vmem>>) target_semaphore(%run_scoped3A : memref<!tpu.dma_semaphore, #tpu.memory_space<semaphore_mem>>)
        %dma_wait3A = arith.constant 0 : i32
        %dma_wait3A_167 = arith.constant 0 : i32
        %dma_wait3A_168 = tpu.memref_slice %arg2[%select_n3A, %dma_wait3A, %dma_wait3A_167] : memref<4x21x1024xf32, #tpu.memory_space<hbm>> -> memref<1x21x1024xf32, #tpu.memory_space<hbm>>
        %dma_wait3A_169 = tpu.memref_squeeze %dma_wait3A_168 : memref<1x21x1024xf32, #tpu.memory_space<hbm>> -> memref<21x1024xf32, #tpu.memory_space<hbm>>
        %dma_wait3A_170 = arith.constant 0 : i32
        %dma_wait3A_171 = arith.constant 0 : i32
        %dma_wait3A_172 = tpu.memref_slice %arg2[%select_n3A, %dma_wait3A_170, %dma_wait3A_171] : memref<4x21x1024xf32, #tpu.memory_space<hbm>> -> memref<1x21x1024xf32, #tpu.memory_space<hbm>>
        %dma_wait3A_173 = tpu.memref_squeeze %dma_wait3A_172 : memref<1x21x1024xf32, #tpu.memory_space<hbm>> -> memref<21x1024xf32, #tpu.memory_space<hbm>>
        tpu.wait_dma2 semaphore(%run_scoped3A : memref<!tpu.dma_semaphore, #tpu.memory_space<semaphore_mem>>) src(%dma_wait3A_173 : memref<21x1024xf32, #tpu.memory_space<hbm>>) dst(%arg6 : memref<21x1024xf32, #tpu.memory_space<vmem>>)
        tpu.yield
      }) : () -> ()
      "tpu.region"() ({
        %run_scoped3A = tpu.sem_alloc : memref<!tpu.dma_semaphore, #tpu.memory_space<semaphore_mem>>
        %dma_start3A = arith.constant 0 : i32
        %dma_start3A_160 = tpu.memref_slice %arg2[%select_n3A, %add3A_47, %dma_start3A] : memref<4x21x1024xf32, #tpu.memory_space<hbm>> -> memref<1x1x1024xf32, #tpu.memory_space<hbm>>
        %dma_start3A_161 = tpu.memref_squeeze %dma_start3A_160 : memref<1x1x1024xf32, #tpu.memory_space<hbm>> -> memref<1x1024xf32, #tpu.memory_space<hbm>>
        %dma_start3A_162 = arith.constant 0 : i32
        %dma_start3A_163 = tpu.memref_slice %arg2[%select_n3A, %add3A_47, %dma_start3A_162] : memref<4x21x1024xf32, #tpu.memory_space<hbm>> -> memref<1x1x1024xf32, #tpu.memory_space<hbm>>
        %dma_start3A_164 = tpu.memref_squeeze %dma_start3A_163 : memref<1x1x1024xf32, #tpu.memory_space<hbm>> -> memref<1x1024xf32, #tpu.memory_space<hbm>>
        tpu.enqueue_dma source(%dma_start3A_164 : memref<1x1024xf32, #tpu.memory_space<hbm>>) target(%arg7 : memref<1x1024xf32, #tpu.memory_space<vmem>>) target_semaphore(%run_scoped3A : memref<!tpu.dma_semaphore, #tpu.memory_space<semaphore_mem>>)
        %dma_wait3A = arith.constant 0 : i32
        %dma_wait3A_165 = tpu.memref_slice %arg2[%select_n3A, %add3A_47, %dma_wait3A] : memref<4x21x1024xf32, #tpu.memory_space<hbm>> -> memref<1x1x1024xf32, #tpu.memory_space<hbm>>
        %dma_wait3A_166 = tpu.memref_squeeze %dma_wait3A_165 : memref<1x1x1024xf32, #tpu.memory_space<hbm>> -> memref<1x1024xf32, #tpu.memory_space<hbm>>
        %dma_wait3A_167 = arith.constant 0 : i32
        %dma_wait3A_168 = tpu.memref_slice %arg2[%select_n3A, %add3A_47, %dma_wait3A_167] : memref<4x21x1024xf32, #tpu.memory_space<hbm>> -> memref<1x1x1024xf32, #tpu.memory_space<hbm>>
        %dma_wait3A_169 = tpu.memref_squeeze %dma_wait3A_168 : memref<1x1x1024xf32, #tpu.memory_space<hbm>> -> memref<1x1024xf32, #tpu.memory_space<hbm>>
        tpu.wait_dma2 semaphore(%run_scoped3A : memref<!tpu.dma_semaphore, #tpu.memory_space<semaphore_mem>>) src(%dma_wait3A_169 : memref<1x1024xf32, #tpu.memory_space<hbm>>) dst(%arg7 : memref<1x1024xf32, #tpu.memory_space<vmem>>)
        tpu.yield
      }) : () -> ()
      "tpu.region"() ({
        %run_scoped3A = tpu.sem_alloc : memref<!tpu.dma_semaphore, #tpu.memory_space<semaphore_mem>>
        %dma_start3A = arith.constant 0 : i32
        %dma_start3A_160 = arith.constant 0 : i32
        %dma_start3A_161 = tpu.memref_slice %arg3[%select_n3A, %dma_start3A, %dma_start3A_160] : memref<4x4x1024xf32, #tpu.memory_space<hbm>> -> memref<1x4x1024xf32, #tpu.memory_space<hbm>>
        %dma_start3A_162 = tpu.memref_squeeze %dma_start3A_161 : memref<1x4x1024xf32, #tpu.memory_space<hbm>> -> memref<4x1024xf32, #tpu.memory_space<hbm>>
        %dma_start3A_163 = arith.constant 0 : i32
        %dma_start3A_164 = arith.constant 0 : i32
        %dma_start3A_165 = tpu.memref_slice %arg3[%select_n3A, %dma_start3A_163, %dma_start3A_164] : memref<4x4x1024xf32, #tpu.memory_space<hbm>> -> memref<1x4x1024xf32, #tpu.memory_space<hbm>>
        %dma_start3A_166 = tpu.memref_squeeze %dma_start3A_165 : memref<1x4x1024xf32, #tpu.memory_space<hbm>> -> memref<4x1024xf32, #tpu.memory_space<hbm>>
        tpu.enqueue_dma source(%dma_start3A_166 : memref<4x1024xf32, #tpu.memory_space<hbm>>) target(%arg8 : memref<4x1024xf32, #tpu.memory_space<vmem>>) target_semaphore(%run_scoped3A : memref<!tpu.dma_semaphore, #tpu.memory_space<semaphore_mem>>)
        %dma_wait3A = arith.constant 0 : i32
        %dma_wait3A_167 = arith.constant 0 : i32
        %dma_wait3A_168 = tpu.memref_slice %arg3[%select_n3A, %dma_wait3A, %dma_wait3A_167] : memref<4x4x1024xf32, #tpu.memory_space<hbm>> -> memref<1x4x1024xf32, #tpu.memory_space<hbm>>
        %dma_wait3A_169 = tpu.memref_squeeze %dma_wait3A_168 : memref<1x4x1024xf32, #tpu.memory_space<hbm>> -> memref<4x1024xf32, #tpu.memory_space<hbm>>
        %dma_wait3A_170 = arith.constant 0 : i32
        %dma_wait3A_171 = arith.constant 0 : i32
        %dma_wait3A_172 = tpu.memref_slice %arg3[%select_n3A, %dma_wait3A_170, %dma_wait3A_171] : memref<4x4x1024xf32, #tpu.memory_space<hbm>> -> memref<1x4x1024xf32, #tpu.memory_space<hbm>>
        %dma_wait3A_173 = tpu.memref_squeeze %dma_wait3A_172 : memref<1x4x1024xf32, #tpu.memory_space<hbm>> -> memref<4x1024xf32, #tpu.memory_space<hbm>>
        tpu.wait_dma2 semaphore(%run_scoped3A : memref<!tpu.dma_semaphore, #tpu.memory_space<semaphore_mem>>) src(%dma_wait3A_173 : memref<4x1024xf32, #tpu.memory_space<hbm>>) dst(%arg8 : memref<4x1024xf32, #tpu.memory_space<vmem>>)
        tpu.yield
      }) : () -> ()
      %scan3A = arith.constant 0 : i32
      %scan3A_48 = arith.constant 0 : i32
      %scan3A_49 = arith.constant 64 : i32
      %scan3A_50 = arith.addi %scan3A_48, %scan3A_49 : i32
      %scan3A_51 = arith.constant 1 : i32
      %scan3A_52 = scf.for %scan3A_160 = %scan3A_48 to %scan3A_50 step %scan3A_51 iter_args(%scan3A_161 = %scan3A) -> (i32)  : i32 {
        %mul3A_162 = arith.constant 16 : i32
        %mul3A_163 = arith.muli %scan3A_160, %mul3A_162 : i32
        %get3A = arith.constant 0 : i32
        %get3A_164 = arith.index_cast %get3A : i32 to index
        %get3A_165 = arith.index_cast %mul3A_163 : i32 to index
        %get3A_166 = tpu.vector_load %arg6[%get3A_164, %get3A_165] {strides = array<i32>} : memref<21x1024xf32, #tpu.memory_space<vmem>>, vector<16xf32>,
        %get3A_167 = arith.constant 1 : i32
        %get3A_168 = arith.index_cast %get3A_167 : i32 to index
        %get3A_169 = arith.index_cast %mul3A_163 : i32 to index
        %get3A_170 = tpu.vector_load %arg6[%get3A_168, %get3A_169] {strides = array<i32>} : memref<21x1024xf32, #tpu.memory_space<vmem>>, vector<16xf32>,
        %max3A = arith.maximumf %get3A_166, %get3A_170 : vector<16xf32>
        %get3A_171 = arith.constant 2 : i32
        %get3A_172 = arith.index_cast %get3A_171 : i32 to index
        %get3A_173 = arith.index_cast %mul3A_163 : i32 to index
        %get3A_174 = tpu.vector_load %arg6[%get3A_172, %get3A_173] {strides = array<i32>} : memref<21x1024xf32, #tpu.memory_space<vmem>>, vector<16xf32>,
        %max3A_175 = arith.maximumf %max3A, %get3A_174 : vector<16xf32>
        %get3A_176 = arith.constant 3 : i32
        %get3A_177 = arith.index_cast %get3A_176 : i32 to index
        %get3A_178 = arith.index_cast %mul3A_163 : i32 to index
        %get3A_179 = tpu.vector_load %arg6[%get3A_177, %get3A_178] {strides = array<i32>} : memref<21x1024xf32, #tpu.memory_space<vmem>>, vector<16xf32>,
        %max3A_180 = arith.maximumf %max3A_175, %get3A_179 : vector<16xf32>
        %get3A_181 = arith.constant 4 : i32
        %get3A_182 = arith.index_cast %get3A_181 : i32 to index
        %get3A_183 = arith.index_cast %mul3A_163 : i32 to index
        %get3A_184 = tpu.vector_load %arg6[%get3A_182, %get3A_183] {strides = array<i32>} : memref<21x1024xf32, #tpu.memory_space<vmem>>, vector<16xf32>,
        %max3A_185 = arith.maximumf %max3A_180, %get3A_184 : vector<16xf32>
        %get3A_186 = arith.constant 5 : i32
        %get3A_187 = arith.index_cast %get3A_186 : i32 to index
        %get3A_188 = arith.index_cast %mul3A_163 : i32 to index
        %get3A_189 = tpu.vector_load %arg6[%get3A_187, %get3A_188] {strides = array<i32>} : memref<21x1024xf32, #tpu.memory_space<vmem>>, vector<16xf32>,
        %max3A_190 = arith.maximumf %max3A_185, %get3A_189 : vector<16xf32>
        %get3A_191 = arith.constant 6 : i32
        %get3A_192 = arith.index_cast %get3A_191 : i32 to index
        %get3A_193 = arith.index_cast %mul3A_163 : i32 to index
        %get3A_194 = tpu.vector_load %arg6[%get3A_192, %get3A_193] {strides = array<i32>} : memref<21x1024xf32, #tpu.memory_space<vmem>>, vector<16xf32>,
        %max3A_195 = arith.maximumf %max3A_190, %get3A_194 : vector<16xf32>
        %get3A_196 = arith.constant 7 : i32
        %get3A_197 = arith.index_cast %get3A_196 : i32 to index
        %get3A_198 = arith.index_cast %mul3A_163 : i32 to index
        %get3A_199 = tpu.vector_load %arg6[%get3A_197, %get3A_198] {strides = array<i32>} : memref<21x1024xf32, #tpu.memory_space<vmem>>, vector<16xf32>,
        %max3A_200 = arith.maximumf %max3A_195, %get3A_199 : vector<16xf32>
        %get3A_201 = arith.constant 8 : i32
        %get3A_202 = arith.index_cast %get3A_201 : i32 to index
        %get3A_203 = arith.index_cast %mul3A_163 : i32 to index
        %get3A_204 = tpu.vector_load %arg6[%get3A_202, %get3A_203] {strides = array<i32>} : memref<21x1024xf32, #tpu.memory_space<vmem>>, vector<16xf32>,
        %max3A_205 = arith.maximumf %max3A_200, %get3A_204 : vector<16xf32>
        %get3A_206 = arith.constant 9 : i32
        %get3A_207 = arith.index_cast %get3A_206 : i32 to index
        %get3A_208 = arith.index_cast %mul3A_163 : i32 to index
        %get3A_209 = tpu.vector_load %arg6[%get3A_207, %get3A_208] {strides = array<i32>} : memref<21x1024xf32, #tpu.memory_space<vmem>>, vector<16xf32>,
        %max3A_210 = arith.maximumf %max3A_205, %get3A_209 : vector<16xf32>
        %get3A_211 = arith.constant 10 : i32
        %get3A_212 = arith.index_cast %get3A_211 : i32 to index
        %get3A_213 = arith.index_cast %mul3A_163 : i32 to index
        %get3A_214 = tpu.vector_load %arg6[%get3A_212, %get3A_213] {strides = array<i32>} : memref<21x1024xf32, #tpu.memory_space<vmem>>, vector<16xf32>,
        %max3A_215 = arith.maximumf %max3A_210, %get3A_214 : vector<16xf32>
        %get3A_216 = arith.constant 11 : i32
        %get3A_217 = arith.index_cast %get3A_216 : i32 to index
        %get3A_218 = arith.index_cast %mul3A_163 : i32 to index
        %get3A_219 = tpu.vector_load %arg6[%get3A_217, %get3A_218] {strides = array<i32>} : memref<21x1024xf32, #tpu.memory_space<vmem>>, vector<16xf32>,
        %max3A_220 = arith.maximumf %max3A_215, %get3A_219 : vector<16xf32>
        %get3A_221 = arith.constant 12 : i32
        %get3A_222 = arith.index_cast %get3A_221 : i32 to index
        %get3A_223 = arith.index_cast %mul3A_163 : i32 to index
        %get3A_224 = tpu.vector_load %arg6[%get3A_222, %get3A_223] {strides = array<i32>} : memref<21x1024xf32, #tpu.memory_space<vmem>>, vector<16xf32>,
        %max3A_225 = arith.maximumf %max3A_220, %get3A_224 : vector<16xf32>
        %get3A_226 = arith.constant 13 : i32
        %get3A_227 = arith.index_cast %get3A_226 : i32 to index
        %get3A_228 = arith.index_cast %mul3A_163 : i32 to index
        %get3A_229 = tpu.vector_load %arg6[%get3A_227, %get3A_228] {strides = array<i32>} : memref<21x1024xf32, #tpu.memory_space<vmem>>, vector<16xf32>,
        %max3A_230 = arith.maximumf %max3A_225, %get3A_229 : vector<16xf32>
        %get3A_231 = arith.constant 14 : i32
        %get3A_232 = arith.index_cast %get3A_231 : i32 to index
        %get3A_233 = arith.index_cast %mul3A_163 : i32 to index
        %get3A_234 = tpu.vector_load %arg6[%get3A_232, %get3A_233] {strides = array<i32>} : memref<21x1024xf32, #tpu.memory_space<vmem>>, vector<16xf32>,
        %max3A_235 = arith.maximumf %max3A_230, %get3A_234 : vector<16xf32>
        %get3A_236 = arith.constant 15 : i32
        %get3A_237 = arith.index_cast %get3A_236 : i32 to index
        %get3A_238 = arith.index_cast %mul3A_163 : i32 to index
        %get3A_239 = tpu.vector_load %arg6[%get3A_237, %get3A_238] {strides = array<i32>} : memref<21x1024xf32, #tpu.memory_space<vmem>>, vector<16xf32>,
        %max3A_240 = arith.maximumf %max3A_235, %get3A_239 : vector<16xf32>
        %get3A_241 = arith.constant 16 : i32
        %get3A_242 = arith.index_cast %get3A_241 : i32 to index
        %get3A_243 = arith.index_cast %mul3A_163 : i32 to index
        %get3A_244 = tpu.vector_load %arg6[%get3A_242, %get3A_243] {strides = array<i32>} : memref<21x1024xf32, #tpu.memory_space<vmem>>, vector<16xf32>,
        %max3A_245 = arith.maximumf %max3A_240, %get3A_244 : vector<16xf32>
        %get3A_246 = arith.constant 17 : i32
        %get3A_247 = arith.index_cast %get3A_246 : i32 to index
        %get3A_248 = arith.index_cast %mul3A_163 : i32 to index
        %get3A_249 = tpu.vector_load %arg6[%get3A_247, %get3A_248] {strides = array<i32>} : memref<21x1024xf32, #tpu.memory_space<vmem>>, vector<16xf32>,
        %max3A_250 = arith.maximumf %max3A_245, %get3A_249 : vector<16xf32>
        %get3A_251 = arith.constant 18 : i32
        %get3A_252 = arith.index_cast %get3A_251 : i32 to index
        %get3A_253 = arith.index_cast %mul3A_163 : i32 to index
        %get3A_254 = tpu.vector_load %arg6[%get3A_252, %get3A_253] {strides = array<i32>} : memref<21x1024xf32, #tpu.memory_space<vmem>>, vector<16xf32>,
        %max3A_255 = arith.maximumf %max3A_250, %get3A_254 : vector<16xf32>
        %get3A_256 = arith.constant 19 : i32
        %get3A_257 = arith.index_cast %get3A_256 : i32 to index
        %get3A_258 = arith.index_cast %mul3A_163 : i32 to index
        %get3A_259 = tpu.vector_load %arg6[%get3A_257, %get3A_258] {strides = array<i32>} : memref<21x1024xf32, #tpu.memory_space<vmem>>, vector<16xf32>,
        %max3A_260 = arith.maximumf %max3A_255, %get3A_259 : vector<16xf32>
        %get3A_261 = arith.constant 20 : i32
        %get3A_262 = arith.index_cast %get3A_261 : i32 to index
        %get3A_263 = arith.index_cast %mul3A_163 : i32 to index
        %get3A_264 = tpu.vector_load %arg6[%get3A_262, %get3A_263] {strides = array<i32>} : memref<21x1024xf32, #tpu.memory_space<vmem>>, vector<16xf32>,
        %max3A_265 = arith.maximumf %max3A_260, %get3A_264 : vector<16xf32>
        %get3A_266 = arith.constant 0 : i32
        %get3A_267 = arith.index_cast %get3A_266 : i32 to index
        %get3A_268 = arith.index_cast %mul3A_163 : i32 to index
        %get3A_269 = tpu.vector_load %arg6[%get3A_267, %get3A_268] {strides = array<i32>} : memref<21x1024xf32, #tpu.memory_space<vmem>>, vector<16xf32>,
        %sub3A_270 = arith.subf %get3A_269, %max3A_265 : vector<16xf32>
        %exp3A = math.exp %sub3A_270 : vector<16xf32>
        %get3A_271 = arith.constant 1 : i32
        %get3A_272 = arith.index_cast %get3A_271 : i32 to index
        %get3A_273 = arith.index_cast %mul3A_163 : i32 to index
        %get3A_274 = tpu.vector_load %arg6[%get3A_272, %get3A_273] {strides = array<i32>} : memref<21x1024xf32, #tpu.memory_space<vmem>>, vector<16xf32>,
        %sub3A_275 = arith.subf %get3A_274, %max3A_265 : vector<16xf32>
        %exp3A_276 = math.exp %sub3A_275 : vector<16xf32>
        %add3A_277 = arith.addf %exp3A, %exp3A_276 : vector<16xf32>
        %get3A_278 = arith.constant 2 : i32
        %get3A_279 = arith.index_cast %get3A_278 : i32 to index
        %get3A_280 = arith.index_cast %mul3A_163 : i32 to index
        %get3A_281 = tpu.vector_load %arg6[%get3A_279, %get3A_280] {strides = array<i32>} : memref<21x1024xf32, #tpu.memory_space<vmem>>, vector<16xf32>,
        %sub3A_282 = arith.subf %get3A_281, %max3A_265 : vector<16xf32>
        %exp3A_283 = math.exp %sub3A_282 : vector<16xf32>
        %add3A_284 = arith.addf %add3A_277, %exp3A_283 : vector<16xf32>
        %get3A_285 = arith.constant 3 : i32
        %get3A_286 = arith.index_cast %get3A_285 : i32 to index
        %get3A_287 = arith.index_cast %mul3A_163 : i32 to index
        %get3A_288 = tpu.vector_load %arg6[%get3A_286, %get3A_287] {strides = array<i32>} : memref<21x1024xf32, #tpu.memory_space<vmem>>, vector<16xf32>,
        %sub3A_289 = arith.subf %get3A_288, %max3A_265 : vector<16xf32>
        %exp3A_290 = math.exp %sub3A_289 : vector<16xf32>
        %add3A_291 = arith.addf %add3A_284, %exp3A_290 : vector<16xf32>
        %get3A_292 = arith.constant 4 : i32
        %get3A_293 = arith.index_cast %get3A_292 : i32 to index
        %get3A_294 = arith.index_cast %mul3A_163 : i32 to index
        %get3A_295 = tpu.vector_load %arg6[%get3A_293, %get3A_294] {strides = array<i32>} : memref<21x1024xf32, #tpu.memory_space<vmem>>, vector<16xf32>,
        %sub3A_296 = arith.subf %get3A_295, %max3A_265 : vector<16xf32>
        %exp3A_297 = math.exp %sub3A_296 : vector<16xf32>
        %add3A_298 = arith.addf %add3A_291, %exp3A_297 : vector<16xf32>
        %get3A_299 = arith.constant 5 : i32
        %get3A_300 = arith.index_cast %get3A_299 : i32 to index
        %get3A_301 = arith.index_cast %mul3A_163 : i32 to index
        %get3A_302 = tpu.vector_load %arg6[%get3A_300, %get3A_301] {strides = array<i32>} : memref<21x1024xf32, #tpu.memory_space<vmem>>, vector<16xf32>,
        %sub3A_303 = arith.subf %get3A_302, %max3A_265 : vector<16xf32>
        %exp3A_304 = math.exp %sub3A_303 : vector<16xf32>
        %add3A_305 = arith.addf %add3A_298, %exp3A_304 : vector<16xf32>
        %get3A_306 = arith.constant 6 : i32
        %get3A_307 = arith.index_cast %get3A_306 : i32 to index
        %get3A_308 = arith.index_cast %mul3A_163 : i32 to index
        %get3A_309 = tpu.vector_load %arg6[%get3A_307, %get3A_308] {strides = array<i32>} : memref<21x1024xf32, #tpu.memory_space<vmem>>, vector<16xf32>,
        %sub3A_310 = arith.subf %get3A_309, %max3A_265 : vector<16xf32>
        %exp3A_311 = math.exp %sub3A_310 : vector<16xf32>
        %add3A_312 = arith.addf %add3A_305, %exp3A_311 : vector<16xf32>
        %get3A_313 = arith.constant 7 : i32
        %get3A_314 = arith.index_cast %get3A_313 : i32 to index
        %get3A_315 = arith.index_cast %mul3A_163 : i32 to index
        %get3A_316 = tpu.vector_load %arg6[%get3A_314, %get3A_315] {strides = array<i32>} : memref<21x1024xf32, #tpu.memory_space<vmem>>, vector<16xf32>,
        %sub3A_317 = arith.subf %get3A_316, %max3A_265 : vector<16xf32>
        %exp3A_318 = math.exp %sub3A_317 : vector<16xf32>
        %add3A_319 = arith.addf %add3A_312, %exp3A_318 : vector<16xf32>
        %get3A_320 = arith.constant 8 : i32
        %get3A_321 = arith.index_cast %get3A_320 : i32 to index
        %get3A_322 = arith.index_cast %mul3A_163 : i32 to index
        %get3A_323 = tpu.vector_load %arg6[%get3A_321, %get3A_322] {strides = array<i32>} : memref<21x1024xf32, #tpu.memory_space<vmem>>, vector<16xf32>,
        %sub3A_324 = arith.subf %get3A_323, %max3A_265 : vector<16xf32>
        %exp3A_325 = math.exp %sub3A_324 : vector<16xf32>
        %add3A_326 = arith.addf %add3A_319, %exp3A_325 : vector<16xf32>
        %get3A_327 = arith.constant 9 : i32
        %get3A_328 = arith.index_cast %get3A_327 : i32 to index
        %get3A_329 = arith.index_cast %mul3A_163 : i32 to index
        %get3A_330 = tpu.vector_load %arg6[%get3A_328, %get3A_329] {strides = array<i32>} : memref<21x1024xf32, #tpu.memory_space<vmem>>, vector<16xf32>,
        %sub3A_331 = arith.subf %get3A_330, %max3A_265 : vector<16xf32>
        %exp3A_332 = math.exp %sub3A_331 : vector<16xf32>
        %add3A_333 = arith.addf %add3A_326, %exp3A_332 : vector<16xf32>
        %get3A_334 = arith.constant 10 : i32
        %get3A_335 = arith.index_cast %get3A_334 : i32 to index
        %get3A_336 = arith.index_cast %mul3A_163 : i32 to index
        %get3A_337 = tpu.vector_load %arg6[%get3A_335, %get3A_336] {strides = array<i32>} : memref<21x1024xf32, #tpu.memory_space<vmem>>, vector<16xf32>,
        %sub3A_338 = arith.subf %get3A_337, %max3A_265 : vector<16xf32>
        %exp3A_339 = math.exp %sub3A_338 : vector<16xf32>
        %add3A_340 = arith.addf %add3A_333, %exp3A_339 : vector<16xf32>
        %get3A_341 = arith.constant 11 : i32
        %get3A_342 = arith.index_cast %get3A_341 : i32 to index
        %get3A_343 = arith.index_cast %mul3A_163 : i32 to index
        %get3A_344 = tpu.vector_load %arg6[%get3A_342, %get3A_343] {strides = array<i32>} : memref<21x1024xf32, #tpu.memory_space<vmem>>, vector<16xf32>,
        %sub3A_345 = arith.subf %get3A_344, %max3A_265 : vector<16xf32>
        %exp3A_346 = math.exp %sub3A_345 : vector<16xf32>
        %add3A_347 = arith.addf %add3A_340, %exp3A_346 : vector<16xf32>
        %get3A_348 = arith.constant 12 : i32
        %get3A_349 = arith.index_cast %get3A_348 : i32 to index
        %get3A_350 = arith.index_cast %mul3A_163 : i32 to index
        %get3A_351 = tpu.vector_load %arg6[%get3A_349, %get3A_350] {strides = array<i32>} : memref<21x1024xf32, #tpu.memory_space<vmem>>, vector<16xf32>,
        %sub3A_352 = arith.subf %get3A_351, %max3A_265 : vector<16xf32>
        %exp3A_353 = math.exp %sub3A_352 : vector<16xf32>
        %add3A_354 = arith.addf %add3A_347, %exp3A_353 : vector<16xf32>
        %get3A_355 = arith.constant 13 : i32
        %get3A_356 = arith.index_cast %get3A_355 : i32 to index
        %get3A_357 = arith.index_cast %mul3A_163 : i32 to index
        %get3A_358 = tpu.vector_load %arg6[%get3A_356, %get3A_357] {strides = array<i32>} : memref<21x1024xf32, #tpu.memory_space<vmem>>, vector<16xf32>,
        %sub3A_359 = arith.subf %get3A_358, %max3A_265 : vector<16xf32>
        %exp3A_360 = math.exp %sub3A_359 : vector<16xf32>
        %add3A_361 = arith.addf %add3A_354, %exp3A_360 : vector<16xf32>
        %get3A_362 = arith.constant 14 : i32
        %get3A_363 = arith.index_cast %get3A_362 : i32 to index
        %get3A_364 = arith.index_cast %mul3A_163 : i32 to index
        %get3A_365 = tpu.vector_load %arg6[%get3A_363, %get3A_364] {strides = array<i32>} : memref<21x1024xf32, #tpu.memory_space<vmem>>, vector<16xf32>,
        %sub3A_366 = arith.subf %get3A_365, %max3A_265 : vector<16xf32>
        %exp3A_367 = math.exp %sub3A_366 : vector<16xf32>
        %add3A_368 = arith.addf %add3A_361, %exp3A_367 : vector<16xf32>
        %get3A_369 = arith.constant 15 : i32
        %get3A_370 = arith.index_cast %get3A_369 : i32 to index
        %get3A_371 = arith.index_cast %mul3A_163 : i32 to index
        %get3A_372 = tpu.vector_load %arg6[%get3A_370, %get3A_371] {strides = array<i32>} : memref<21x1024xf32, #tpu.memory_space<vmem>>, vector<16xf32>,
        %sub3A_373 = arith.subf %get3A_372, %max3A_265 : vector<16xf32>
        %exp3A_374 = math.exp %sub3A_373 : vector<16xf32>
        %add3A_375 = arith.addf %add3A_368, %exp3A_374 : vector<16xf32>
        %get3A_376 = arith.constant 16 : i32
        %get3A_377 = arith.index_cast %get3A_376 : i32 to index
        %get3A_378 = arith.index_cast %mul3A_163 : i32 to index
        %get3A_379 = tpu.vector_load %arg6[%get3A_377, %get3A_378] {strides = array<i32>} : memref<21x1024xf32, #tpu.memory_space<vmem>>, vector<16xf32>,
        %sub3A_380 = arith.subf %get3A_379, %max3A_265 : vector<16xf32>
        %exp3A_381 = math.exp %sub3A_380 : vector<16xf32>
        %add3A_382 = arith.addf %add3A_375, %exp3A_381 : vector<16xf32>
        %get3A_383 = arith.constant 17 : i32
        %get3A_384 = arith.index_cast %get3A_383 : i32 to index
        %get3A_385 = arith.index_cast %mul3A_163 : i32 to index
        %get3A_386 = tpu.vector_load %arg6[%get3A_384, %get3A_385] {strides = array<i32>} : memref<21x1024xf32, #tpu.memory_space<vmem>>, vector<16xf32>,
        %sub3A_387 = arith.subf %get3A_386, %max3A_265 : vector<16xf32>
        %exp3A_388 = math.exp %sub3A_387 : vector<16xf32>
        %add3A_389 = arith.addf %add3A_382, %exp3A_388 : vector<16xf32>
        %get3A_390 = arith.constant 18 : i32
        %get3A_391 = arith.index_cast %get3A_390 : i32 to index
        %get3A_392 = arith.index_cast %mul3A_163 : i32 to index
        %get3A_393 = tpu.vector_load %arg6[%get3A_391, %get3A_392] {strides = array<i32>} : memref<21x1024xf32, #tpu.memory_space<vmem>>, vector<16xf32>,
        %sub3A_394 = arith.subf %get3A_393, %max3A_265 : vector<16xf32>
        %exp3A_395 = math.exp %sub3A_394 : vector<16xf32>
        %add3A_396 = arith.addf %add3A_389, %exp3A_395 : vector<16xf32>
        %get3A_397 = arith.constant 19 : i32
        %get3A_398 = arith.index_cast %get3A_397 : i32 to index
        %get3A_399 = arith.index_cast %mul3A_163 : i32 to index
        %get3A_400 = tpu.vector_load %arg6[%get3A_398, %get3A_399] {strides = array<i32>} : memref<21x1024xf32, #tpu.memory_space<vmem>>, vector<16xf32>,
        %sub3A_401 = arith.subf %get3A_400, %max3A_265 : vector<16xf32>
        %exp3A_402 = math.exp %sub3A_401 : vector<16xf32>
        %add3A_403 = arith.addf %add3A_396, %exp3A_402 : vector<16xf32>
        %get3A_404 = arith.constant 20 : i32
        %get3A_405 = arith.index_cast %get3A_404 : i32 to index
        %get3A_406 = arith.index_cast %mul3A_163 : i32 to index
        %get3A_407 = tpu.vector_load %arg6[%get3A_405, %get3A_406] {strides = array<i32>} : memref<21x1024xf32, #tpu.memory_space<vmem>>, vector<16xf32>,
        %sub3A_408 = arith.subf %get3A_407, %max3A_265 : vector<16xf32>
        %exp3A_409 = math.exp %sub3A_408 : vector<16xf32>
        %add3A_410 = arith.addf %add3A_403, %exp3A_409 : vector<16xf32>
        %get3A_411 = arith.constant 0 : i32
        %get3A_412 = arith.index_cast %get3A_411 : i32 to index
        %get3A_413 = arith.index_cast %mul3A_163 : i32 to index
        %get3A_414 = tpu.vector_load %arg7[%get3A_412, %get3A_413] {strides = array<i32>} : memref<1x1024xf32, #tpu.memory_space<vmem>>, vector<16xf32>,
        %sub3A_415 = arith.subf %get3A_414, %max3A_265 : vector<16xf32>
        %exp3A_416 = math.exp %sub3A_415 : vector<16xf32>
        %div3A_417 = arith.divf %exp3A_416, %add3A_410 : vector<16xf32>
        %get3A_418 = arith.constant 0 : i32
        %get3A_419 = arith.index_cast %get3A_418 : i32 to index
        %get3A_420 = arith.index_cast %mul3A_163 : i32 to index
        %get3A_421 = tpu.vector_load %arg9[%get3A_419, %get3A_420] {strides = array<i32>} : memref<4x1024xf32, #tpu.memory_space<vmem>>, vector<16xf32>,
        %get3A_422 = arith.constant 1 : i32
        %get3A_423 = arith.index_cast %get3A_422 : i32 to index
        %get3A_424 = arith.index_cast %mul3A_163 : i32 to index
        %get3A_425 = tpu.vector_load %arg9[%get3A_423, %get3A_424] {strides = array<i32>} : memref<4x1024xf32, #tpu.memory_space<vmem>>, vector<16xf32>,
        %get3A_426 = arith.constant 2 : i32
        %get3A_427 = arith.index_cast %get3A_426 : i32 to index
        %get3A_428 = arith.index_cast %mul3A_163 : i32 to index
        %get3A_429 = tpu.vector_load %arg9[%get3A_427, %get3A_428] {strides = array<i32>} : memref<4x1024xf32, #tpu.memory_space<vmem>>, vector<16xf32>,
        %get3A_430 = arith.constant 3 : i32
        %get3A_431 = arith.index_cast %get3A_430 : i32 to index
        %get3A_432 = arith.index_cast %mul3A_163 : i32 to index
        %get3A_433 = tpu.vector_load %arg9[%get3A_431, %get3A_432] {strides = array<i32>} : memref<4x1024xf32, #tpu.memory_space<vmem>>, vector<16xf32>,
        %get3A_434 = arith.constant 0 : i32
        %get3A_435 = arith.index_cast %get3A_434 : i32 to index
        %get3A_436 = arith.index_cast %mul3A_163 : i32 to index
        %get3A_437 = tpu.vector_load %arg8[%get3A_435, %get3A_436] {strides = array<i32>} : memref<4x1024xf32, #tpu.memory_space<vmem>>, vector<16xf32>,
        %mul3A_438 = arith.constant 1.000000e-01 : f32
        %mul3A_439 = vector.broadcast %mul3A_438 : f32 to vector<16xf32>
        %mul3A_440 = arith.mulf %get3A_437, %mul3A_439 : vector<16xf32>
        %mul3A_441 = arith.mulf %mul3A_440, %get3A_429 : vector<16xf32>
        %add3A_442 = arith.addf %get3A_421, %mul3A_441 : vector<16xf32>
        %get3A_443 = arith.constant 1 : i32
        %get3A_444 = arith.index_cast %get3A_443 : i32 to index
        %get3A_445 = arith.index_cast %mul3A_163 : i32 to index
        %get3A_446 = tpu.vector_load %arg8[%get3A_444, %get3A_445] {strides = array<i32>} : memref<4x1024xf32, #tpu.memory_space<vmem>>, vector<16xf32>,
        %mul3A_447 = arith.constant 1.000000e-01 : f32
        %mul3A_448 = vector.broadcast %mul3A_447 : f32 to vector<16xf32>
        %mul3A_449 = arith.mulf %get3A_446, %mul3A_448 : vector<16xf32>
        %mul3A_450 = arith.mulf %mul3A_449, %get3A_433 : vector<16xf32>
        %add3A_451 = arith.addf %get3A_425, %mul3A_450 : vector<16xf32>
        %get3A_452 = arith.constant 2 : i32
        %get3A_453 = arith.index_cast %get3A_452 : i32 to index
        %get3A_454 = arith.index_cast %mul3A_163 : i32 to index
        %get3A_455 = tpu.vector_load %arg8[%get3A_453, %get3A_454] {strides = array<i32>} : memref<4x1024xf32, #tpu.memory_space<vmem>>, vector<16xf32>,
        %mul3A_456 = arith.constant 2.000000e-01 : f32
        %mul3A_457 = vector.broadcast %mul3A_456 : f32 to vector<16xf32>
        %mul3A_458 = arith.mulf %get3A_455, %mul3A_457 : vector<16xf32>
        %exp3A_459 = math.exp %mul3A_458 : vector<16xf32>
        %mul3A_460 = arith.mulf %get3A_429, %exp3A_459 : vector<16xf32>
        %get3A_461 = arith.constant 3 : i32
        %get3A_462 = arith.index_cast %get3A_461 : i32 to index
        %get3A_463 = arith.index_cast %mul3A_163 : i32 to index
        %get3A_464 = tpu.vector_load %arg8[%get3A_462, %get3A_463] {strides = array<i32>} : memref<4x1024xf32, #tpu.memory_space<vmem>>, vector<16xf32>,
        %mul3A_465 = arith.constant 2.000000e-01 : f32
        %mul3A_466 = vector.broadcast %mul3A_465 : f32 to vector<16xf32>
        %mul3A_467 = arith.mulf %get3A_464, %mul3A_466 : vector<16xf32>
        %exp3A_468 = math.exp %mul3A_467 : vector<16xf32>
        %mul3A_469 = arith.mulf %get3A_433, %exp3A_468 : vector<16xf32>
        %div3A_470 = arith.constant 2.000000e+00 : f32
        %div3A_471 = vector.broadcast %div3A_470 : f32 to vector<16xf32>
        %div3A_472 = arith.divf %mul3A_460, %div3A_471 : vector<16xf32>
        %sub3A_473 = arith.subf %add3A_442, %div3A_472 : vector<16xf32>
        %div3A_474 = arith.constant 2.000000e+00 : f32
        %div3A_475 = vector.broadcast %div3A_474 : f32 to vector<16xf32>
        %div3A_476 = arith.divf %mul3A_469, %div3A_475 : vector<16xf32>
        %sub3A_477 = arith.subf %add3A_451, %div3A_476 : vector<16xf32>
        %div3A_478 = arith.constant 2.000000e+00 : f32
        %div3A_479 = vector.broadcast %div3A_478 : f32 to vector<16xf32>
        %div3A_480 = arith.divf %mul3A_460, %div3A_479 : vector<16xf32>
        %add3A_481 = arith.addf %add3A_442, %div3A_480 : vector<16xf32>
        %div3A_482 = arith.constant 2.000000e+00 : f32
        %div3A_483 = vector.broadcast %div3A_482 : f32 to vector<16xf32>
        %div3A_484 = arith.divf %mul3A_469, %div3A_483 : vector<16xf32>
        %add3A_485 = arith.addf %add3A_451, %div3A_484 : vector<16xf32>
        %sub3A_486 = arith.subf %add3A_481, %sub3A_473 : vector<16xf32>
        %sub3A_487 = arith.subf %add3A_485, %sub3A_477 : vector<16xf32>
        %mul3A_488 = arith.mulf %sub3A_486, %sub3A_487 : vector<16xf32>
        %ge3A = arith.constant 5.000000e-02 : f32
        %ge3A_489 = vector.broadcast %ge3A : f32 to vector<16xf32>
        %ge3A_490 = arith.cmpf oge, %div3A_417, %ge3A_489 : vector<16xf32>
        %convert_element_type3A_491 = arith.extui %ge3A_490 : vector<16xi1> to vector<16xi32>
        %cumsum3A = arith.constant true
        %cumsum3A_492 = vector.broadcast %cumsum3A : i1 to vector<16xi1>
        %cumsum3A_493 = tpu.scan <sum>, %convert_element_type3A_491 masked %cumsum3A_492 : vector<16xi32>, vector<16xi1> -> vector<16xi32>
        %add3A_494 = vector.broadcast %scan3A_161 : i32 to vector<16xi32>
        %add3A_495 = arith.addi %add3A_494, %cumsum3A_493 : vector<16xi32>
        %sub3A_496 = arith.constant 1 : i32
        %sub3A_497 = vector.broadcast %sub3A_496 : i32 to vector<16xi32>
        %sub3A_498 = arith.subi %add3A_495, %sub3A_497 : vector<16xi32>
        %jit3A_499 = arith.constant 1087 : i32
        %broadcast_in_dim3A_500 = vector.broadcast %jit3A_499 : i32 to vector<16xi32>
        %select_n3A_501 = arith.select %ge3A_490, %sub3A_498, %broadcast_in_dim3A_500 : vector<16xi1>, vector<16xi32>
        tpu.vector_store_idx %arg10[%select_n3A_501], %sub3A_473 : memref<1088xf32, #tpu.memory_space<vmem>>[vector<16xi32>], vector<16xf32>,
        tpu.vector_store_idx %arg11[%select_n3A_501], %sub3A_477 : memref<1088xf32, #tpu.memory_space<vmem>>[vector<16xi32>], vector<16xf32>,
        tpu.vector_store_idx %arg12[%select_n3A_501], %add3A_481 : memref<1088xf32, #tpu.memory_space<vmem>>[vector<16xi32>], vector<16xf32>,
        tpu.vector_store_idx %arg13[%select_n3A_501], %add3A_485 : memref<1088xf32, #tpu.memory_space<vmem>>[vector<16xi32>], vector<16xf32>,
        tpu.vector_store_idx %arg14[%select_n3A_501], %mul3A_488 : memref<1088xf32, #tpu.memory_space<vmem>>[vector<16xi32>], vector<16xf32>,
        tpu.vector_store_idx %arg15[%select_n3A_501], %div3A_417 : memref<1088xf32, #tpu.memory_space<vmem>>[vector<16xi32>], vector<16xf32>,
        tpu.vector_store_idx %arg16[%select_n3A_501], %div3A_417 : memref<1088xf32, #tpu.memory_space<vmem>>[vector<16xi32>], vector<16xf32>,
        %mul3A_502 = arith.constant 16 : i32
        %mul3A_503 = arith.muli %scan3A_160, %mul3A_502 : i32
        %add3A_504 = vector.broadcast %mul3A_503 : i32 to vector<16xi32>
        %add3A_505 = arith.addi %iota3A, %add3A_504 : vector<16xi32>
        tpu.vector_store_idx %arg17[%select_n3A_501], %add3A_505 : memref<1088xi32, #tpu.memory_space<vmem>>[vector<16xi32>], vector<16xi32>,
        %mul3A_506 = arith.constant 16 : i32
        %mul3A_507 = arith.muli %scan3A_160, %mul3A_506 : i32
        %add3A_508 = vector.broadcast %mul3A_507 : i32 to vector<16xi32>
        %add3A_509 = arith.addi %iota3A, %add3A_508 : vector<16xi32>
        tpu.vector_store_idx %arg18[%select_n3A_501], %add3A_509 : memref<1088xi32, #tpu.memory_space<vmem>>[vector<16xi32>], vector<16xi32>,
        %broadcast_in_dim3A_510 = arith.constant 0.000000e+00 : f32
        %broadcast_in_dim3A_511 = vector.broadcast %broadcast_in_dim3A_510 : f32 to vector<16xf32>
        %swap3A_512 = arith.constant 0 : i32
        %swap3A_513 = arith.index_cast %swap3A_512 : i32 to index
        %swap3A_514 = arith.index_cast %mul3A_163 : i32 to index
        %swap3A_515 = tpu.vector_load %arg19[%swap3A_513, %swap3A_514] {strides = array<i32>} : memref<1x1024xf32, #tpu.memory_space<vmem>>, vector<16xf32>,
        tpu.vector_store %arg19[%swap3A_513, %swap3A_514], %broadcast_in_dim3A_511 {strides = array<i32>} : memref<1x1024xf32, #tpu.memory_space<vmem>>, vector<16xf32>,
        %swap3A_516 = arith.constant 0 : i32
        %swap3A_517 = arith.index_cast %swap3A_516 : i32 to index
        %swap3A_518 = arith.index_cast %mul3A_163 : i32 to index
        %swap3A_519 = tpu.vector_load %arg20[%swap3A_517, %swap3A_518] {strides = array<i32>} : memref<1x1024xf32, #tpu.memory_space<vmem>>, vector<16xf32>,
        tpu.vector_store %arg20[%swap3A_517, %swap3A_518], %broadcast_in_dim3A_511 {strides = array<i32>} : memref<1x1024xf32, #tpu.memory_space<vmem>>, vector<16xf32>,
        %swap3A_520 = arith.constant 0 : i32
        %swap3A_521 = arith.index_cast %swap3A_520 : i32 to index
        %swap3A_522 = arith.index_cast %mul3A_163 : i32 to index
        %swap3A_523 = tpu.vector_load %arg21[%swap3A_521, %swap3A_522] {strides = array<i32>} : memref<1x1024xf32, #tpu.memory_space<vmem>>, vector<16xf32>,
        tpu.vector_store %arg21[%swap3A_521, %swap3A_522], %broadcast_in_dim3A_511 {strides = array<i32>} : memref<1x1024xf32, #tpu.memory_space<vmem>>, vector<16xf32>,
        %swap3A_524 = arith.constant 0 : i32
        %swap3A_525 = arith.index_cast %swap3A_524 : i32 to index
        %swap3A_526 = arith.index_cast %mul3A_163 : i32 to index
        %swap3A_527 = tpu.vector_load %arg22[%swap3A_525, %swap3A_526] {strides = array<i32>} : memref<1x1024xf32, #tpu.memory_space<vmem>>, vector<16xf32>,
        tpu.vector_store %arg22[%swap3A_525, %swap3A_526], %broadcast_in_dim3A_511 {strides = array<i32>} : memref<1x1024xf32, #tpu.memory_space<vmem>>, vector<16xf32>,
        %swap3A_528 = arith.constant 0 : i32
        %swap3A_529 = arith.index_cast %swap3A_528 : i32 to index
        %swap3A_530 = arith.index_cast %mul3A_163 : i32 to index
        %swap3A_531 = tpu.vector_load %arg23[%swap3A_529, %swap3A_530] {strides = array<i32>} : memref<1x1024xf32, #tpu.memory_space<vmem>>, vector<16xf32>,
        tpu.vector_store %arg23[%swap3A_529, %swap3A_530], %broadcast_in_dim3A_511 {strides = array<i32>} : memref<1x1024xf32, #tpu.memory_space<vmem>>, vector<16xf32>,
        %reduce_max3A_532 = arith.constant true
        %reduce_max3A_533 = vector.broadcast %reduce_max3A_532 : i1 to vector<16xi1>
        %reduce_max3A_534 = arith.constant -2147483648 : i32
        %reduce_max3A_535 = vector.broadcast %reduce_max3A_534 : i32 to vector<16xi32>
        %reduce_max3A_536 = arith.xori %cumsum3A_493, %reduce_max3A_535 : vector<16xi32>
        %reduce_max3A_537 = tpu.scan <max>, %reduce_max3A_536 masked %reduce_max3A_533 : vector<16xi32>, vector<16xi1> -> vector<16xi32>
        %reduce_max3A_538 = arith.xori %reduce_max3A_537, %reduce_max3A_535 : vector<16xi32>
        %reduce_max3A_539 = vector.extract %reduce_max3A_538[15] : i32 from vector<16xi32>
        %add3A_540 = arith.addi %scan3A_161, %reduce_max3A_539 : i32
        scf.yield %add3A_540 : i32
      }
      %scan3A_53 = arith.constant 64 : i32
      %add3A_54 = arith.constant 0 : i32
      %add3A_55 = arith.addi %scan3A_52, %add3A_54 : i32
      %swap3A = arith.index_cast %add3A_55 : i32 to index
      %swap3A_56 = tpu.vector_load %arg15[%swap3A] {strides = array<i32>} : memref<1088xf32, #tpu.memory_space<vmem>>, vector<16xf32>,
      tpu.vector_store %arg15[%swap3A], %broadcast_in_dim3A_1 {strides = array<i32>} : memref<1088xf32, #tpu.memory_space<vmem>>, vector<16xf32>,
      %swap3A_57 = arith.index_cast %add3A_55 : i32 to index
      %swap3A_58 = tpu.vector_load %arg17[%swap3A_57] {strides = array<i32>} : memref<1088xi32, #tpu.memory_space<vmem>>, vector<16xi32>,
      tpu.vector_store %arg17[%swap3A_57], %broadcast_in_dim3A_3 {strides = array<i32>} : memref<1088xi32, #tpu.memory_space<vmem>>, vector<16xi32>,
      %add3A_59 = arith.constant 16 : i32
      %add3A_60 = arith.addi %scan3A_52, %add3A_59 : i32
      %swap3A_61 = arith.index_cast %add3A_60 : i32 to index
      %swap3A_62 = tpu.vector_load %arg15[%swap3A_61] {strides = array<i32>} : memref<1088xf32, #tpu.memory_space<vmem>>, vector<16xf32>,
      tpu.vector_store %arg15[%swap3A_61], %broadcast_in_dim3A_1 {strides = array<i32>} : memref<1088xf32, #tpu.memory_space<vmem>>, vector<16xf32>,
      %swap3A_63 = arith.index_cast %add3A_60 : i32 to index
      %swap3A_64 = tpu.vector_load %arg17[%swap3A_63] {strides = array<i32>} : memref<1088xi32, #tpu.memory_space<vmem>>, vector<16xi32>,
      tpu.vector_store %arg17[%swap3A_63], %broadcast_in_dim3A_3 {strides = array<i32>} : memref<1088xi32, #tpu.memory_space<vmem>>, vector<16xi32>,
      %add3A_65 = arith.constant 32 : i32
      %add3A_66 = arith.addi %scan3A_52, %add3A_65 : i32
      %swap3A_67 = arith.index_cast %add3A_66 : i32 to index
      %swap3A_68 = tpu.vector_load %arg15[%swap3A_67] {strides = array<i32>} : memref<1088xf32, #tpu.memory_space<vmem>>, vector<16xf32>,
      tpu.vector_store %arg15[%swap3A_67], %broadcast_in_dim3A_1 {strides = array<i32>} : memref<1088xf32, #tpu.memory_space<vmem>>, vector<16xf32>,
      %swap3A_69 = arith.index_cast %add3A_66 : i32 to index
      %swap3A_70 = tpu.vector_load %arg17[%swap3A_69] {strides = array<i32>} : memref<1088xi32, #tpu.memory_space<vmem>>, vector<16xi32>,
      tpu.vector_store %arg17[%swap3A_69], %broadcast_in_dim3A_3 {strides = array<i32>} : memref<1088xi32, #tpu.memory_space<vmem>>, vector<16xi32>,
      %add3A_71 = arith.constant 48 : i32
      %add3A_72 = arith.addi %scan3A_52, %add3A_71 : i32
      %swap3A_73 = arith.index_cast %add3A_72 : i32 to index
      %swap3A_74 = tpu.vector_load %arg15[%swap3A_73] {strides = array<i32>} : memref<1088xf32, #tpu.memory_space<vmem>>, vector<16xf32>,
      tpu.vector_store %arg15[%swap3A_73], %broadcast_in_dim3A_1 {strides = array<i32>} : memref<1088xf32, #tpu.memory_space<vmem>>, vector<16xf32>,
      %swap3A_75 = arith.index_cast %add3A_72 : i32 to index
      %swap3A_76 = tpu.vector_load %arg17[%swap3A_75] {strides = array<i32>} : memref<1088xi32, #tpu.memory_space<vmem>>, vector<16xi32>,
      tpu.vector_store %arg17[%swap3A_75], %broadcast_in_dim3A_3 {strides = array<i32>} : memref<1088xi32, #tpu.memory_space<vmem>>, vector<16xi32>,
      %add3A_77 = arith.constant 0 : i32
      %add3A_78 = arith.addi %scan3A_52, %add3A_77 : i32
      %swap3A_79 = arith.index_cast %add3A_78 : i32 to index
      %swap3A_80 = tpu.vector_load %arg16[%swap3A_79] {strides = array<i32>} : memref<1088xf32, #tpu.memory_space<vmem>>, vector<16xf32>,
      tpu.vector_store %arg16[%swap3A_79], %broadcast_in_dim3A_1 {strides = array<i32>} : memref<1088xf32, #tpu.memory_space<vmem>>, vector<16xf32>,
      %swap3A_81 = arith.index_cast %add3A_78 : i32 to index
      %swap3A_82 = tpu.vector_load %arg18[%swap3A_81] {strides = array<i32>} : memref<1088xi32, #tpu.memory_space<vmem>>, vector<16xi32>,
      tpu.vector_store %arg18[%swap3A_81], %broadcast_in_dim3A_3 {strides = array<i32>} : memref<1088xi32, #tpu.memory_space<vmem>>, vector<16xi32>,
      %add3A_83 = arith.constant 16 : i32
      %add3A_84 = arith.addi %scan3A_52, %add3A_83 : i32
      %swap3A_85 = arith.index_cast %add3A_84 : i32 to index
      %swap3A_86 = tpu.vector_load %arg16[%swap3A_85] {strides = array<i32>} : memref<1088xf32, #tpu.memory_space<vmem>>, vector<16xf32>,
      tpu.vector_store %arg16[%swap3A_85], %broadcast_in_dim3A_1 {strides = array<i32>} : memref<1088xf32, #tpu.memory_space<vmem>>, vector<16xf32>,
      %swap3A_87 = arith.index_cast %add3A_84 : i32 to index
      %swap3A_88 = tpu.vector_load %arg18[%swap3A_87] {strides = array<i32>} : memref<1088xi32, #tpu.memory_space<vmem>>, vector<16xi32>,
      tpu.vector_store %arg18[%swap3A_87], %broadcast_in_dim3A_3 {strides = array<i32>} : memref<1088xi32, #tpu.memory_space<vmem>>, vector<16xi32>,
      %add3A_89 = arith.constant 32 : i32
      %add3A_90 = arith.addi %scan3A_52, %add3A_89 : i32
      %swap3A_91 = arith.index_cast %add3A_90 : i32 to index
      %swap3A_92 = tpu.vector_load %arg16[%swap3A_91] {strides = array<i32>} : memref<1088xf32, #tpu.memory_space<vmem>>, vector<16xf32>,
      tpu.vector_store %arg16[%swap3A_91], %broadcast_in_dim3A_1 {strides = array<i32>} : memref<1088xf32, #tpu.memory_space<vmem>>, vector<16xf32>,
      %swap3A_93 = arith.index_cast %add3A_90 : i32 to index
      %swap3A_94 = tpu.vector_load %arg18[%swap3A_93] {strides = array<i32>} : memref<1088xi32, #tpu.memory_space<vmem>>, vector<16xi32>,
      tpu.vector_store %arg18[%swap3A_93], %broadcast_in_dim3A_3 {strides = array<i32>} : memref<1088xi32, #tpu.memory_space<vmem>>, vector<16xi32>,
      %add3A_95 = arith.constant 48 : i32
      %add3A_96 = arith.addi %scan3A_52, %add3A_95 : i32
      %swap3A_97 = arith.index_cast %add3A_96 : i32 to index
      %swap3A_98 = tpu.vector_load %arg16[%swap3A_97] {strides = array<i32>} : memref<1088xf32, #tpu.memory_space<vmem>>, vector<16xf32>,
      tpu.vector_store %arg16[%swap3A_97], %broadcast_in_dim3A_1 {strides = array<i32>} : memref<1088xf32, #tpu.memory_space<vmem>>, vector<16xf32>,
      %swap3A_99 = arith.index_cast %add3A_96 : i32 to index
      %swap3A_100 = tpu.vector_load %arg18[%swap3A_99] {strides = array<i32>} : memref<1088xi32, #tpu.memory_space<vmem>>, vector<16xi32>,
      tpu.vector_store %arg18[%swap3A_99], %broadcast_in_dim3A_3 {strides = array<i32>} : memref<1088xi32, #tpu.memory_space<vmem>>, vector<16xi32>,
      %add3A_101 = arith.constant 64 : i32
      %add3A_102 = arith.addi %scan3A_52, %add3A_101 : i32
      %sub3A_103 = arith.constant 1 : i32
      %sub3A_104 = arith.subi %add3A_102, %sub3A_103 : i32
      %jit3A_105 = arith.constant 64 : i32
      %div3A_106 = arith.divsi %sub3A_104, %jit3A_105 : i32
      %sign3A_107 = arith.constant 0 : i32
      %sign3A_108 = arith.cmpi sgt, %sub3A_104, %sign3A_107 : i32
      %sign3A_109 = arith.extui %sign3A_108 : i1 to i32
      %sign3A_110 = arith.constant 0 : i32
      %sign3A_111 = arith.cmpi slt, %sub3A_104, %sign3A_110 : i32
      %sign3A_112 = arith.extui %sign3A_111 : i1 to i32
      %sign3A_113 = arith.subi %sign3A_109, %sign3A_112 : i32
      %sign3A_114 = arith.constant 0 : i32
      %sign3A_115 = arith.cmpi sgt, %jit3A_105, %sign3A_114 : i32
      %sign3A_116 = arith.extui %sign3A_115 : i1 to i32
      %sign3A_117 = arith.constant 0 : i32
      %sign3A_118 = arith.cmpi slt, %jit3A_105, %sign3A_117 : i32
      %sign3A_119 = arith.extui %sign3A_118 : i1 to i32
      %sign3A_120 = arith.subi %sign3A_116, %sign3A_119 : i32
      %ne3A_121 = arith.cmpi ne, %sign3A_113, %sign3A_120 : i32
      %rem3A_122 = arith.remsi %sub3A_104, %jit3A_105 : i32
      %ne3A_123 = arith.constant 0 : i32
      %ne3A_124 = arith.cmpi ne, %rem3A_122, %ne3A_123 : i32
      %and3A_125 = arith.andi %ne3A_121, %ne3A_124 : i1
      %sub3A_126 = arith.constant 1 : i32
      %sub3A_127 = arith.subi %div3A_106, %sub3A_126 : i32
      %select_n3A_128 = arith.select %and3A_125, %sub3A_127, %div3A_106 : i32
      %while3A_129 = arith.constant 0 : i32
      %while3A_130 = arith.subi %select_n3A_128, %while3A_129 : i32
      %while3A_131 = arith.addi %while3A_129, %while3A_130 : i32
      %while3A_132 = arith.constant 1 : i32
      %while3A_133 = arith.divsi %while3A_130, %while3A_132 : i32
      %while3A_134 = arith.muli %while3A_133, %while3A_132 : i32
      %while3A_135 = arith.addi %while3A_129, %while3A_134 : i32
      %while3A_136 = arith.constant 1 : i32
      %while3A_137:2 = scf.for %while3A_160 = %while3A_129 to %while3A_135 step %while3A_136 iter_args(%while3A_161 = %broadcast_in_dim3A_1, %while3A_162 = %broadcast_in_dim3A_5) -> (vector<16xf32>, vector<16xi32>)  : i32 {
        %mul3A_163 = arith.constant 4 : i32
        %mul3A_164 = arith.muli %mul3A_163, %while3A_160 : i32
        %mul3A_165 = arith.constant 16 : i32
        %mul3A_166 = arith.muli %mul3A_164, %mul3A_165 : i32
        %add3A_167 = arith.constant 0 : i32
        %add3A_168 = arith.addi %mul3A_166, %add3A_167 : i32
        %get3A = arith.index_cast %add3A_168 : i32 to index
        %get3A_169 = tpu.vector_load %arg15[%get3A] {strides = array<i32>} : memref<1088xf32, #tpu.memory_space<vmem>>, vector<16xf32>,
        %add3A_170 = vector.broadcast %add3A_168 : i32 to vector<16xi32>
        %add3A_171 = arith.addi %iota3A, %add3A_170 : vector<16xi32>
        %gt3A = arith.cmpf ogt, %get3A_169, %while3A_161 : vector<16xf32>
        %select_n3A_172 = arith.select %gt3A, %get3A_169, %while3A_161 : vector<16xi1>, vector<16xf32>
        %select_n3A_173 = arith.select %gt3A, %add3A_171, %while3A_162 : vector<16xi1>, vector<16xi32>
        %mul3A_174 = arith.constant 4 : i32
        %mul3A_175 = arith.muli %mul3A_174, %while3A_160 : i32
        %mul3A_176 = arith.constant 16 : i32
        %mul3A_177 = arith.muli %mul3A_175, %mul3A_176 : i32
        %add3A_178 = arith.constant 16 : i32
        %add3A_179 = arith.addi %mul3A_177, %add3A_178 : i32
        %get3A_180 = arith.index_cast %add3A_179 : i32 to index
        %get3A_181 = tpu.vector_load %arg15[%get3A_180] {strides = array<i32>} : memref<1088xf32, #tpu.memory_space<vmem>>, vector<16xf32>,
        %add3A_182 = vector.broadcast %add3A_179 : i32 to vector<16xi32>
        %add3A_183 = arith.addi %iota3A, %add3A_182 : vector<16xi32>
        %gt3A_184 = arith.cmpf ogt, %get3A_181, %select_n3A_172 : vector<16xf32>
        %select_n3A_185 = arith.select %gt3A_184, %get3A_181, %select_n3A_172 : vector<16xi1>, vector<16xf32>
        %select_n3A_186 = arith.select %gt3A_184, %add3A_183, %select_n3A_173 : vector<16xi1>, vector<16xi32>
        %mul3A_187 = arith.constant 4 : i32
        %mul3A_188 = arith.muli %mul3A_187, %while3A_160 : i32
        %mul3A_189 = arith.constant 16 : i32
        %mul3A_190 = arith.muli %mul3A_188, %mul3A_189 : i32
        %add3A_191 = arith.constant 32 : i32
        %add3A_192 = arith.addi %mul3A_190, %add3A_191 : i32
        %get3A_193 = arith.index_cast %add3A_192 : i32 to index
        %get3A_194 = tpu.vector_load %arg15[%get3A_193] {strides = array<i32>} : memref<1088xf32, #tpu.memory_space<vmem>>, vector<16xf32>,
        %add3A_195 = vector.broadcast %add3A_192 : i32 to vector<16xi32>
        %add3A_196 = arith.addi %iota3A, %add3A_195 : vector<16xi32>
        %gt3A_197 = arith.cmpf ogt, %get3A_194, %select_n3A_185 : vector<16xf32>
        %select_n3A_198 = arith.select %gt3A_197, %get3A_194, %select_n3A_185 : vector<16xi1>, vector<16xf32>
        %select_n3A_199 = arith.select %gt3A_197, %add3A_196, %select_n3A_186 : vector<16xi1>, vector<16xi32>
        %mul3A_200 = arith.constant 4 : i32
        %mul3A_201 = arith.muli %mul3A_200, %while3A_160 : i32
        %mul3A_202 = arith.constant 16 : i32
        %mul3A_203 = arith.muli %mul3A_201, %mul3A_202 : i32
        %add3A_204 = arith.constant 48 : i32
        %add3A_205 = arith.addi %mul3A_203, %add3A_204 : i32
        %get3A_206 = arith.index_cast %add3A_205 : i32 to index
        %get3A_207 = tpu.vector_load %arg15[%get3A_206] {strides = array<i32>} : memref<1088xf32, #tpu.memory_space<vmem>>, vector<16xf32>,
        %add3A_208 = vector.broadcast %add3A_205 : i32 to vector<16xi32>
        %add3A_209 = arith.addi %iota3A, %add3A_208 : vector<16xi32>
        %gt3A_210 = arith.cmpf ogt, %get3A_207, %select_n3A_198 : vector<16xf32>
        %select_n3A_211 = arith.select %gt3A_210, %get3A_207, %select_n3A_198 : vector<16xi1>, vector<16xf32>
        %select_n3A_212 = arith.select %gt3A_210, %add3A_209, %select_n3A_199 : vector<16xi1>, vector<16xi32>
        scf.yield %select_n3A_211, %select_n3A_212 : vector<16xf32>, vector<16xi32>
      }
      %while3A_138 = arith.constant 1 : i32
      %while3A_139:2 = scf.for %while3A_160 = %while3A_135 to %while3A_131 step %while3A_138 iter_args(%while3A_161 = %while3A_137#0, %while3A_162 = %while3A_137#1) -> (vector<16xf32>, vector<16xi32>)  : i32 {
        %mul3A_163 = arith.constant 4 : i32
        %mul3A_164 = arith.muli %mul3A_163, %while3A_160 : i32
        %mul3A_165 = arith.constant 16 : i32
        %mul3A_166 = arith.muli %mul3A_164, %mul3A_165 : i32
        %add3A_167 = arith.constant 0 : i32
        %add3A_168 = arith.addi %mul3A_166, %add3A_167 : i32
        %get3A = arith.index_cast %add3A_168 : i32 to index
        %get3A_169 = tpu.vector_load %arg15[%get3A] {strides = array<i32>} : memref<1088xf32, #tpu.memory_space<vmem>>, vector<16xf32>,
        %add3A_170 = vector.broadcast %add3A_168 : i32 to vector<16xi32>
        %add3A_171 = arith.addi %iota3A, %add3A_170 : vector<16xi32>
        %gt3A = arith.cmpf ogt, %get3A_169, %while3A_161 : vector<16xf32>
        %select_n3A_172 = arith.select %gt3A, %get3A_169, %while3A_161 : vector<16xi1>, vector<16xf32>
        %select_n3A_173 = arith.select %gt3A, %add3A_171, %while3A_162 : vector<16xi1>, vector<16xi32>
        %mul3A_174 = arith.constant 4 : i32
        %mul3A_175 = arith.muli %mul3A_174, %while3A_160 : i32
        %mul3A_176 = arith.constant 16 : i32
        %mul3A_177 = arith.muli %mul3A_175, %mul3A_176 : i32
        %add3A_178 = arith.constant 16 : i32
        %add3A_179 = arith.addi %mul3A_177, %add3A_178 : i32
        %get3A_180 = arith.index_cast %add3A_179 : i32 to index
        %get3A_181 = tpu.vector_load %arg15[%get3A_180] {strides = array<i32>} : memref<1088xf32, #tpu.memory_space<vmem>>, vector<16xf32>,
        %add3A_182 = vector.broadcast %add3A_179 : i32 to vector<16xi32>
        %add3A_183 = arith.addi %iota3A, %add3A_182 : vector<16xi32>
        %gt3A_184 = arith.cmpf ogt, %get3A_181, %select_n3A_172 : vector<16xf32>
        %select_n3A_185 = arith.select %gt3A_184, %get3A_181, %select_n3A_172 : vector<16xi1>, vector<16xf32>
        %select_n3A_186 = arith.select %gt3A_184, %add3A_183, %select_n3A_173 : vector<16xi1>, vector<16xi32>
        %mul3A_187 = arith.constant 4 : i32
        %mul3A_188 = arith.muli %mul3A_187, %while3A_160 : i32
        %mul3A_189 = arith.constant 16 : i32
        %mul3A_190 = arith.muli %mul3A_188, %mul3A_189 : i32
        %add3A_191 = arith.constant 32 : i32
        %add3A_192 = arith.addi %mul3A_190, %add3A_191 : i32
        %get3A_193 = arith.index_cast %add3A_192 : i32 to index
        %get3A_194 = tpu.vector_load %arg15[%get3A_193] {strides = array<i32>} : memref<1088xf32, #tpu.memory_space<vmem>>, vector<16xf32>,
        %add3A_195 = vector.broadcast %add3A_192 : i32 to vector<16xi32>
        %add3A_196 = arith.addi %iota3A, %add3A_195 : vector<16xi32>
        %gt3A_197 = arith.cmpf ogt, %get3A_194, %select_n3A_185 : vector<16xf32>
        %select_n3A_198 = arith.select %gt3A_197, %get3A_194, %select_n3A_185 : vector<16xi1>, vector<16xf32>
        %select_n3A_199 = arith.select %gt3A_197, %add3A_196, %select_n3A_186 : vector<16xi1>, vector<16xi32>
        %mul3A_200 = arith.constant 4 : i32
        %mul3A_201 = arith.muli %mul3A_200, %while3A_160 : i32
        %mul3A_202 = arith.constant 16 : i32
        %mul3A_203 = arith.muli %mul3A_201, %mul3A_202 : i32
        %add3A_204 = arith.constant 48 : i32
        %add3A_205 = arith.addi %mul3A_203, %add3A_204 : i32
        %get3A_206 = arith.index_cast %add3A_205 : i32 to index
        %get3A_207 = tpu.vector_load %arg15[%get3A_206] {strides = array<i32>} : memref<1088xf32, #tpu.memory_space<vmem>>, vector<16xf32>,
        %add3A_208 = vector.broadcast %add3A_205 : i32 to vector<16xi32>
        %add3A_209 = arith.addi %iota3A, %add3A_208 : vector<16xi32>
        %gt3A_210 = arith.cmpf ogt, %get3A_207, %select_n3A_198 : vector<16xf32>
        %select_n3A_211 = arith.select %gt3A_210, %get3A_207, %select_n3A_198 : vector<16xi1>, vector<16xf32>
        %select_n3A_212 = arith.select %gt3A_210, %add3A_209, %select_n3A_199 : vector<16xi1>, vector<16xi32>
        scf.yield %select_n3A_211, %select_n3A_212 : vector<16xf32>, vector<16xi32>
      }
      %reduce_max3A = arith.constant true
      %reduce_max3A_140 = vector.broadcast %reduce_max3A : i1 to vector<16xi1>
      %reduce_max3A_141 = tpu.scan <max>, %while3A_139#0 masked %reduce_max3A_140 : vector<16xf32>, vector<16xi1> -> vector<16xf32>
      %reduce_max3A_142 = vector.extract %reduce_max3A_141[15] : f32 from vector<16xf32>
      %eq3A_143 = vector.broadcast %reduce_max3A_142 : f32 to vector<16xf32>
      %eq3A_144 = arith.cmpf oeq, %while3A_139#0, %eq3A_143 : vector<16xf32>
      %jit3A_145 = arith.constant 1073741824 : i32
      %broadcast_in_dim3A_146 = vector.broadcast %jit3A_145 : i32 to vector<16xi32>
      %select_n3A_147 = arith.select %eq3A_144, %while3A_139#1, %broadcast_in_dim3A_146 : vector<16xi1>, vector<16xi32>
      %reduce_min3A = arith.constant true
      %reduce_min3A_148 = vector.broadcast %reduce_min3A : i1 to vector<16xi1>
      %reduce_min3A_149 = arith.constant -2147483648 : i32
      %reduce_min3A_150 = vector.broadcast %reduce_min3A_149 : i32 to vector<16xi32>
      %reduce_min3A_151 = arith.xori %select_n3A_147, %reduce_min3A_150 : vector<16xi32>
      %reduce_min3A_152 = tpu.scan <min>, %reduce_min3A_151 masked %reduce_min3A_148 : vector<16xi32>, vector<16xi1> -> vector<16xi32>
      %reduce_min3A_153 = arith.xori %reduce_min3A_152, %reduce_min3A_150 : vector<16xi32>
      %reduce_min3A_154 = vector.extract %reduce_min3A_153[15] : i32 from vector<16xi32>
      %while3A_155:3 = scf.while (%while3A_160 = %reduce_max3A_142, %while3A_161 = %reduce_min3A_154, %while3A_162 = %scan3A_52) : (f32, i32, i32) -> (f32, i32, i32) {
        %gt3A = arith.constant -9.99999968E+37 : f32
        %gt3A_163 = arith.cmpf ogt, %while3A_160, %gt3A : f32
        scf.condition(%gt3A_163) %while3A_160, %while3A_161, %while3A_162 : f32, i32, i32
      } do {
      ^bb0(%while3A_160: f32, %while3A_161: i32, %while3A_162: i32):
        %add3A_163 = arith.constant 64 : i32
        %add3A_164 = arith.addi %while3A_162, %add3A_163 : i32
        %sub3A_165 = arith.constant 1 : i32
        %sub3A_166 = arith.subi %add3A_164, %sub3A_165 : i32
        %jit3A_167 = arith.constant 64 : i32
        %div3A_168 = arith.divsi %sub3A_166, %jit3A_167 : i32
        %sign3A_169 = arith.constant 0 : i32
        %sign3A_170 = arith.cmpi sgt, %sub3A_166, %sign3A_169 : i32
        %sign3A_171 = arith.extui %sign3A_170 : i1 to i32
        %sign3A_172 = arith.constant 0 : i32
        %sign3A_173 = arith.cmpi slt, %sub3A_166, %sign3A_172 : i32
        %sign3A_174 = arith.extui %sign3A_173 : i1 to i32
        %sign3A_175 = arith.subi %sign3A_171, %sign3A_174 : i32
        %sign3A_176 = arith.constant 0 : i32
        %sign3A_177 = arith.cmpi sgt, %jit3A_167, %sign3A_176 : i32
        %sign3A_178 = arith.extui %sign3A_177 : i1 to i32
        %sign3A_179 = arith.constant 0 : i32
        %sign3A_180 = arith.cmpi slt, %jit3A_167, %sign3A_179 : i32
        %sign3A_181 = arith.extui %sign3A_180 : i1 to i32
        %sign3A_182 = arith.subi %sign3A_178, %sign3A_181 : i32
        %ne3A_183 = arith.cmpi ne, %sign3A_175, %sign3A_182 : i32
        %rem3A_184 = arith.remsi %sub3A_166, %jit3A_167 : i32
        %ne3A_185 = arith.constant 0 : i32
        %ne3A_186 = arith.cmpi ne, %rem3A_184, %ne3A_185 : i32
        %and3A_187 = arith.andi %ne3A_183, %ne3A_186 : i1
        %sub3A_188 = arith.constant 1 : i32
        %sub3A_189 = arith.subi %div3A_168, %sub3A_188 : i32
        %select_n3A_190 = arith.select %and3A_187, %sub3A_189, %div3A_168 : i32
        %while3A_191 = arith.constant 0 : i32
        %while3A_192:3 = scf.while (%while3A_246 = %while3A_160, %while3A_247 = %while3A_161, %while3A_248 = %while3A_191) : (f32, i32, i32) -> (f32, i32, i32) {
          %gt3A = arith.constant -9.99999968E+37 : f32
          %gt3A_249 = arith.cmpf ogt, %while3A_246, %gt3A : f32
          %lt3A_250 = arith.constant 32 : i32
          %lt3A_251 = arith.cmpi slt, %while3A_248, %lt3A_250 : i32
          %and3A_252 = arith.andi %gt3A_249, %lt3A_251 : i1
          scf.condition(%and3A_252) %while3A_246, %while3A_247, %while3A_248 : f32, i32, i32
        } do {
        ^bb0(%while3A_246: f32, %while3A_247: i32, %while3A_248: i32):
          %broadcast_in_dim3A_249 = vector.broadcast %while3A_247 : i32 to vector<16xi32>
          %gather3A = tpu.vector_load_idx %arg10[%broadcast_in_dim3A_249] : memref<1088xf32, #tpu.memory_space<vmem>>[vector<16xi32>], vector<16xf32>,
          %gather3A_250 = tpu.vector_load_idx %arg11[%broadcast_in_dim3A_249] : memref<1088xf32, #tpu.memory_space<vmem>>[vector<16xi32>], vector<16xf32>,
          %gather3A_251 = tpu.vector_load_idx %arg12[%broadcast_in_dim3A_249] : memref<1088xf32, #tpu.memory_space<vmem>>[vector<16xi32>], vector<16xf32>,
          %gather3A_252 = tpu.vector_load_idx %arg13[%broadcast_in_dim3A_249] : memref<1088xf32, #tpu.memory_space<vmem>>[vector<16xi32>], vector<16xf32>,
          %gather3A_253 = tpu.vector_load_idx %arg14[%broadcast_in_dim3A_249] : memref<1088xf32, #tpu.memory_space<vmem>>[vector<16xi32>], vector<16xf32>,
          %gather3A_254 = tpu.vector_load_idx %arg17[%broadcast_in_dim3A_249] : memref<1088xi32, #tpu.memory_space<vmem>>[vector<16xi32>], vector<16xi32>,
          %while3A_255 = arith.constant 0 : i32
          %while3A_256 = arith.subi %select_n3A_128, %while3A_255 : i32
          %while3A_257 = arith.addi %while3A_255, %while3A_256 : i32
          %while3A_258 = arith.constant 1 : i32
          %while3A_259 = arith.divsi %while3A_256, %while3A_258 : i32
          %while3A_260 = arith.muli %while3A_259, %while3A_258 : i32
          %while3A_261 = arith.addi %while3A_255, %while3A_260 : i32
          %while3A_262 = arith.constant 1 : i32
          %while3A_263 = scf.for %while3A_303 = %while3A_255 to %while3A_261 step %while3A_262 iter_args(%while3A_304 = %broadcast_in_dim3A_5) -> (vector<16xi32>)  : i32 {
            %mul3A_305 = arith.constant 4 : i32
            %mul3A_306 = arith.muli %mul3A_305, %while3A_303 : i32
            %mul3A_307 = arith.constant 16 : i32
            %mul3A_308 = arith.muli %mul3A_306, %mul3A_307 : i32
            %add3A_309 = arith.constant 0 : i32
            %add3A_310 = arith.addi %mul3A_308, %add3A_309 : i32
            %get3A = arith.index_cast %add3A_310 : i32 to index
            %get3A_311 = tpu.vector_load %arg16[%get3A] {strides = array<i32>} : memref<1088xf32, #tpu.memory_space<vmem>>, vector<16xf32>,
            %get3A_312 = arith.index_cast %add3A_310 : i32 to index
            %get3A_313 = tpu.vector_load %arg18[%get3A_312] {strides = array<i32>} : memref<1088xi32, #tpu.memory_space<vmem>>, vector<16xi32>,
            %gt3A = vector.broadcast %while3A_246 : f32 to vector<16xf32>
            %gt3A_314 = arith.cmpf ogt, %get3A_311, %gt3A : vector<16xf32>
            %eq3A_315 = vector.broadcast %while3A_246 : f32 to vector<16xf32>
            %eq3A_316 = arith.cmpf oeq, %get3A_311, %eq3A_315 : vector<16xf32>
            %lt3A_317 = arith.cmpi slt, %get3A_313, %gather3A_254 : vector<16xi32>
            %and3A_318 = arith.andi %eq3A_316, %lt3A_317 : vector<16xi1>
            %or3A = arith.ori %gt3A_314, %and3A_318 : vector<16xi1>
            %jit3A_319 = arith.constant 1 : i32
            %jit3A_320 = arith.constant 0 : i32
            %broadcast_in_dim3A_321 = vector.broadcast %jit3A_319 : i32 to vector<16xi32>
            %broadcast_in_dim3A_322 = vector.broadcast %jit3A_320 : i32 to vector<16xi32>
            %select_n3A_323 = arith.select %or3A, %broadcast_in_dim3A_321, %broadcast_in_dim3A_322 : vector<16xi1>, vector<16xi32>
            %add3A_324 = arith.addi %while3A_304, %select_n3A_323 : vector<16xi32>
            %mul3A_325 = arith.constant 4 : i32
            %mul3A_326 = arith.muli %mul3A_325, %while3A_303 : i32
            %mul3A_327 = arith.constant 16 : i32
            %mul3A_328 = arith.muli %mul3A_326, %mul3A_327 : i32
            %add3A_329 = arith.constant 16 : i32
            %add3A_330 = arith.addi %mul3A_328, %add3A_329 : i32
            %get3A_331 = arith.index_cast %add3A_330 : i32 to index
            %get3A_332 = tpu.vector_load %arg16[%get3A_331] {strides = array<i32>} : memref<1088xf32, #tpu.memory_space<vmem>>, vector<16xf32>,
            %get3A_333 = arith.index_cast %add3A_330 : i32 to index
            %get3A_334 = tpu.vector_load %arg18[%get3A_333] {strides = array<i32>} : memref<1088xi32, #tpu.memory_space<vmem>>, vector<16xi32>,
            %gt3A_335 = vector.broadcast %while3A_246 : f32 to vector<16xf32>
            %gt3A_336 = arith.cmpf ogt, %get3A_332, %gt3A_335 : vector<16xf32>
            %eq3A_337 = vector.broadcast %while3A_246 : f32 to vector<16xf32>
            %eq3A_338 = arith.cmpf oeq, %get3A_332, %eq3A_337 : vector<16xf32>
            %lt3A_339 = arith.cmpi slt, %get3A_334, %gather3A_254 : vector<16xi32>
            %and3A_340 = arith.andi %eq3A_338, %lt3A_339 : vector<16xi1>
            %or3A_341 = arith.ori %gt3A_336, %and3A_340 : vector<16xi1>
            %jit3A_342 = arith.constant 1 : i32
            %jit3A_343 = arith.constant 0 : i32
            %broadcast_in_dim3A_344 = vector.broadcast %jit3A_342 : i32 to vector<16xi32>
            %broadcast_in_dim3A_345 = vector.broadcast %jit3A_343 : i32 to vector<16xi32>
            %select_n3A_346 = arith.select %or3A_341, %broadcast_in_dim3A_344, %broadcast_in_dim3A_345 : vector<16xi1>, vector<16xi32>
            %add3A_347 = arith.addi %add3A_324, %select_n3A_346 : vector<16xi32>
            %mul3A_348 = arith.constant 4 : i32
            %mul3A_349 = arith.muli %mul3A_348, %while3A_303 : i32
            %mul3A_350 = arith.constant 16 : i32
            %mul3A_351 = arith.muli %mul3A_349, %mul3A_350 : i32
            %add3A_352 = arith.constant 32 : i32
            %add3A_353 = arith.addi %mul3A_351, %add3A_352 : i32
            %get3A_354 = arith.index_cast %add3A_353 : i32 to index
            %get3A_355 = tpu.vector_load %arg16[%get3A_354] {strides = array<i32>} : memref<1088xf32, #tpu.memory_space<vmem>>, vector<16xf32>,
            %get3A_356 = arith.index_cast %add3A_353 : i32 to index
            %get3A_357 = tpu.vector_load %arg18[%get3A_356] {strides = array<i32>} : memref<1088xi32, #tpu.memory_space<vmem>>, vector<16xi32>,
            %gt3A_358 = vector.broadcast %while3A_246 : f32 to vector<16xf32>
            %gt3A_359 = arith.cmpf ogt, %get3A_355, %gt3A_358 : vector<16xf32>
            %eq3A_360 = vector.broadcast %while3A_246 : f32 to vector<16xf32>
            %eq3A_361 = arith.cmpf oeq, %get3A_355, %eq3A_360 : vector<16xf32>
            %lt3A_362 = arith.cmpi slt, %get3A_357, %gather3A_254 : vector<16xi32>
            %and3A_363 = arith.andi %eq3A_361, %lt3A_362 : vector<16xi1>
            %or3A_364 = arith.ori %gt3A_359, %and3A_363 : vector<16xi1>
            %jit3A_365 = arith.constant 1 : i32
            %jit3A_366 = arith.constant 0 : i32
            %broadcast_in_dim3A_367 = vector.broadcast %jit3A_365 : i32 to vector<16xi32>
            %broadcast_in_dim3A_368 = vector.broadcast %jit3A_366 : i32 to vector<16xi32>
            %select_n3A_369 = arith.select %or3A_364, %broadcast_in_dim3A_367, %broadcast_in_dim3A_368 : vector<16xi1>, vector<16xi32>
            %add3A_370 = arith.addi %add3A_347, %select_n3A_369 : vector<16xi32>
            %mul3A_371 = arith.constant 4 : i32
            %mul3A_372 = arith.muli %mul3A_371, %while3A_303 : i32
            %mul3A_373 = arith.constant 16 : i32
            %mul3A_374 = arith.muli %mul3A_372, %mul3A_373 : i32
            %add3A_375 = arith.constant 48 : i32
            %add3A_376 = arith.addi %mul3A_374, %add3A_375 : i32
            %get3A_377 = arith.index_cast %add3A_376 : i32 to index
            %get3A_378 = tpu.vector_load %arg16[%get3A_377] {strides = array<i32>} : memref<1088xf32, #tpu.memory_space<vmem>>, vector<16xf32>,
            %get3A_379 = arith.index_cast %add3A_376 : i32 to index
            %get3A_380 = tpu.vector_load %arg18[%get3A_379] {strides = array<i32>} : memref<1088xi32, #tpu.memory_space<vmem>>, vector<16xi32>,
            %gt3A_381 = vector.broadcast %while3A_246 : f32 to vector<16xf32>
            %gt3A_382 = arith.cmpf ogt, %get3A_378, %gt3A_381 : vector<16xf32>
            %eq3A_383 = vector.broadcast %while3A_246 : f32 to vector<16xf32>
            %eq3A_384 = arith.cmpf oeq, %get3A_378, %eq3A_383 : vector<16xf32>
            %lt3A_385 = arith.cmpi slt, %get3A_380, %gather3A_254 : vector<16xi32>
            %and3A_386 = arith.andi %eq3A_384, %lt3A_385 : vector<16xi1>
            %or3A_387 = arith.ori %gt3A_382, %and3A_386 : vector<16xi1>
            %jit3A_388 = arith.constant 1 : i32
            %jit3A_389 = arith.constant 0 : i32
            %broadcast_in_dim3A_390 = vector.broadcast %jit3A_388 : i32 to vector<16xi32>
            %broadcast_in_dim3A_391 = vector.broadcast %jit3A_389 : i32 to vector<16xi32>
            %select_n3A_392 = arith.select %or3A_387, %broadcast_in_dim3A_390, %broadcast_in_dim3A_391 : vector<16xi1>, vector<16xi32>
            %add3A_393 = arith.addi %add3A_370, %select_n3A_392 : vector<16xi32>
            scf.yield %add3A_393 : vector<16xi32>
          }
          %while3A_264 = arith.constant 1 : i32
          %while3A_265 = scf.for %while3A_303 = %while3A_261 to %while3A_257 step %while3A_264 iter_args(%while3A_304 = %while3A_263) -> (vector<16xi32>)  : i32 {
            %mul3A_305 = arith.constant 4 : i32
            %mul3A_306 = arith.muli %mul3A_305, %while3A_303 : i32
            %mul3A_307 = arith.constant 16 : i32
            %mul3A_308 = arith.muli %mul3A_306, %mul3A_307 : i32
            %add3A_309 = arith.constant 0 : i32
            %add3A_310 = arith.addi %mul3A_308, %add3A_309 : i32
            %get3A = arith.index_cast %add3A_310 : i32 to index
            %get3A_311 = tpu.vector_load %arg16[%get3A] {strides = array<i32>} : memref<1088xf32, #tpu.memory_space<vmem>>, vector<16xf32>,
            %get3A_312 = arith.index_cast %add3A_310 : i32 to index
            %get3A_313 = tpu.vector_load %arg18[%get3A_312] {strides = array<i32>} : memref<1088xi32, #tpu.memory_space<vmem>>, vector<16xi32>,
            %gt3A = vector.broadcast %while3A_246 : f32 to vector<16xf32>
            %gt3A_314 = arith.cmpf ogt, %get3A_311, %gt3A : vector<16xf32>
            %eq3A_315 = vector.broadcast %while3A_246 : f32 to vector<16xf32>
            %eq3A_316 = arith.cmpf oeq, %get3A_311, %eq3A_315 : vector<16xf32>
            %lt3A_317 = arith.cmpi slt, %get3A_313, %gather3A_254 : vector<16xi32>
            %and3A_318 = arith.andi %eq3A_316, %lt3A_317 : vector<16xi1>
            %or3A = arith.ori %gt3A_314, %and3A_318 : vector<16xi1>
            %jit3A_319 = arith.constant 1 : i32
            %jit3A_320 = arith.constant 0 : i32
            %broadcast_in_dim3A_321 = vector.broadcast %jit3A_319 : i32 to vector<16xi32>
            %broadcast_in_dim3A_322 = vector.broadcast %jit3A_320 : i32 to vector<16xi32>
            %select_n3A_323 = arith.select %or3A, %broadcast_in_dim3A_321, %broadcast_in_dim3A_322 : vector<16xi1>, vector<16xi32>
            %add3A_324 = arith.addi %while3A_304, %select_n3A_323 : vector<16xi32>
            %mul3A_325 = arith.constant 4 : i32
            %mul3A_326 = arith.muli %mul3A_325, %while3A_303 : i32
            %mul3A_327 = arith.constant 16 : i32
            %mul3A_328 = arith.muli %mul3A_326, %mul3A_327 : i32
            %add3A_329 = arith.constant 16 : i32
            %add3A_330 = arith.addi %mul3A_328, %add3A_329 : i32
            %get3A_331 = arith.index_cast %add3A_330 : i32 to index
            %get3A_332 = tpu.vector_load %arg16[%get3A_331] {strides = array<i32>} : memref<1088xf32, #tpu.memory_space<vmem>>, vector<16xf32>,
            %get3A_333 = arith.index_cast %add3A_330 : i32 to index
            %get3A_334 = tpu.vector_load %arg18[%get3A_333] {strides = array<i32>} : memref<1088xi32, #tpu.memory_space<vmem>>, vector<16xi32>,
            %gt3A_335 = vector.broadcast %while3A_246 : f32 to vector<16xf32>
            %gt3A_336 = arith.cmpf ogt, %get3A_332, %gt3A_335 : vector<16xf32>
            %eq3A_337 = vector.broadcast %while3A_246 : f32 to vector<16xf32>
            %eq3A_338 = arith.cmpf oeq, %get3A_332, %eq3A_337 : vector<16xf32>
            %lt3A_339 = arith.cmpi slt, %get3A_334, %gather3A_254 : vector<16xi32>
            %and3A_340 = arith.andi %eq3A_338, %lt3A_339 : vector<16xi1>
            %or3A_341 = arith.ori %gt3A_336, %and3A_340 : vector<16xi1>
            %jit3A_342 = arith.constant 1 : i32
            %jit3A_343 = arith.constant 0 : i32
            %broadcast_in_dim3A_344 = vector.broadcast %jit3A_342 : i32 to vector<16xi32>
            %broadcast_in_dim3A_345 = vector.broadcast %jit3A_343 : i32 to vector<16xi32>
            %select_n3A_346 = arith.select %or3A_341, %broadcast_in_dim3A_344, %broadcast_in_dim3A_345 : vector<16xi1>, vector<16xi32>
            %add3A_347 = arith.addi %add3A_324, %select_n3A_346 : vector<16xi32>
            %mul3A_348 = arith.constant 4 : i32
            %mul3A_349 = arith.muli %mul3A_348, %while3A_303 : i32
            %mul3A_350 = arith.constant 16 : i32
            %mul3A_351 = arith.muli %mul3A_349, %mul3A_350 : i32
            %add3A_352 = arith.constant 32 : i32
            %add3A_353 = arith.addi %mul3A_351, %add3A_352 : i32
            %get3A_354 = arith.index_cast %add3A_353 : i32 to index
            %get3A_355 = tpu.vector_load %arg16[%get3A_354] {strides = array<i32>} : memref<1088xf32, #tpu.memory_space<vmem>>, vector<16xf32>,
            %get3A_356 = arith.index_cast %add3A_353 : i32 to index
            %get3A_357 = tpu.vector_load %arg18[%get3A_356] {strides = array<i32>} : memref<1088xi32, #tpu.memory_space<vmem>>, vector<16xi32>,
            %gt3A_358 = vector.broadcast %while3A_246 : f32 to vector<16xf32>
            %gt3A_359 = arith.cmpf ogt, %get3A_355, %gt3A_358 : vector<16xf32>
            %eq3A_360 = vector.broadcast %while3A_246 : f32 to vector<16xf32>
            %eq3A_361 = arith.cmpf oeq, %get3A_355, %eq3A_360 : vector<16xf32>
            %lt3A_362 = arith.cmpi slt, %get3A_357, %gather3A_254 : vector<16xi32>
            %and3A_363 = arith.andi %eq3A_361, %lt3A_362 : vector<16xi1>
            %or3A_364 = arith.ori %gt3A_359, %and3A_363 : vector<16xi1>
            %jit3A_365 = arith.constant 1 : i32
            %jit3A_366 = arith.constant 0 : i32
            %broadcast_in_dim3A_367 = vector.broadcast %jit3A_365 : i32 to vector<16xi32>
            %broadcast_in_dim3A_368 = vector.broadcast %jit3A_366 : i32 to vector<16xi32>
            %select_n3A_369 = arith.select %or3A_364, %broadcast_in_dim3A_367, %broadcast_in_dim3A_368 : vector<16xi1>, vector<16xi32>
            %add3A_370 = arith.addi %add3A_347, %select_n3A_369 : vector<16xi32>
            %mul3A_371 = arith.constant 4 : i32
            %mul3A_372 = arith.muli %mul3A_371, %while3A_303 : i32
            %mul3A_373 = arith.constant 16 : i32
            %mul3A_374 = arith.muli %mul3A_372, %mul3A_373 : i32
            %add3A_375 = arith.constant 48 : i32
            %add3A_376 = arith.addi %mul3A_374, %add3A_375 : i32
            %get3A_377 = arith.index_cast %add3A_376 : i32 to index
            %get3A_378 = tpu.vector_load %arg16[%get3A_377] {strides = array<i32>} : memref<1088xf32, #tpu.memory_space<vmem>>, vector<16xf32>,
            %get3A_379 = arith.index_cast %add3A_376 : i32 to index
            %get3A_380 = tpu.vector_load %arg18[%get3A_379] {strides = array<i32>} : memref<1088xi32, #tpu.memory_space<vmem>>, vector<16xi32>,
            %gt3A_381 = vector.broadcast %while3A_246 : f32 to vector<16xf32>
            %gt3A_382 = arith.cmpf ogt, %get3A_378, %gt3A_381 : vector<16xf32>
            %eq3A_383 = vector.broadcast %while3A_246 : f32 to vector<16xf32>
            %eq3A_384 = arith.cmpf oeq, %get3A_378, %eq3A_383 : vector<16xf32>
            %lt3A_385 = arith.cmpi slt, %get3A_380, %gather3A_254 : vector<16xi32>
            %and3A_386 = arith.andi %eq3A_384, %lt3A_385 : vector<16xi1>
            %or3A_387 = arith.ori %gt3A_382, %and3A_386 : vector<16xi1>
            %jit3A_388 = arith.constant 1 : i32
            %jit3A_389 = arith.constant 0 : i32
            %broadcast_in_dim3A_390 = vector.broadcast %jit3A_388 : i32 to vector<16xi32>
            %broadcast_in_dim3A_391 = vector.broadcast %jit3A_389 : i32 to vector<16xi32>
            %select_n3A_392 = arith.select %or3A_387, %broadcast_in_dim3A_390, %broadcast_in_dim3A_391 : vector<16xi1>, vector<16xi32>
            %add3A_393 = arith.addi %add3A_370, %select_n3A_392 : vector<16xi32>
            scf.yield %add3A_393 : vector<16xi32>
          }
          %reduce_sum3A = arith.constant true
          %reduce_sum3A_266 = vector.broadcast %reduce_sum3A : i1 to vector<16xi1>
          %reduce_sum3A_267 = tpu.scan <sum>, %while3A_265 masked %reduce_sum3A_266 : vector<16xi32>, vector<16xi1> -> vector<16xi32>
          %reduce_sum3A_268 = vector.extract %reduce_sum3A_267[15] : i32 from vector<16xi32>
          %broadcast_in_dim3A_269 = vector.broadcast %reduce_sum3A_268 : i32 to vector<16xi32>
          %broadcast_in_dim3A_270 = arith.constant 0 : i32
          %broadcast_in_dim3A_271 = vector.broadcast %broadcast_in_dim3A_270 : i32 to vector<16xi32>
          tpu.vector_store_idx %arg19[%broadcast_in_dim3A_271, %broadcast_in_dim3A_269], %gather3A : memref<1x1024xf32, #tpu.memory_space<vmem>>[vector<16xi32>, vector<16xi32>], vector<16xf32>,
          tpu.vector_store_idx %arg20[%broadcast_in_dim3A_271, %broadcast_in_dim3A_269], %gather3A_250 : memref<1x1024xf32, #tpu.memory_space<vmem>>[vector<16xi32>, vector<16xi32>], vector<16xf32>,
          tpu.vector_store_idx %arg21[%broadcast_in_dim3A_271, %broadcast_in_dim3A_269], %gather3A_251 : memref<1x1024xf32, #tpu.memory_space<vmem>>[vector<16xi32>, vector<16xi32>], vector<16xf32>,
          tpu.vector_store_idx %arg22[%broadcast_in_dim3A_271, %broadcast_in_dim3A_269], %gather3A_252 : memref<1x1024xf32, #tpu.memory_space<vmem>>[vector<16xi32>, vector<16xi32>], vector<16xf32>,
          %broadcast_in_dim3A_272 = vector.broadcast %while3A_246 : f32 to vector<16xf32>
          tpu.vector_store_idx %arg23[%broadcast_in_dim3A_271, %broadcast_in_dim3A_269], %broadcast_in_dim3A_272 : memref<1x1024xf32, #tpu.memory_space<vmem>>[vector<16xi32>, vector<16xi32>], vector<16xf32>,
          %while3A_273 = arith.constant 0 : i32
          %while3A_274 = arith.subi %select_n3A_190, %while3A_273 : i32
          %while3A_275 = arith.addi %while3A_273, %while3A_274 : i32
          %while3A_276 = arith.constant 1 : i32
          %while3A_277 = arith.divsi %while3A_274, %while3A_276 : i32
          %while3A_278 = arith.muli %while3A_277, %while3A_276 : i32
          %while3A_279 = arith.addi %while3A_273, %while3A_278 : i32
          %while3A_280 = arith.constant 1 : i32
          %while3A_281:2 = scf.for %while3A_303 = %while3A_273 to %while3A_279 step %while3A_280 iter_args(%while3A_304 = %broadcast_in_dim3A_1, %while3A_305 = %broadcast_in_dim3A_5) -> (vector<16xf32>, vector<16xi32>)  : i32 {
            %mul3A_306 = arith.constant 4 : i32
            %mul3A_307 = arith.muli %mul3A_306, %while3A_303 : i32
            %mul3A_308 = arith.constant 16 : i32
            %mul3A_309 = arith.muli %mul3A_307, %mul3A_308 : i32
            %add3A_310 = arith.constant 0 : i32
            %add3A_311 = arith.addi %mul3A_309, %add3A_310 : i32
            %get3A = arith.index_cast %add3A_311 : i32 to index
            %get3A_312 = tpu.vector_load %arg10[%get3A] {strides = array<i32>} : memref<1088xf32, #tpu.memory_space<vmem>>, vector<16xf32>,
            %get3A_313 = arith.index_cast %add3A_311 : i32 to index
            %get3A_314 = tpu.vector_load %arg11[%get3A_313] {strides = array<i32>} : memref<1088xf32, #tpu.memory_space<vmem>>, vector<16xf32>,
            %get3A_315 = arith.index_cast %add3A_311 : i32 to index
            %get3A_316 = tpu.vector_load %arg12[%get3A_315] {strides = array<i32>} : memref<1088xf32, #tpu.memory_space<vmem>>, vector<16xf32>,
            %get3A_317 = arith.index_cast %add3A_311 : i32 to index
            %get3A_318 = tpu.vector_load %arg13[%get3A_317] {strides = array<i32>} : memref<1088xf32, #tpu.memory_space<vmem>>, vector<16xf32>,
            %get3A_319 = arith.index_cast %add3A_311 : i32 to index
            %get3A_320 = tpu.vector_load %arg14[%get3A_319] {strides = array<i32>} : memref<1088xf32, #tpu.memory_space<vmem>>, vector<16xf32>,
            %get3A_321 = arith.index_cast %add3A_311 : i32 to index
            %get3A_322 = tpu.vector_load %arg15[%get3A_321] {strides = array<i32>} : memref<1088xf32, #tpu.memory_space<vmem>>, vector<16xf32>,
            %max3A = arith.maximumf %gather3A, %get3A_312 : vector<16xf32>
            %max3A_323 = arith.maximumf %gather3A_250, %get3A_314 : vector<16xf32>
            %min3A = arith.minimumf %gather3A_251, %get3A_316 : vector<16xf32>
            %min3A_324 = arith.minimumf %gather3A_252, %get3A_318 : vector<16xf32>
            %sub3A_325 = arith.subf %min3A, %max3A : vector<16xf32>
            %max3A_326 = arith.constant 0.000000e+00 : f32
            %max3A_327 = vector.broadcast %max3A_326 : f32 to vector<16xf32>
            %max3A_328 = arith.maximumf %sub3A_325, %max3A_327 : vector<16xf32>
            %sub3A_329 = arith.subf %min3A_324, %max3A_323 : vector<16xf32>
            %max3A_330 = arith.constant 0.000000e+00 : f32
            %max3A_331 = vector.broadcast %max3A_330 : f32 to vector<16xf32>
            %max3A_332 = arith.maximumf %sub3A_329, %max3A_331 : vector<16xf32>
            %mul3A_333 = arith.mulf %max3A_328, %max3A_332 : vector<16xf32>
            %add3A_334 = arith.addf %gather3A_253, %get3A_320 : vector<16xf32>
            %sub3A_335 = arith.subf %add3A_334, %mul3A_333 : vector<16xf32>
            %max3A_336 = arith.constant 9.99999971E-10 : f32
            %max3A_337 = vector.broadcast %max3A_336 : f32 to vector<16xf32>
            %max3A_338 = arith.maximumf %sub3A_335, %max3A_337 : vector<16xf32>
            %mul3A_339 = arith.constant 5.000000e-01 : f32
            %mul3A_340 = vector.broadcast %mul3A_339 : f32 to vector<16xf32>
            %mul3A_341 = arith.mulf %mul3A_340, %max3A_338 : vector<16xf32>
            %gt3A = arith.cmpf ogt, %mul3A_333, %mul3A_341 : vector<16xf32>
            %add3A_342 = vector.broadcast %add3A_311 : i32 to vector<16xi32>
            %add3A_343 = arith.addi %iota3A, %add3A_342 : vector<16xi32>
            %eq3A_344 = vector.broadcast %while3A_247 : i32 to vector<16xi32>
            %eq3A_345 = arith.cmpi eq, %add3A_343, %eq3A_344 : vector<16xi32>
            %or3A = arith.ori %gt3A, %eq3A_345 : vector<16xi1>
            %jit3A_346 = arith.constant 0xFF800000 : f32
            %broadcast_in_dim3A_347 = vector.broadcast %jit3A_346 : f32 to vector<16xf32>
            %select_n3A_348 = arith.select %or3A, %broadcast_in_dim3A_347, %get3A_322 : vector<16xi1>, vector<16xf32>
            %swap3A_349 = arith.index_cast %add3A_311 : i32 to index
            %swap3A_350 = tpu.vector_load %arg15[%swap3A_349] {strides = array<i32>} : memref<1088xf32, #tpu.memory_space<vmem>>, vector<16xf32>,
            tpu.vector_store %arg15[%swap3A_349], %select_n3A_348 {strides = array<i32>} : memref<1088xf32, #tpu.memory_space<vmem>>, vector<16xf32>,
            %gt3A_351 = arith.cmpf ogt, %select_n3A_348, %while3A_304 : vector<16xf32>
            %select_n3A_352 = arith.select %gt3A_351, %select_n3A_348, %while3A_304 : vector<16xi1>, vector<16xf32>
            %select_n3A_353 = arith.select %gt3A_351, %add3A_343, %while3A_305 : vector<16xi1>, vector<16xi32>
            %mul3A_354 = arith.constant 4 : i32
            %mul3A_355 = arith.muli %mul3A_354, %while3A_303 : i32
            %mul3A_356 = arith.constant 16 : i32
            %mul3A_357 = arith.muli %mul3A_355, %mul3A_356 : i32
            %add3A_358 = arith.constant 16 : i32
            %add3A_359 = arith.addi %mul3A_357, %add3A_358 : i32
            %get3A_360 = arith.index_cast %add3A_359 : i32 to index
            %get3A_361 = tpu.vector_load %arg10[%get3A_360] {strides = array<i32>} : memref<1088xf32, #tpu.memory_space<vmem>>, vector<16xf32>,
            %get3A_362 = arith.index_cast %add3A_359 : i32 to index
            %get3A_363 = tpu.vector_load %arg11[%get3A_362] {strides = array<i32>} : memref<1088xf32, #tpu.memory_space<vmem>>, vector<16xf32>,
            %get3A_364 = arith.index_cast %add3A_359 : i32 to index
            %get3A_365 = tpu.vector_load %arg12[%get3A_364] {strides = array<i32>} : memref<1088xf32, #tpu.memory_space<vmem>>, vector<16xf32>,
            %get3A_366 = arith.index_cast %add3A_359 : i32 to index
            %get3A_367 = tpu.vector_load %arg13[%get3A_366] {strides = array<i32>} : memref<1088xf32, #tpu.memory_space<vmem>>, vector<16xf32>,
            %get3A_368 = arith.index_cast %add3A_359 : i32 to index
            %get3A_369 = tpu.vector_load %arg14[%get3A_368] {strides = array<i32>} : memref<1088xf32, #tpu.memory_space<vmem>>, vector<16xf32>,
            %get3A_370 = arith.index_cast %add3A_359 : i32 to index
            %get3A_371 = tpu.vector_load %arg15[%get3A_370] {strides = array<i32>} : memref<1088xf32, #tpu.memory_space<vmem>>, vector<16xf32>,
            %max3A_372 = arith.maximumf %gather3A, %get3A_361 : vector<16xf32>
            %max3A_373 = arith.maximumf %gather3A_250, %get3A_363 : vector<16xf32>
            %min3A_374 = arith.minimumf %gather3A_251, %get3A_365 : vector<16xf32>
            %min3A_375 = arith.minimumf %gather3A_252, %get3A_367 : vector<16xf32>
            %sub3A_376 = arith.subf %min3A_374, %max3A_372 : vector<16xf32>
            %max3A_377 = arith.constant 0.000000e+00 : f32
            %max3A_378 = vector.broadcast %max3A_377 : f32 to vector<16xf32>
            %max3A_379 = arith.maximumf %sub3A_376, %max3A_378 : vector<16xf32>
            %sub3A_380 = arith.subf %min3A_375, %max3A_373 : vector<16xf32>
            %max3A_381 = arith.constant 0.000000e+00 : f32
            %max3A_382 = vector.broadcast %max3A_381 : f32 to vector<16xf32>
            %max3A_383 = arith.maximumf %sub3A_380, %max3A_382 : vector<16xf32>
            %mul3A_384 = arith.mulf %max3A_379, %max3A_383 : vector<16xf32>
            %add3A_385 = arith.addf %gather3A_253, %get3A_369 : vector<16xf32>
            %sub3A_386 = arith.subf %add3A_385, %mul3A_384 : vector<16xf32>
            %max3A_387 = arith.constant 9.99999971E-10 : f32
            %max3A_388 = vector.broadcast %max3A_387 : f32 to vector<16xf32>
            %max3A_389 = arith.maximumf %sub3A_386, %max3A_388 : vector<16xf32>
            %mul3A_390 = arith.constant 5.000000e-01 : f32
            %mul3A_391 = vector.broadcast %mul3A_390 : f32 to vector<16xf32>
            %mul3A_392 = arith.mulf %mul3A_391, %max3A_389 : vector<16xf32>
            %gt3A_393 = arith.cmpf ogt, %mul3A_384, %mul3A_392 : vector<16xf32>
            %add3A_394 = vector.broadcast %add3A_359 : i32 to vector<16xi32>
            %add3A_395 = arith.addi %iota3A, %add3A_394 : vector<16xi32>
            %eq3A_396 = vector.broadcast %while3A_247 : i32 to vector<16xi32>
            %eq3A_397 = arith.cmpi eq, %add3A_395, %eq3A_396 : vector<16xi32>
            %or3A_398 = arith.ori %gt3A_393, %eq3A_397 : vector<16xi1>
            %jit3A_399 = arith.constant 0xFF800000 : f32
            %broadcast_in_dim3A_400 = vector.broadcast %jit3A_399 : f32 to vector<16xf32>
            %select_n3A_401 = arith.select %or3A_398, %broadcast_in_dim3A_400, %get3A_371 : vector<16xi1>, vector<16xf32>
            %swap3A_402 = arith.index_cast %add3A_359 : i32 to index
            %swap3A_403 = tpu.vector_load %arg15[%swap3A_402] {strides = array<i32>} : memref<1088xf32, #tpu.memory_space<vmem>>, vector<16xf32>,
            tpu.vector_store %arg15[%swap3A_402], %select_n3A_401 {strides = array<i32>} : memref<1088xf32, #tpu.memory_space<vmem>>, vector<16xf32>,
            %gt3A_404 = arith.cmpf ogt, %select_n3A_401, %select_n3A_352 : vector<16xf32>
            %select_n3A_405 = arith.select %gt3A_404, %select_n3A_401, %select_n3A_352 : vector<16xi1>, vector<16xf32>
            %select_n3A_406 = arith.select %gt3A_404, %add3A_395, %select_n3A_353 : vector<16xi1>, vector<16xi32>
            %mul3A_407 = arith.constant 4 : i32
            %mul3A_408 = arith.muli %mul3A_407, %while3A_303 : i32
            %mul3A_409 = arith.constant 16 : i32
            %mul3A_410 = arith.muli %mul3A_408, %mul3A_409 : i32
            %add3A_411 = arith.constant 32 : i32
            %add3A_412 = arith.addi %mul3A_410, %add3A_411 : i32
            %get3A_413 = arith.index_cast %add3A_412 : i32 to index
            %get3A_414 = tpu.vector_load %arg10[%get3A_413] {strides = array<i32>} : memref<1088xf32, #tpu.memory_space<vmem>>, vector<16xf32>,
            %get3A_415 = arith.index_cast %add3A_412 : i32 to index
            %get3A_416 = tpu.vector_load %arg11[%get3A_415] {strides = array<i32>} : memref<1088xf32, #tpu.memory_space<vmem>>, vector<16xf32>,
            %get3A_417 = arith.index_cast %add3A_412 : i32 to index
            %get3A_418 = tpu.vector_load %arg12[%get3A_417] {strides = array<i32>} : memref<1088xf32, #tpu.memory_space<vmem>>, vector<16xf32>,
            %get3A_419 = arith.index_cast %add3A_412 : i32 to index
            %get3A_420 = tpu.vector_load %arg13[%get3A_419] {strides = array<i32>} : memref<1088xf32, #tpu.memory_space<vmem>>, vector<16xf32>,
            %get3A_421 = arith.index_cast %add3A_412 : i32 to index
            %get3A_422 = tpu.vector_load %arg14[%get3A_421] {strides = array<i32>} : memref<1088xf32, #tpu.memory_space<vmem>>, vector<16xf32>,
            %get3A_423 = arith.index_cast %add3A_412 : i32 to index
            %get3A_424 = tpu.vector_load %arg15[%get3A_423] {strides = array<i32>} : memref<1088xf32, #tpu.memory_space<vmem>>, vector<16xf32>,
            %max3A_425 = arith.maximumf %gather3A, %get3A_414 : vector<16xf32>
            %max3A_426 = arith.maximumf %gather3A_250, %get3A_416 : vector<16xf32>
            %min3A_427 = arith.minimumf %gather3A_251, %get3A_418 : vector<16xf32>
            %min3A_428 = arith.minimumf %gather3A_252, %get3A_420 : vector<16xf32>
            %sub3A_429 = arith.subf %min3A_427, %max3A_425 : vector<16xf32>
            %max3A_430 = arith.constant 0.000000e+00 : f32
            %max3A_431 = vector.broadcast %max3A_430 : f32 to vector<16xf32>
            %max3A_432 = arith.maximumf %sub3A_429, %max3A_431 : vector<16xf32>
            %sub3A_433 = arith.subf %min3A_428, %max3A_426 : vector<16xf32>
            %max3A_434 = arith.constant 0.000000e+00 : f32
            %max3A_435 = vector.broadcast %max3A_434 : f32 to vector<16xf32>
            %max3A_436 = arith.maximumf %sub3A_433, %max3A_435 : vector<16xf32>
            %mul3A_437 = arith.mulf %max3A_432, %max3A_436 : vector<16xf32>
            %add3A_438 = arith.addf %gather3A_253, %get3A_422 : vector<16xf32>
            %sub3A_439 = arith.subf %add3A_438, %mul3A_437 : vector<16xf32>
            %max3A_440 = arith.constant 9.99999971E-10 : f32
            %max3A_441 = vector.broadcast %max3A_440 : f32 to vector<16xf32>
            %max3A_442 = arith.maximumf %sub3A_439, %max3A_441 : vector<16xf32>
            %mul3A_443 = arith.constant 5.000000e-01 : f32
            %mul3A_444 = vector.broadcast %mul3A_443 : f32 to vector<16xf32>
            %mul3A_445 = arith.mulf %mul3A_444, %max3A_442 : vector<16xf32>
            %gt3A_446 = arith.cmpf ogt, %mul3A_437, %mul3A_445 : vector<16xf32>
            %add3A_447 = vector.broadcast %add3A_412 : i32 to vector<16xi32>
            %add3A_448 = arith.addi %iota3A, %add3A_447 : vector<16xi32>
            %eq3A_449 = vector.broadcast %while3A_247 : i32 to vector<16xi32>
            %eq3A_450 = arith.cmpi eq, %add3A_448, %eq3A_449 : vector<16xi32>
            %or3A_451 = arith.ori %gt3A_446, %eq3A_450 : vector<16xi1>
            %jit3A_452 = arith.constant 0xFF800000 : f32
            %broadcast_in_dim3A_453 = vector.broadcast %jit3A_452 : f32 to vector<16xf32>
            %select_n3A_454 = arith.select %or3A_451, %broadcast_in_dim3A_453, %get3A_424 : vector<16xi1>, vector<16xf32>
            %swap3A_455 = arith.index_cast %add3A_412 : i32 to index
            %swap3A_456 = tpu.vector_load %arg15[%swap3A_455] {strides = array<i32>} : memref<1088xf32, #tpu.memory_space<vmem>>, vector<16xf32>,
            tpu.vector_store %arg15[%swap3A_455], %select_n3A_454 {strides = array<i32>} : memref<1088xf32, #tpu.memory_space<vmem>>, vector<16xf32>,
            %gt3A_457 = arith.cmpf ogt, %select_n3A_454, %select_n3A_405 : vector<16xf32>
            %select_n3A_458 = arith.select %gt3A_457, %select_n3A_454, %select_n3A_405 : vector<16xi1>, vector<16xf32>
            %select_n3A_459 = arith.select %gt3A_457, %add3A_448, %select_n3A_406 : vector<16xi1>, vector<16xi32>
            %mul3A_460 = arith.constant 4 : i32
            %mul3A_461 = arith.muli %mul3A_460, %while3A_303 : i32
            %mul3A_462 = arith.constant 16 : i32
            %mul3A_463 = arith.muli %mul3A_461, %mul3A_462 : i32
            %add3A_464 = arith.constant 48 : i32
            %add3A_465 = arith.addi %mul3A_463, %add3A_464 : i32
            %get3A_466 = arith.index_cast %add3A_465 : i32 to index
            %get3A_467 = tpu.vector_load %arg10[%get3A_466] {strides = array<i32>} : memref<1088xf32, #tpu.memory_space<vmem>>, vector<16xf32>,
            %get3A_468 = arith.index_cast %add3A_465 : i32 to index
            %get3A_469 = tpu.vector_load %arg11[%get3A_468] {strides = array<i32>} : memref<1088xf32, #tpu.memory_space<vmem>>, vector<16xf32>,
            %get3A_470 = arith.index_cast %add3A_465 : i32 to index
            %get3A_471 = tpu.vector_load %arg12[%get3A_470] {strides = array<i32>} : memref<1088xf32, #tpu.memory_space<vmem>>, vector<16xf32>,
            %get3A_472 = arith.index_cast %add3A_465 : i32 to index
            %get3A_473 = tpu.vector_load %arg13[%get3A_472] {strides = array<i32>} : memref<1088xf32, #tpu.memory_space<vmem>>, vector<16xf32>,
            %get3A_474 = arith.index_cast %add3A_465 : i32 to index
            %get3A_475 = tpu.vector_load %arg14[%get3A_474] {strides = array<i32>} : memref<1088xf32, #tpu.memory_space<vmem>>, vector<16xf32>,
            %get3A_476 = arith.index_cast %add3A_465 : i32 to index
            %get3A_477 = tpu.vector_load %arg15[%get3A_476] {strides = array<i32>} : memref<1088xf32, #tpu.memory_space<vmem>>, vector<16xf32>,
            %max3A_478 = arith.maximumf %gather3A, %get3A_467 : vector<16xf32>
            %max3A_479 = arith.maximumf %gather3A_250, %get3A_469 : vector<16xf32>
            %min3A_480 = arith.minimumf %gather3A_251, %get3A_471 : vector<16xf32>
            %min3A_481 = arith.minimumf %gather3A_252, %get3A_473 : vector<16xf32>
            %sub3A_482 = arith.subf %min3A_480, %max3A_478 : vector<16xf32>
            %max3A_483 = arith.constant 0.000000e+00 : f32
            %max3A_484 = vector.broadcast %max3A_483 : f32 to vector<16xf32>
            %max3A_485 = arith.maximumf %sub3A_482, %max3A_484 : vector<16xf32>
            %sub3A_486 = arith.subf %min3A_481, %max3A_479 : vector<16xf32>
            %max3A_487 = arith.constant 0.000000e+00 : f32
            %max3A_488 = vector.broadcast %max3A_487 : f32 to vector<16xf32>
            %max3A_489 = arith.maximumf %sub3A_486, %max3A_488 : vector<16xf32>
            %mul3A_490 = arith.mulf %max3A_485, %max3A_489 : vector<16xf32>
            %add3A_491 = arith.addf %gather3A_253, %get3A_475 : vector<16xf32>
            %sub3A_492 = arith.subf %add3A_491, %mul3A_490 : vector<16xf32>
            %max3A_493 = arith.constant 9.99999971E-10 : f32
            %max3A_494 = vector.broadcast %max3A_493 : f32 to vector<16xf32>
            %max3A_495 = arith.maximumf %sub3A_492, %max3A_494 : vector<16xf32>
            %mul3A_496 = arith.constant 5.000000e-01 : f32
            %mul3A_497 = vector.broadcast %mul3A_496 : f32 to vector<16xf32>
            %mul3A_498 = arith.mulf %mul3A_497, %max3A_495 : vector<16xf32>
            %gt3A_499 = arith.cmpf ogt, %mul3A_490, %mul3A_498 : vector<16xf32>
            %add3A_500 = vector.broadcast %add3A_465 : i32 to vector<16xi32>
            %add3A_501 = arith.addi %iota3A, %add3A_500 : vector<16xi32>
            %eq3A_502 = vector.broadcast %while3A_247 : i32 to vector<16xi32>
            %eq3A_503 = arith.cmpi eq, %add3A_501, %eq3A_502 : vector<16xi32>
            %or3A_504 = arith.ori %gt3A_499, %eq3A_503 : vector<16xi1>
            %jit3A_505 = arith.constant 0xFF800000 : f32
            %broadcast_in_dim3A_506 = vector.broadcast %jit3A_505 : f32 to vector<16xf32>
            %select_n3A_507 = arith.select %or3A_504, %broadcast_in_dim3A_506, %get3A_477 : vector<16xi1>, vector<16xf32>
            %swap3A_508 = arith.index_cast %add3A_465 : i32 to index
            %swap3A_509 = tpu.vector_load %arg15[%swap3A_508] {strides = array<i32>} : memref<1088xf32, #tpu.memory_space<vmem>>, vector<16xf32>,
            tpu.vector_store %arg15[%swap3A_508], %select_n3A_507 {strides = array<i32>} : memref<1088xf32, #tpu.memory_space<vmem>>, vector<16xf32>,
            %gt3A_510 = arith.cmpf ogt, %select_n3A_507, %select_n3A_458 : vector<16xf32>
            %select_n3A_511 = arith.select %gt3A_510, %select_n3A_507, %select_n3A_458 : vector<16xi1>, vector<16xf32>
            %select_n3A_512 = arith.select %gt3A_510, %add3A_501, %select_n3A_459 : vector<16xi1>, vector<16xi32>
            scf.yield %select_n3A_511, %select_n3A_512 : vector<16xf32>, vector<16xi32>
          }
          %while3A_282 = arith.constant 1 : i32
          %while3A_283:2 = scf.for %while3A_303 = %while3A_279 to %while3A_275 step %while3A_282 iter_args(%while3A_304 = %while3A_281#0, %while3A_305 = %while3A_281#1) -> (vector<16xf32>, vector<16xi32>)  : i32 {
            %mul3A_306 = arith.constant 4 : i32
            %mul3A_307 = arith.muli %mul3A_306, %while3A_303 : i32
            %mul3A_308 = arith.constant 16 : i32
            %mul3A_309 = arith.muli %mul3A_307, %mul3A_308 : i32
            %add3A_310 = arith.constant 0 : i32
            %add3A_311 = arith.addi %mul3A_309, %add3A_310 : i32
            %get3A = arith.index_cast %add3A_311 : i32 to index
            %get3A_312 = tpu.vector_load %arg10[%get3A] {strides = array<i32>} : memref<1088xf32, #tpu.memory_space<vmem>>, vector<16xf32>,
            %get3A_313 = arith.index_cast %add3A_311 : i32 to index
            %get3A_314 = tpu.vector_load %arg11[%get3A_313] {strides = array<i32>} : memref<1088xf32, #tpu.memory_space<vmem>>, vector<16xf32>,
            %get3A_315 = arith.index_cast %add3A_311 : i32 to index
            %get3A_316 = tpu.vector_load %arg12[%get3A_315] {strides = array<i32>} : memref<1088xf32, #tpu.memory_space<vmem>>, vector<16xf32>,
            %get3A_317 = arith.index_cast %add3A_311 : i32 to index
            %get3A_318 = tpu.vector_load %arg13[%get3A_317] {strides = array<i32>} : memref<1088xf32, #tpu.memory_space<vmem>>, vector<16xf32>,
            %get3A_319 = arith.index_cast %add3A_311 : i32 to index
            %get3A_320 = tpu.vector_load %arg14[%get3A_319] {strides = array<i32>} : memref<1088xf32, #tpu.memory_space<vmem>>, vector<16xf32>,
            %get3A_321 = arith.index_cast %add3A_311 : i32 to index
            %get3A_322 = tpu.vector_load %arg15[%get3A_321] {strides = array<i32>} : memref<1088xf32, #tpu.memory_space<vmem>>, vector<16xf32>,
            %max3A = arith.maximumf %gather3A, %get3A_312 : vector<16xf32>
            %max3A_323 = arith.maximumf %gather3A_250, %get3A_314 : vector<16xf32>
            %min3A = arith.minimumf %gather3A_251, %get3A_316 : vector<16xf32>
            %min3A_324 = arith.minimumf %gather3A_252, %get3A_318 : vector<16xf32>
            %sub3A_325 = arith.subf %min3A, %max3A : vector<16xf32>
            %max3A_326 = arith.constant 0.000000e+00 : f32
            %max3A_327 = vector.broadcast %max3A_326 : f32 to vector<16xf32>
            %max3A_328 = arith.maximumf %sub3A_325, %max3A_327 : vector<16xf32>
            %sub3A_329 = arith.subf %min3A_324, %max3A_323 : vector<16xf32>
            %max3A_330 = arith.constant 0.000000e+00 : f32
            %max3A_331 = vector.broadcast %max3A_330 : f32 to vector<16xf32>
            %max3A_332 = arith.maximumf %sub3A_329, %max3A_331 : vector<16xf32>
            %mul3A_333 = arith.mulf %max3A_328, %max3A_332 : vector<16xf32>
            %add3A_334 = arith.addf %gather3A_253, %get3A_320 : vector<16xf32>
            %sub3A_335 = arith.subf %add3A_334, %mul3A_333 : vector<16xf32>
            %max3A_336 = arith.constant 9.99999971E-10 : f32
            %max3A_337 = vector.broadcast %max3A_336 : f32 to vector<16xf32>
            %max3A_338 = arith.maximumf %sub3A_335, %max3A_337 : vector<16xf32>
            %mul3A_339 = arith.constant 5.000000e-01 : f32
            %mul3A_340 = vector.broadcast %mul3A_339 : f32 to vector<16xf32>
            %mul3A_341 = arith.mulf %mul3A_340, %max3A_338 : vector<16xf32>
            %gt3A = arith.cmpf ogt, %mul3A_333, %mul3A_341 : vector<16xf32>
            %add3A_342 = vector.broadcast %add3A_311 : i32 to vector<16xi32>
            %add3A_343 = arith.addi %iota3A, %add3A_342 : vector<16xi32>
            %eq3A_344 = vector.broadcast %while3A_247 : i32 to vector<16xi32>
            %eq3A_345 = arith.cmpi eq, %add3A_343, %eq3A_344 : vector<16xi32>
            %or3A = arith.ori %gt3A, %eq3A_345 : vector<16xi1>
            %jit3A_346 = arith.constant 0xFF800000 : f32
            %broadcast_in_dim3A_347 = vector.broadcast %jit3A_346 : f32 to vector<16xf32>
            %select_n3A_348 = arith.select %or3A, %broadcast_in_dim3A_347, %get3A_322 : vector<16xi1>, vector<16xf32>
            %swap3A_349 = arith.index_cast %add3A_311 : i32 to index
            %swap3A_350 = tpu.vector_load %arg15[%swap3A_349] {strides = array<i32>} : memref<1088xf32, #tpu.memory_space<vmem>>, vector<16xf32>,
            tpu.vector_store %arg15[%swap3A_349], %select_n3A_348 {strides = array<i32>} : memref<1088xf32, #tpu.memory_space<vmem>>, vector<16xf32>,
            %gt3A_351 = arith.cmpf ogt, %select_n3A_348, %while3A_304 : vector<16xf32>
            %select_n3A_352 = arith.select %gt3A_351, %select_n3A_348, %while3A_304 : vector<16xi1>, vector<16xf32>
            %select_n3A_353 = arith.select %gt3A_351, %add3A_343, %while3A_305 : vector<16xi1>, vector<16xi32>
            %mul3A_354 = arith.constant 4 : i32
            %mul3A_355 = arith.muli %mul3A_354, %while3A_303 : i32
            %mul3A_356 = arith.constant 16 : i32
            %mul3A_357 = arith.muli %mul3A_355, %mul3A_356 : i32
            %add3A_358 = arith.constant 16 : i32
            %add3A_359 = arith.addi %mul3A_357, %add3A_358 : i32
            %get3A_360 = arith.index_cast %add3A_359 : i32 to index
            %get3A_361 = tpu.vector_load %arg10[%get3A_360] {strides = array<i32>} : memref<1088xf32, #tpu.memory_space<vmem>>, vector<16xf32>,
            %get3A_362 = arith.index_cast %add3A_359 : i32 to index
            %get3A_363 = tpu.vector_load %arg11[%get3A_362] {strides = array<i32>} : memref<1088xf32, #tpu.memory_space<vmem>>, vector<16xf32>,
            %get3A_364 = arith.index_cast %add3A_359 : i32 to index
            %get3A_365 = tpu.vector_load %arg12[%get3A_364] {strides = array<i32>} : memref<1088xf32, #tpu.memory_space<vmem>>, vector<16xf32>,
            %get3A_366 = arith.index_cast %add3A_359 : i32 to index
            %get3A_367 = tpu.vector_load %arg13[%get3A_366] {strides = array<i32>} : memref<1088xf32, #tpu.memory_space<vmem>>, vector<16xf32>,
            %get3A_368 = arith.index_cast %add3A_359 : i32 to index
            %get3A_369 = tpu.vector_load %arg14[%get3A_368] {strides = array<i32>} : memref<1088xf32, #tpu.memory_space<vmem>>, vector<16xf32>,
            %get3A_370 = arith.index_cast %add3A_359 : i32 to index
            %get3A_371 = tpu.vector_load %arg15[%get3A_370] {strides = array<i32>} : memref<1088xf32, #tpu.memory_space<vmem>>, vector<16xf32>,
            %max3A_372 = arith.maximumf %gather3A, %get3A_361 : vector<16xf32>
            %max3A_373 = arith.maximumf %gather3A_250, %get3A_363 : vector<16xf32>
            %min3A_374 = arith.minimumf %gather3A_251, %get3A_365 : vector<16xf32>
            %min3A_375 = arith.minimumf %gather3A_252, %get3A_367 : vector<16xf32>
            %sub3A_376 = arith.subf %min3A_374, %max3A_372 : vector<16xf32>
            %max3A_377 = arith.constant 0.000000e+00 : f32
            %max3A_378 = vector.broadcast %max3A_377 : f32 to vector<16xf32>
            %max3A_379 = arith.maximumf %sub3A_376, %max3A_378 : vector<16xf32>
            %sub3A_380 = arith.subf %min3A_375, %max3A_373 : vector<16xf32>
            %max3A_381 = arith.constant 0.000000e+00 : f32
            %max3A_382 = vector.broadcast %max3A_381 : f32 to vector<16xf32>
            %max3A_383 = arith.maximumf %sub3A_380, %max3A_382 : vector<16xf32>
            %mul3A_384 = arith.mulf %max3A_379, %max3A_383 : vector<16xf32>
            %add3A_385 = arith.addf %gather3A_253, %get3A_369 : vector<16xf32>
            %sub3A_386 = arith.subf %add3A_385, %mul3A_384 : vector<16xf32>
            %max3A_387 = arith.constant 9.99999971E-10 : f32
            %max3A_388 = vector.broadcast %max3A_387 : f32 to vector<16xf32>
            %max3A_389 = arith.maximumf %sub3A_386, %max3A_388 : vector<16xf32>
            %mul3A_390 = arith.constant 5.000000e-01 : f32
            %mul3A_391 = vector.broadcast %mul3A_390 : f32 to vector<16xf32>
            %mul3A_392 = arith.mulf %mul3A_391, %max3A_389 : vector<16xf32>
            %gt3A_393 = arith.cmpf ogt, %mul3A_384, %mul3A_392 : vector<16xf32>
            %add3A_394 = vector.broadcast %add3A_359 : i32 to vector<16xi32>
            %add3A_395 = arith.addi %iota3A, %add3A_394 : vector<16xi32>
            %eq3A_396 = vector.broadcast %while3A_247 : i32 to vector<16xi32>
            %eq3A_397 = arith.cmpi eq, %add3A_395, %eq3A_396 : vector<16xi32>
            %or3A_398 = arith.ori %gt3A_393, %eq3A_397 : vector<16xi1>
            %jit3A_399 = arith.constant 0xFF800000 : f32
            %broadcast_in_dim3A_400 = vector.broadcast %jit3A_399 : f32 to vector<16xf32>
            %select_n3A_401 = arith.select %or3A_398, %broadcast_in_dim3A_400, %get3A_371 : vector<16xi1>, vector<16xf32>
            %swap3A_402 = arith.index_cast %add3A_359 : i32 to index
            %swap3A_403 = tpu.vector_load %arg15[%swap3A_402] {strides = array<i32>} : memref<1088xf32, #tpu.memory_space<vmem>>, vector<16xf32>,
            tpu.vector_store %arg15[%swap3A_402], %select_n3A_401 {strides = array<i32>} : memref<1088xf32, #tpu.memory_space<vmem>>, vector<16xf32>,
            %gt3A_404 = arith.cmpf ogt, %select_n3A_401, %select_n3A_352 : vector<16xf32>
            %select_n3A_405 = arith.select %gt3A_404, %select_n3A_401, %select_n3A_352 : vector<16xi1>, vector<16xf32>
            %select_n3A_406 = arith.select %gt3A_404, %add3A_395, %select_n3A_353 : vector<16xi1>, vector<16xi32>
            %mul3A_407 = arith.constant 4 : i32
            %mul3A_408 = arith.muli %mul3A_407, %while3A_303 : i32
            %mul3A_409 = arith.constant 16 : i32
            %mul3A_410 = arith.muli %mul3A_408, %mul3A_409 : i32
            %add3A_411 = arith.constant 32 : i32
            %add3A_412 = arith.addi %mul3A_410, %add3A_411 : i32
            %get3A_413 = arith.index_cast %add3A_412 : i32 to index
            %get3A_414 = tpu.vector_load %arg10[%get3A_413] {strides = array<i32>} : memref<1088xf32, #tpu.memory_space<vmem>>, vector<16xf32>,
            %get3A_415 = arith.index_cast %add3A_412 : i32 to index
            %get3A_416 = tpu.vector_load %arg11[%get3A_415] {strides = array<i32>} : memref<1088xf32, #tpu.memory_space<vmem>>, vector<16xf32>,
            %get3A_417 = arith.index_cast %add3A_412 : i32 to index
            %get3A_418 = tpu.vector_load %arg12[%get3A_417] {strides = array<i32>} : memref<1088xf32, #tpu.memory_space<vmem>>, vector<16xf32>,
            %get3A_419 = arith.index_cast %add3A_412 : i32 to index
            %get3A_420 = tpu.vector_load %arg13[%get3A_419] {strides = array<i32>} : memref<1088xf32, #tpu.memory_space<vmem>>, vector<16xf32>,
            %get3A_421 = arith.index_cast %add3A_412 : i32 to index
            %get3A_422 = tpu.vector_load %arg14[%get3A_421] {strides = array<i32>} : memref<1088xf32, #tpu.memory_space<vmem>>, vector<16xf32>,
            %get3A_423 = arith.index_cast %add3A_412 : i32 to index
            %get3A_424 = tpu.vector_load %arg15[%get3A_423] {strides = array<i32>} : memref<1088xf32, #tpu.memory_space<vmem>>, vector<16xf32>,
            %max3A_425 = arith.maximumf %gather3A, %get3A_414 : vector<16xf32>
            %max3A_426 = arith.maximumf %gather3A_250, %get3A_416 : vector<16xf32>
            %min3A_427 = arith.minimumf %gather3A_251, %get3A_418 : vector<16xf32>
            %min3A_428 = arith.minimumf %gather3A_252, %get3A_420 : vector<16xf32>
            %sub3A_429 = arith.subf %min3A_427, %max3A_425 : vector<16xf32>
            %max3A_430 = arith.constant 0.000000e+00 : f32
            %max3A_431 = vector.broadcast %max3A_430 : f32 to vector<16xf32>
            %max3A_432 = arith.maximumf %sub3A_429, %max3A_431 : vector<16xf32>
            %sub3A_433 = arith.subf %min3A_428, %max3A_426 : vector<16xf32>
            %max3A_434 = arith.constant 0.000000e+00 : f32
            %max3A_435 = vector.broadcast %max3A_434 : f32 to vector<16xf32>
            %max3A_436 = arith.maximumf %sub3A_433, %max3A_435 : vector<16xf32>
            %mul3A_437 = arith.mulf %max3A_432, %max3A_436 : vector<16xf32>
            %add3A_438 = arith.addf %gather3A_253, %get3A_422 : vector<16xf32>
            %sub3A_439 = arith.subf %add3A_438, %mul3A_437 : vector<16xf32>
            %max3A_440 = arith.constant 9.99999971E-10 : f32
            %max3A_441 = vector.broadcast %max3A_440 : f32 to vector<16xf32>
            %max3A_442 = arith.maximumf %sub3A_439, %max3A_441 : vector<16xf32>
            %mul3A_443 = arith.constant 5.000000e-01 : f32
            %mul3A_444 = vector.broadcast %mul3A_443 : f32 to vector<16xf32>
            %mul3A_445 = arith.mulf %mul3A_444, %max3A_442 : vector<16xf32>
            %gt3A_446 = arith.cmpf ogt, %mul3A_437, %mul3A_445 : vector<16xf32>
            %add3A_447 = vector.broadcast %add3A_412 : i32 to vector<16xi32>
            %add3A_448 = arith.addi %iota3A, %add3A_447 : vector<16xi32>
            %eq3A_449 = vector.broadcast %while3A_247 : i32 to vector<16xi32>
            %eq3A_450 = arith.cmpi eq, %add3A_448, %eq3A_449 : vector<16xi32>
            %or3A_451 = arith.ori %gt3A_446, %eq3A_450 : vector<16xi1>
            %jit3A_452 = arith.constant 0xFF800000 : f32
            %broadcast_in_dim3A_453 = vector.broadcast %jit3A_452 : f32 to vector<16xf32>
            %select_n3A_454 = arith.select %or3A_451, %broadcast_in_dim3A_453, %get3A_424 : vector<16xi1>, vector<16xf32>
            %swap3A_455 = arith.index_cast %add3A_412 : i32 to index
            %swap3A_456 = tpu.vector_load %arg15[%swap3A_455] {strides = array<i32>} : memref<1088xf32, #tpu.memory_space<vmem>>, vector<16xf32>,
            tpu.vector_store %arg15[%swap3A_455], %select_n3A_454 {strides = array<i32>} : memref<1088xf32, #tpu.memory_space<vmem>>, vector<16xf32>,
            %gt3A_457 = arith.cmpf ogt, %select_n3A_454, %select_n3A_405 : vector<16xf32>
            %select_n3A_458 = arith.select %gt3A_457, %select_n3A_454, %select_n3A_405 : vector<16xi1>, vector<16xf32>
            %select_n3A_459 = arith.select %gt3A_457, %add3A_448, %select_n3A_406 : vector<16xi1>, vector<16xi32>
            %mul3A_460 = arith.constant 4 : i32
            %mul3A_461 = arith.muli %mul3A_460, %while3A_303 : i32
            %mul3A_462 = arith.constant 16 : i32
            %mul3A_463 = arith.muli %mul3A_461, %mul3A_462 : i32
            %add3A_464 = arith.constant 48 : i32
            %add3A_465 = arith.addi %mul3A_463, %add3A_464 : i32
            %get3A_466 = arith.index_cast %add3A_465 : i32 to index
            %get3A_467 = tpu.vector_load %arg10[%get3A_466] {strides = array<i32>} : memref<1088xf32, #tpu.memory_space<vmem>>, vector<16xf32>,
            %get3A_468 = arith.index_cast %add3A_465 : i32 to index
            %get3A_469 = tpu.vector_load %arg11[%get3A_468] {strides = array<i32>} : memref<1088xf32, #tpu.memory_space<vmem>>, vector<16xf32>,
            %get3A_470 = arith.index_cast %add3A_465 : i32 to index
            %get3A_471 = tpu.vector_load %arg12[%get3A_470] {strides = array<i32>} : memref<1088xf32, #tpu.memory_space<vmem>>, vector<16xf32>,
            %get3A_472 = arith.index_cast %add3A_465 : i32 to index
            %get3A_473 = tpu.vector_load %arg13[%get3A_472] {strides = array<i32>} : memref<1088xf32, #tpu.memory_space<vmem>>, vector<16xf32>,
            %get3A_474 = arith.index_cast %add3A_465 : i32 to index
            %get3A_475 = tpu.vector_load %arg14[%get3A_474] {strides = array<i32>} : memref<1088xf32, #tpu.memory_space<vmem>>, vector<16xf32>,
            %get3A_476 = arith.index_cast %add3A_465 : i32 to index
            %get3A_477 = tpu.vector_load %arg15[%get3A_476] {strides = array<i32>} : memref<1088xf32, #tpu.memory_space<vmem>>, vector<16xf32>,
            %max3A_478 = arith.maximumf %gather3A, %get3A_467 : vector<16xf32>
            %max3A_479 = arith.maximumf %gather3A_250, %get3A_469 : vector<16xf32>
            %min3A_480 = arith.minimumf %gather3A_251, %get3A_471 : vector<16xf32>
            %min3A_481 = arith.minimumf %gather3A_252, %get3A_473 : vector<16xf32>
            %sub3A_482 = arith.subf %min3A_480, %max3A_478 : vector<16xf32>
            %max3A_483 = arith.constant 0.000000e+00 : f32
            %max3A_484 = vector.broadcast %max3A_483 : f32 to vector<16xf32>
            %max3A_485 = arith.maximumf %sub3A_482, %max3A_484 : vector<16xf32>
            %sub3A_486 = arith.subf %min3A_481, %max3A_479 : vector<16xf32>
            %max3A_487 = arith.constant 0.000000e+00 : f32
            %max3A_488 = vector.broadcast %max3A_487 : f32 to vector<16xf32>
            %max3A_489 = arith.maximumf %sub3A_486, %max3A_488 : vector<16xf32>
            %mul3A_490 = arith.mulf %max3A_485, %max3A_489 : vector<16xf32>
            %add3A_491 = arith.addf %gather3A_253, %get3A_475 : vector<16xf32>
            %sub3A_492 = arith.subf %add3A_491, %mul3A_490 : vector<16xf32>
            %max3A_493 = arith.constant 9.99999971E-10 : f32
            %max3A_494 = vector.broadcast %max3A_493 : f32 to vector<16xf32>
            %max3A_495 = arith.maximumf %sub3A_492, %max3A_494 : vector<16xf32>
            %mul3A_496 = arith.constant 5.000000e-01 : f32
            %mul3A_497 = vector.broadcast %mul3A_496 : f32 to vector<16xf32>
            %mul3A_498 = arith.mulf %mul3A_497, %max3A_495 : vector<16xf32>
            %gt3A_499 = arith.cmpf ogt, %mul3A_490, %mul3A_498 : vector<16xf32>
            %add3A_500 = vector.broadcast %add3A_465 : i32 to vector<16xi32>
            %add3A_501 = arith.addi %iota3A, %add3A_500 : vector<16xi32>
            %eq3A_502 = vector.broadcast %while3A_247 : i32 to vector<16xi32>
            %eq3A_503 = arith.cmpi eq, %add3A_501, %eq3A_502 : vector<16xi32>
            %or3A_504 = arith.ori %gt3A_499, %eq3A_503 : vector<16xi1>
            %jit3A_505 = arith.constant 0xFF800000 : f32
            %broadcast_in_dim3A_506 = vector.broadcast %jit3A_505 : f32 to vector<16xf32>
            %select_n3A_507 = arith.select %or3A_504, %broadcast_in_dim3A_506, %get3A_477 : vector<16xi1>, vector<16xf32>
            %swap3A_508 = arith.index_cast %add3A_465 : i32 to index
            %swap3A_509 = tpu.vector_load %arg15[%swap3A_508] {strides = array<i32>} : memref<1088xf32, #tpu.memory_space<vmem>>, vector<16xf32>,
            tpu.vector_store %arg15[%swap3A_508], %select_n3A_507 {strides = array<i32>} : memref<1088xf32, #tpu.memory_space<vmem>>, vector<16xf32>,
            %gt3A_510 = arith.cmpf ogt, %select_n3A_507, %select_n3A_458 : vector<16xf32>
            %select_n3A_511 = arith.select %gt3A_510, %select_n3A_507, %select_n3A_458 : vector<16xi1>, vector<16xf32>
            %select_n3A_512 = arith.select %gt3A_510, %add3A_501, %select_n3A_459 : vector<16xi1>, vector<16xi32>
            scf.yield %select_n3A_511, %select_n3A_512 : vector<16xf32>, vector<16xi32>
          }
          %reduce_max3A_284 = arith.constant true
          %reduce_max3A_285 = vector.broadcast %reduce_max3A_284 : i1 to vector<16xi1>
          %reduce_max3A_286 = tpu.scan <max>, %while3A_283#0 masked %reduce_max3A_285 : vector<16xf32>, vector<16xi1> -> vector<16xf32>
          %reduce_max3A_287 = vector.extract %reduce_max3A_286[15] : f32 from vector<16xf32>
          %eq3A_288 = vector.broadcast %reduce_max3A_287 : f32 to vector<16xf32>
          %eq3A_289 = arith.cmpf oeq, %while3A_283#0, %eq3A_288 : vector<16xf32>
          %jit3A_290 = arith.constant 1073741824 : i32
          %broadcast_in_dim3A_291 = vector.broadcast %jit3A_290 : i32 to vector<16xi32>
          %select_n3A_292 = arith.select %eq3A_289, %while3A_283#1, %broadcast_in_dim3A_291 : vector<16xi1>, vector<16xi32>
          %reduce_min3A_293 = arith.constant true
          %reduce_min3A_294 = vector.broadcast %reduce_min3A_293 : i1 to vector<16xi1>
          %reduce_min3A_295 = arith.constant -2147483648 : i32
          %reduce_min3A_296 = vector.broadcast %reduce_min3A_295 : i32 to vector<16xi32>
          %reduce_min3A_297 = arith.xori %select_n3A_292, %reduce_min3A_296 : vector<16xi32>
          %reduce_min3A_298 = tpu.scan <min>, %reduce_min3A_297 masked %reduce_min3A_294 : vector<16xi32>, vector<16xi1> -> vector<16xi32>
          %reduce_min3A_299 = arith.xori %reduce_min3A_298, %reduce_min3A_296 : vector<16xi32>
          %reduce_min3A_300 = vector.extract %reduce_min3A_299[15] : i32 from vector<16xi32>
          %add3A_301 = arith.constant 1 : i32
          %add3A_302 = arith.addi %while3A_248, %add3A_301 : i32
          scf.yield %reduce_max3A_287, %reduce_min3A_300, %add3A_302 : f32, i32, i32
        }
        %while3A_193 = arith.constant 0 : i32
        %while3A_194 = arith.constant 0 : i32
        %while3A_195 = arith.subi %select_n3A_190, %while3A_193 : i32
        %while3A_196 = arith.addi %while3A_193, %while3A_195 : i32
        %while3A_197 = arith.constant 1 : i32
        %while3A_198 = arith.divsi %while3A_195, %while3A_197 : i32
        %while3A_199 = arith.muli %while3A_198, %while3A_197 : i32
        %while3A_200 = arith.addi %while3A_193, %while3A_199 : i32
        %while3A_201 = arith.constant 1 : i32
        %while3A_202:3 = scf.for %while3A_246 = %while3A_193 to %while3A_200 step %while3A_201 iter_args(%while3A_247 = %broadcast_in_dim3A_1, %while3A_248 = %broadcast_in_dim3A_5, %while3A_249 = %while3A_194) -> (vector<16xf32>, vector<16xi32>, i32)  : i32 {
          %mul3A_250 = arith.constant 4 : i32
          %mul3A_251 = arith.muli %mul3A_250, %while3A_246 : i32
          %mul3A_252 = arith.constant 16 : i32
          %mul3A_253 = arith.muli %mul3A_251, %mul3A_252 : i32
          %add3A_254 = arith.constant 0 : i32
          %add3A_255 = arith.addi %mul3A_253, %add3A_254 : i32
          %get3A = arith.index_cast %add3A_255 : i32 to index
          %get3A_256 = tpu.vector_load %arg15[%get3A] {strides = array<i32>} : memref<1088xf32, #tpu.memory_space<vmem>>, vector<16xf32>,
          %get3A_257 = arith.index_cast %add3A_255 : i32 to index
          %get3A_258 = tpu.vector_load %arg17[%get3A_257] {strides = array<i32>} : memref<1088xi32, #tpu.memory_space<vmem>>, vector<16xi32>,
          %get3A_259 = arith.index_cast %add3A_255 : i32 to index
          %get3A_260 = tpu.vector_load %arg10[%get3A_259] {strides = array<i32>} : memref<1088xf32, #tpu.memory_space<vmem>>, vector<16xf32>,
          %get3A_261 = arith.index_cast %add3A_255 : i32 to index
          %get3A_262 = tpu.vector_load %arg11[%get3A_261] {strides = array<i32>} : memref<1088xf32, #tpu.memory_space<vmem>>, vector<16xf32>,
          %get3A_263 = arith.index_cast %add3A_255 : i32 to index
          %get3A_264 = tpu.vector_load %arg12[%get3A_263] {strides = array<i32>} : memref<1088xf32, #tpu.memory_space<vmem>>, vector<16xf32>,
          %get3A_265 = arith.index_cast %add3A_255 : i32 to index
          %get3A_266 = tpu.vector_load %arg13[%get3A_265] {strides = array<i32>} : memref<1088xf32, #tpu.memory_space<vmem>>, vector<16xf32>,
          %get3A_267 = arith.index_cast %add3A_255 : i32 to index
          %get3A_268 = tpu.vector_load %arg14[%get3A_267] {strides = array<i32>} : memref<1088xf32, #tpu.memory_space<vmem>>, vector<16xf32>,
          %gt3A = arith.constant -9.99999968E+37 : f32
          %gt3A_269 = vector.broadcast %gt3A : f32 to vector<16xf32>
          %gt3A_270 = arith.cmpf ogt, %get3A_256, %gt3A_269 : vector<16xf32>
          %convert_element_type3A_271 = arith.extui %gt3A_270 : vector<16xi1> to vector<16xi32>
          %cumsum3A = arith.constant true
          %cumsum3A_272 = vector.broadcast %cumsum3A : i1 to vector<16xi1>
          %cumsum3A_273 = tpu.scan <sum>, %convert_element_type3A_271 masked %cumsum3A_272 : vector<16xi32>, vector<16xi1> -> vector<16xi32>
          %add3A_274 = vector.broadcast %while3A_249 : i32 to vector<16xi32>
          %add3A_275 = arith.addi %add3A_274, %cumsum3A_273 : vector<16xi32>
          %sub3A_276 = arith.constant 1 : i32
          %sub3A_277 = vector.broadcast %sub3A_276 : i32 to vector<16xi32>
          %sub3A_278 = arith.subi %add3A_275, %sub3A_277 : vector<16xi32>
          %jit3A_279 = arith.constant 1087 : i32
          %broadcast_in_dim3A_280 = vector.broadcast %jit3A_279 : i32 to vector<16xi32>
          %select_n3A_281 = arith.select %gt3A_270, %sub3A_278, %broadcast_in_dim3A_280 : vector<16xi1>, vector<16xi32>
          tpu.vector_store_idx %arg10[%select_n3A_281], %get3A_260 : memref<1088xf32, #tpu.memory_space<vmem>>[vector<16xi32>], vector<16xf32>,
          tpu.vector_store_idx %arg11[%select_n3A_281], %get3A_262 : memref<1088xf32, #tpu.memory_space<vmem>>[vector<16xi32>], vector<16xf32>,
          tpu.vector_store_idx %arg12[%select_n3A_281], %get3A_264 : memref<1088xf32, #tpu.memory_space<vmem>>[vector<16xi32>], vector<16xf32>,
          tpu.vector_store_idx %arg13[%select_n3A_281], %get3A_266 : memref<1088xf32, #tpu.memory_space<vmem>>[vector<16xi32>], vector<16xf32>,
          tpu.vector_store_idx %arg14[%select_n3A_281], %get3A_268 : memref<1088xf32, #tpu.memory_space<vmem>>[vector<16xi32>], vector<16xf32>,
          tpu.vector_store_idx %arg15[%select_n3A_281], %get3A_256 : memref<1088xf32, #tpu.memory_space<vmem>>[vector<16xi32>], vector<16xf32>,
          tpu.vector_store_idx %arg17[%select_n3A_281], %get3A_258 : memref<1088xi32, #tpu.memory_space<vmem>>[vector<16xi32>], vector<16xi32>,
          %gt3A_282 = arith.cmpf ogt, %get3A_256, %while3A_247 : vector<16xf32>
          %select_n3A_283 = arith.select %gt3A_282, %get3A_256, %while3A_247 : vector<16xi1>, vector<16xf32>
          %select_n3A_284 = arith.select %gt3A_282, %select_n3A_281, %while3A_248 : vector<16xi1>, vector<16xi32>
          %reduce_max3A_285 = arith.constant true
          %reduce_max3A_286 = vector.broadcast %reduce_max3A_285 : i1 to vector<16xi1>
          %reduce_max3A_287 = arith.constant -2147483648 : i32
          %reduce_max3A_288 = vector.broadcast %reduce_max3A_287 : i32 to vector<16xi32>
          %reduce_max3A_289 = arith.xori %cumsum3A_273, %reduce_max3A_288 : vector<16xi32>
          %reduce_max3A_290 = tpu.scan <max>, %reduce_max3A_289 masked %reduce_max3A_286 : vector<16xi32>, vector<16xi1> -> vector<16xi32>
          %reduce_max3A_291 = arith.xori %reduce_max3A_290, %reduce_max3A_288 : vector<16xi32>
          %reduce_max3A_292 = vector.extract %reduce_max3A_291[15] : i32 from vector<16xi32>
          %add3A_293 = arith.addi %while3A_249, %reduce_max3A_292 : i32
          %mul3A_294 = arith.constant 4 : i32
          %mul3A_295 = arith.muli %mul3A_294, %while3A_246 : i32
          %mul3A_296 = arith.constant 16 : i32
          %mul3A_297 = arith.muli %mul3A_295, %mul3A_296 : i32
          %add3A_298 = arith.constant 16 : i32
          %add3A_299 = arith.addi %mul3A_297, %add3A_298 : i32
          %get3A_300 = arith.index_cast %add3A_299 : i32 to index
          %get3A_301 = tpu.vector_load %arg15[%get3A_300] {strides = array<i32>} : memref<1088xf32, #tpu.memory_space<vmem>>, vector<16xf32>,
          %get3A_302 = arith.index_cast %add3A_299 : i32 to index
          %get3A_303 = tpu.vector_load %arg17[%get3A_302] {strides = array<i32>} : memref<1088xi32, #tpu.memory_space<vmem>>, vector<16xi32>,
          %get3A_304 = arith.index_cast %add3A_299 : i32 to index
          %get3A_305 = tpu.vector_load %arg10[%get3A_304] {strides = array<i32>} : memref<1088xf32, #tpu.memory_space<vmem>>, vector<16xf32>,
          %get3A_306 = arith.index_cast %add3A_299 : i32 to index
          %get3A_307 = tpu.vector_load %arg11[%get3A_306] {strides = array<i32>} : memref<1088xf32, #tpu.memory_space<vmem>>, vector<16xf32>,
          %get3A_308 = arith.index_cast %add3A_299 : i32 to index
          %get3A_309 = tpu.vector_load %arg12[%get3A_308] {strides = array<i32>} : memref<1088xf32, #tpu.memory_space<vmem>>, vector<16xf32>,
          %get3A_310 = arith.index_cast %add3A_299 : i32 to index
          %get3A_311 = tpu.vector_load %arg13[%get3A_310] {strides = array<i32>} : memref<1088xf32, #tpu.memory_space<vmem>>, vector<16xf32>,
          %get3A_312 = arith.index_cast %add3A_299 : i32 to index
          %get3A_313 = tpu.vector_load %arg14[%get3A_312] {strides = array<i32>} : memref<1088xf32, #tpu.memory_space<vmem>>, vector<16xf32>,
          %gt3A_314 = arith.constant -9.99999968E+37 : f32
          %gt3A_315 = vector.broadcast %gt3A_314 : f32 to vector<16xf32>
          %gt3A_316 = arith.cmpf ogt, %get3A_301, %gt3A_315 : vector<16xf32>
          %convert_element_type3A_317 = arith.extui %gt3A_316 : vector<16xi1> to vector<16xi32>
          %cumsum3A_318 = arith.constant true
          %cumsum3A_319 = vector.broadcast %cumsum3A_318 : i1 to vector<16xi1>
          %cumsum3A_320 = tpu.scan <sum>, %convert_element_type3A_317 masked %cumsum3A_319 : vector<16xi32>, vector<16xi1> -> vector<16xi32>
          %add3A_321 = vector.broadcast %add3A_293 : i32 to vector<16xi32>
          %add3A_322 = arith.addi %add3A_321, %cumsum3A_320 : vector<16xi32>
          %sub3A_323 = arith.constant 1 : i32
          %sub3A_324 = vector.broadcast %sub3A_323 : i32 to vector<16xi32>
          %sub3A_325 = arith.subi %add3A_322, %sub3A_324 : vector<16xi32>
          %jit3A_326 = arith.constant 1087 : i32
          %broadcast_in_dim3A_327 = vector.broadcast %jit3A_326 : i32 to vector<16xi32>
          %select_n3A_328 = arith.select %gt3A_316, %sub3A_325, %broadcast_in_dim3A_327 : vector<16xi1>, vector<16xi32>
          tpu.vector_store_idx %arg10[%select_n3A_328], %get3A_305 : memref<1088xf32, #tpu.memory_space<vmem>>[vector<16xi32>], vector<16xf32>,
          tpu.vector_store_idx %arg11[%select_n3A_328], %get3A_307 : memref<1088xf32, #tpu.memory_space<vmem>>[vector<16xi32>], vector<16xf32>,
          tpu.vector_store_idx %arg12[%select_n3A_328], %get3A_309 : memref<1088xf32, #tpu.memory_space<vmem>>[vector<16xi32>], vector<16xf32>,
          tpu.vector_store_idx %arg13[%select_n3A_328], %get3A_311 : memref<1088xf32, #tpu.memory_space<vmem>>[vector<16xi32>], vector<16xf32>,
          tpu.vector_store_idx %arg14[%select_n3A_328], %get3A_313 : memref<1088xf32, #tpu.memory_space<vmem>>[vector<16xi32>], vector<16xf32>,
          tpu.vector_store_idx %arg15[%select_n3A_328], %get3A_301 : memref<1088xf32, #tpu.memory_space<vmem>>[vector<16xi32>], vector<16xf32>,
          tpu.vector_store_idx %arg17[%select_n3A_328], %get3A_303 : memref<1088xi32, #tpu.memory_space<vmem>>[vector<16xi32>], vector<16xi32>,
          %gt3A_329 = arith.cmpf ogt, %get3A_301, %select_n3A_283 : vector<16xf32>
          %select_n3A_330 = arith.select %gt3A_329, %get3A_301, %select_n3A_283 : vector<16xi1>, vector<16xf32>
          %select_n3A_331 = arith.select %gt3A_329, %select_n3A_328, %select_n3A_284 : vector<16xi1>, vector<16xi32>
          %reduce_max3A_332 = arith.constant true
          %reduce_max3A_333 = vector.broadcast %reduce_max3A_332 : i1 to vector<16xi1>
          %reduce_max3A_334 = arith.constant -2147483648 : i32
          %reduce_max3A_335 = vector.broadcast %reduce_max3A_334 : i32 to vector<16xi32>
          %reduce_max3A_336 = arith.xori %cumsum3A_320, %reduce_max3A_335 : vector<16xi32>
          %reduce_max3A_337 = tpu.scan <max>, %reduce_max3A_336 masked %reduce_max3A_333 : vector<16xi32>, vector<16xi1> -> vector<16xi32>
          %reduce_max3A_338 = arith.xori %reduce_max3A_337, %reduce_max3A_335 : vector<16xi32>
          %reduce_max3A_339 = vector.extract %reduce_max3A_338[15] : i32 from vector<16xi32>
          %add3A_340 = arith.addi %add3A_293, %reduce_max3A_339 : i32
          %mul3A_341 = arith.constant 4 : i32
          %mul3A_342 = arith.muli %mul3A_341, %while3A_246 : i32
          %mul3A_343 = arith.constant 16 : i32
          %mul3A_344 = arith.muli %mul3A_342, %mul3A_343 : i32
          %add3A_345 = arith.constant 32 : i32
          %add3A_346 = arith.addi %mul3A_344, %add3A_345 : i32
          %get3A_347 = arith.index_cast %add3A_346 : i32 to index
          %get3A_348 = tpu.vector_load %arg15[%get3A_347] {strides = array<i32>} : memref<1088xf32, #tpu.memory_space<vmem>>, vector<16xf32>,
          %get3A_349 = arith.index_cast %add3A_346 : i32 to index
          %get3A_350 = tpu.vector_load %arg17[%get3A_349] {strides = array<i32>} : memref<1088xi32, #tpu.memory_space<vmem>>, vector<16xi32>,
          %get3A_351 = arith.index_cast %add3A_346 : i32 to index
          %get3A_352 = tpu.vector_load %arg10[%get3A_351] {strides = array<i32>} : memref<1088xf32, #tpu.memory_space<vmem>>, vector<16xf32>,
          %get3A_353 = arith.index_cast %add3A_346 : i32 to index
          %get3A_354 = tpu.vector_load %arg11[%get3A_353] {strides = array<i32>} : memref<1088xf32, #tpu.memory_space<vmem>>, vector<16xf32>,
          %get3A_355 = arith.index_cast %add3A_346 : i32 to index
          %get3A_356 = tpu.vector_load %arg12[%get3A_355] {strides = array<i32>} : memref<1088xf32, #tpu.memory_space<vmem>>, vector<16xf32>,
          %get3A_357 = arith.index_cast %add3A_346 : i32 to index
          %get3A_358 = tpu.vector_load %arg13[%get3A_357] {strides = array<i32>} : memref<1088xf32, #tpu.memory_space<vmem>>, vector<16xf32>,
          %get3A_359 = arith.index_cast %add3A_346 : i32 to index
          %get3A_360 = tpu.vector_load %arg14[%get3A_359] {strides = array<i32>} : memref<1088xf32, #tpu.memory_space<vmem>>, vector<16xf32>,
          %gt3A_361 = arith.constant -9.99999968E+37 : f32
          %gt3A_362 = vector.broadcast %gt3A_361 : f32 to vector<16xf32>
          %gt3A_363 = arith.cmpf ogt, %get3A_348, %gt3A_362 : vector<16xf32>
          %convert_element_type3A_364 = arith.extui %gt3A_363 : vector<16xi1> to vector<16xi32>
          %cumsum3A_365 = arith.constant true
          %cumsum3A_366 = vector.broadcast %cumsum3A_365 : i1 to vector<16xi1>
          %cumsum3A_367 = tpu.scan <sum>, %convert_element_type3A_364 masked %cumsum3A_366 : vector<16xi32>, vector<16xi1> -> vector<16xi32>
          %add3A_368 = vector.broadcast %add3A_340 : i32 to vector<16xi32>
          %add3A_369 = arith.addi %add3A_368, %cumsum3A_367 : vector<16xi32>
          %sub3A_370 = arith.constant 1 : i32
          %sub3A_371 = vector.broadcast %sub3A_370 : i32 to vector<16xi32>
          %sub3A_372 = arith.subi %add3A_369, %sub3A_371 : vector<16xi32>
          %jit3A_373 = arith.constant 1087 : i32
          %broadcast_in_dim3A_374 = vector.broadcast %jit3A_373 : i32 to vector<16xi32>
          %select_n3A_375 = arith.select %gt3A_363, %sub3A_372, %broadcast_in_dim3A_374 : vector<16xi1>, vector<16xi32>
          tpu.vector_store_idx %arg10[%select_n3A_375], %get3A_352 : memref<1088xf32, #tpu.memory_space<vmem>>[vector<16xi32>], vector<16xf32>,
          tpu.vector_store_idx %arg11[%select_n3A_375], %get3A_354 : memref<1088xf32, #tpu.memory_space<vmem>>[vector<16xi32>], vector<16xf32>,
          tpu.vector_store_idx %arg12[%select_n3A_375], %get3A_356 : memref<1088xf32, #tpu.memory_space<vmem>>[vector<16xi32>], vector<16xf32>,
          tpu.vector_store_idx %arg13[%select_n3A_375], %get3A_358 : memref<1088xf32, #tpu.memory_space<vmem>>[vector<16xi32>], vector<16xf32>,
          tpu.vector_store_idx %arg14[%select_n3A_375], %get3A_360 : memref<1088xf32, #tpu.memory_space<vmem>>[vector<16xi32>], vector<16xf32>,
          tpu.vector_store_idx %arg15[%select_n3A_375], %get3A_348 : memref<1088xf32, #tpu.memory_space<vmem>>[vector<16xi32>], vector<16xf32>,
          tpu.vector_store_idx %arg17[%select_n3A_375], %get3A_350 : memref<1088xi32, #tpu.memory_space<vmem>>[vector<16xi32>], vector<16xi32>,
          %gt3A_376 = arith.cmpf ogt, %get3A_348, %select_n3A_330 : vector<16xf32>
          %select_n3A_377 = arith.select %gt3A_376, %get3A_348, %select_n3A_330 : vector<16xi1>, vector<16xf32>
          %select_n3A_378 = arith.select %gt3A_376, %select_n3A_375, %select_n3A_331 : vector<16xi1>, vector<16xi32>
          %reduce_max3A_379 = arith.constant true
          %reduce_max3A_380 = vector.broadcast %reduce_max3A_379 : i1 to vector<16xi1>
          %reduce_max3A_381 = arith.constant -2147483648 : i32
          %reduce_max3A_382 = vector.broadcast %reduce_max3A_381 : i32 to vector<16xi32>
          %reduce_max3A_383 = arith.xori %cumsum3A_367, %reduce_max3A_382 : vector<16xi32>
          %reduce_max3A_384 = tpu.scan <max>, %reduce_max3A_383 masked %reduce_max3A_380 : vector<16xi32>, vector<16xi1> -> vector<16xi32>
          %reduce_max3A_385 = arith.xori %reduce_max3A_384, %reduce_max3A_382 : vector<16xi32>
          %reduce_max3A_386 = vector.extract %reduce_max3A_385[15] : i32 from vector<16xi32>
          %add3A_387 = arith.addi %add3A_340, %reduce_max3A_386 : i32
          %mul3A_388 = arith.constant 4 : i32
          %mul3A_389 = arith.muli %mul3A_388, %while3A_246 : i32
          %mul3A_390 = arith.constant 16 : i32
          %mul3A_391 = arith.muli %mul3A_389, %mul3A_390 : i32
          %add3A_392 = arith.constant 48 : i32
          %add3A_393 = arith.addi %mul3A_391, %add3A_392 : i32
          %get3A_394 = arith.index_cast %add3A_393 : i32 to index
          %get3A_395 = tpu.vector_load %arg15[%get3A_394] {strides = array<i32>} : memref<1088xf32, #tpu.memory_space<vmem>>, vector<16xf32>,
          %get3A_396 = arith.index_cast %add3A_393 : i32 to index
          %get3A_397 = tpu.vector_load %arg17[%get3A_396] {strides = array<i32>} : memref<1088xi32, #tpu.memory_space<vmem>>, vector<16xi32>,
          %get3A_398 = arith.index_cast %add3A_393 : i32 to index
          %get3A_399 = tpu.vector_load %arg10[%get3A_398] {strides = array<i32>} : memref<1088xf32, #tpu.memory_space<vmem>>, vector<16xf32>,
          %get3A_400 = arith.index_cast %add3A_393 : i32 to index
          %get3A_401 = tpu.vector_load %arg11[%get3A_400] {strides = array<i32>} : memref<1088xf32, #tpu.memory_space<vmem>>, vector<16xf32>,
          %get3A_402 = arith.index_cast %add3A_393 : i32 to index
          %get3A_403 = tpu.vector_load %arg12[%get3A_402] {strides = array<i32>} : memref<1088xf32, #tpu.memory_space<vmem>>, vector<16xf32>,
          %get3A_404 = arith.index_cast %add3A_393 : i32 to index
          %get3A_405 = tpu.vector_load %arg13[%get3A_404] {strides = array<i32>} : memref<1088xf32, #tpu.memory_space<vmem>>, vector<16xf32>,
          %get3A_406 = arith.index_cast %add3A_393 : i32 to index
          %get3A_407 = tpu.vector_load %arg14[%get3A_406] {strides = array<i32>} : memref<1088xf32, #tpu.memory_space<vmem>>, vector<16xf32>,
          %gt3A_408 = arith.constant -9.99999968E+37 : f32
          %gt3A_409 = vector.broadcast %gt3A_408 : f32 to vector<16xf32>
          %gt3A_410 = arith.cmpf ogt, %get3A_395, %gt3A_409 : vector<16xf32>
          %convert_element_type3A_411 = arith.extui %gt3A_410 : vector<16xi1> to vector<16xi32>
          %cumsum3A_412 = arith.constant true
          %cumsum3A_413 = vector.broadcast %cumsum3A_412 : i1 to vector<16xi1>
          %cumsum3A_414 = tpu.scan <sum>, %convert_element_type3A_411 masked %cumsum3A_413 : vector<16xi32>, vector<16xi1> -> vector<16xi32>
          %add3A_415 = vector.broadcast %add3A_387 : i32 to vector<16xi32>
          %add3A_416 = arith.addi %add3A_415, %cumsum3A_414 : vector<16xi32>
          %sub3A_417 = arith.constant 1 : i32
          %sub3A_418 = vector.broadcast %sub3A_417 : i32 to vector<16xi32>
          %sub3A_419 = arith.subi %add3A_416, %sub3A_418 : vector<16xi32>
          %jit3A_420 = arith.constant 1087 : i32
          %broadcast_in_dim3A_421 = vector.broadcast %jit3A_420 : i32 to vector<16xi32>
          %select_n3A_422 = arith.select %gt3A_410, %sub3A_419, %broadcast_in_dim3A_421 : vector<16xi1>, vector<16xi32>
          tpu.vector_store_idx %arg10[%select_n3A_422], %get3A_399 : memref<1088xf32, #tpu.memory_space<vmem>>[vector<16xi32>], vector<16xf32>,
          tpu.vector_store_idx %arg11[%select_n3A_422], %get3A_401 : memref<1088xf32, #tpu.memory_space<vmem>>[vector<16xi32>], vector<16xf32>,
          tpu.vector_store_idx %arg12[%select_n3A_422], %get3A_403 : memref<1088xf32, #tpu.memory_space<vmem>>[vector<16xi32>], vector<16xf32>,
          tpu.vector_store_idx %arg13[%select_n3A_422], %get3A_405 : memref<1088xf32, #tpu.memory_space<vmem>>[vector<16xi32>], vector<16xf32>,
          tpu.vector_store_idx %arg14[%select_n3A_422], %get3A_407 : memref<1088xf32, #tpu.memory_space<vmem>>[vector<16xi32>], vector<16xf32>,
          tpu.vector_store_idx %arg15[%select_n3A_422], %get3A_395 : memref<1088xf32, #tpu.memory_space<vmem>>[vector<16xi32>], vector<16xf32>,
          tpu.vector_store_idx %arg17[%select_n3A_422], %get3A_397 : memref<1088xi32, #tpu.memory_space<vmem>>[vector<16xi32>], vector<16xi32>,
          %gt3A_423 = arith.cmpf ogt, %get3A_395, %select_n3A_377 : vector<16xf32>
          %select_n3A_424 = arith.select %gt3A_423, %get3A_395, %select_n3A_377 : vector<16xi1>, vector<16xf32>
          %select_n3A_425 = arith.select %gt3A_423, %select_n3A_422, %select_n3A_378 : vector<16xi1>, vector<16xi32>
          %reduce_max3A_426 = arith.constant true
          %reduce_max3A_427 = vector.broadcast %reduce_max3A_426 : i1 to vector<16xi1>
          %reduce_max3A_428 = arith.constant -2147483648 : i32
          %reduce_max3A_429 = vector.broadcast %reduce_max3A_428 : i32 to vector<16xi32>
          %reduce_max3A_430 = arith.xori %cumsum3A_414, %reduce_max3A_429 : vector<16xi32>
          %reduce_max3A_431 = tpu.scan <max>, %reduce_max3A_430 masked %reduce_max3A_427 : vector<16xi32>, vector<16xi1> -> vector<16xi32>
          %reduce_max3A_432 = arith.xori %reduce_max3A_431, %reduce_max3A_429 : vector<16xi32>
          %reduce_max3A_433 = vector.extract %reduce_max3A_432[15] : i32 from vector<16xi32>
          %add3A_434 = arith.addi %add3A_387, %reduce_max3A_433 : i32
          scf.yield %select_n3A_424, %select_n3A_425, %add3A_434 : vector<16xf32>, vector<16xi32>, i32
        }
        %while3A_203 = arith.constant 1 : i32
        %while3A_204:3 = scf.for %while3A_246 = %while3A_200 to %while3A_196 step %while3A_203 iter_args(%while3A_247 = %while3A_202#0, %while3A_248 = %while3A_202#1, %while3A_249 = %while3A_202#2) -> (vector<16xf32>, vector<16xi32>, i32)  : i32 {
          %mul3A_250 = arith.constant 4 : i32
          %mul3A_251 = arith.muli %mul3A_250, %while3A_246 : i32
          %mul3A_252 = arith.constant 16 : i32
          %mul3A_253 = arith.muli %mul3A_251, %mul3A_252 : i32
          %add3A_254 = arith.constant 0 : i32
          %add3A_255 = arith.addi %mul3A_253, %add3A_254 : i32
          %get3A = arith.index_cast %add3A_255 : i32 to index
          %get3A_256 = tpu.vector_load %arg15[%get3A] {strides = array<i32>} : memref<1088xf32, #tpu.memory_space<vmem>>, vector<16xf32>,
          %get3A_257 = arith.index_cast %add3A_255 : i32 to index
          %get3A_258 = tpu.vector_load %arg17[%get3A_257] {strides = array<i32>} : memref<1088xi32, #tpu.memory_space<vmem>>, vector<16xi32>,
          %get3A_259 = arith.index_cast %add3A_255 : i32 to index
          %get3A_260 = tpu.vector_load %arg10[%get3A_259] {strides = array<i32>} : memref<1088xf32, #tpu.memory_space<vmem>>, vector<16xf32>,
          %get3A_261 = arith.index_cast %add3A_255 : i32 to index
          %get3A_262 = tpu.vector_load %arg11[%get3A_261] {strides = array<i32>} : memref<1088xf32, #tpu.memory_space<vmem>>, vector<16xf32>,
          %get3A_263 = arith.index_cast %add3A_255 : i32 to index
          %get3A_264 = tpu.vector_load %arg12[%get3A_263] {strides = array<i32>} : memref<1088xf32, #tpu.memory_space<vmem>>, vector<16xf32>,
          %get3A_265 = arith.index_cast %add3A_255 : i32 to index
          %get3A_266 = tpu.vector_load %arg13[%get3A_265] {strides = array<i32>} : memref<1088xf32, #tpu.memory_space<vmem>>, vector<16xf32>,
          %get3A_267 = arith.index_cast %add3A_255 : i32 to index
          %get3A_268 = tpu.vector_load %arg14[%get3A_267] {strides = array<i32>} : memref<1088xf32, #tpu.memory_space<vmem>>, vector<16xf32>,
          %gt3A = arith.constant -9.99999968E+37 : f32
          %gt3A_269 = vector.broadcast %gt3A : f32 to vector<16xf32>
          %gt3A_270 = arith.cmpf ogt, %get3A_256, %gt3A_269 : vector<16xf32>
          %convert_element_type3A_271 = arith.extui %gt3A_270 : vector<16xi1> to vector<16xi32>
          %cumsum3A = arith.constant true
          %cumsum3A_272 = vector.broadcast %cumsum3A : i1 to vector<16xi1>
          %cumsum3A_273 = tpu.scan <sum>, %convert_element_type3A_271 masked %cumsum3A_272 : vector<16xi32>, vector<16xi1> -> vector<16xi32>
          %add3A_274 = vector.broadcast %while3A_249 : i32 to vector<16xi32>
          %add3A_275 = arith.addi %add3A_274, %cumsum3A_273 : vector<16xi32>
          %sub3A_276 = arith.constant 1 : i32
          %sub3A_277 = vector.broadcast %sub3A_276 : i32 to vector<16xi32>
          %sub3A_278 = arith.subi %add3A_275, %sub3A_277 : vector<16xi32>
          %jit3A_279 = arith.constant 1087 : i32
          %broadcast_in_dim3A_280 = vector.broadcast %jit3A_279 : i32 to vector<16xi32>
          %select_n3A_281 = arith.select %gt3A_270, %sub3A_278, %broadcast_in_dim3A_280 : vector<16xi1>, vector<16xi32>
          tpu.vector_store_idx %arg10[%select_n3A_281], %get3A_260 : memref<1088xf32, #tpu.memory_space<vmem>>[vector<16xi32>], vector<16xf32>,
          tpu.vector_store_idx %arg11[%select_n3A_281], %get3A_262 : memref<1088xf32, #tpu.memory_space<vmem>>[vector<16xi32>], vector<16xf32>,
          tpu.vector_store_idx %arg12[%select_n3A_281], %get3A_264 : memref<1088xf32, #tpu.memory_space<vmem>>[vector<16xi32>], vector<16xf32>,
          tpu.vector_store_idx %arg13[%select_n3A_281], %get3A_266 : memref<1088xf32, #tpu.memory_space<vmem>>[vector<16xi32>], vector<16xf32>,
          tpu.vector_store_idx %arg14[%select_n3A_281], %get3A_268 : memref<1088xf32, #tpu.memory_space<vmem>>[vector<16xi32>], vector<16xf32>,
          tpu.vector_store_idx %arg15[%select_n3A_281], %get3A_256 : memref<1088xf32, #tpu.memory_space<vmem>>[vector<16xi32>], vector<16xf32>,
          tpu.vector_store_idx %arg17[%select_n3A_281], %get3A_258 : memref<1088xi32, #tpu.memory_space<vmem>>[vector<16xi32>], vector<16xi32>,
          %gt3A_282 = arith.cmpf ogt, %get3A_256, %while3A_247 : vector<16xf32>
          %select_n3A_283 = arith.select %gt3A_282, %get3A_256, %while3A_247 : vector<16xi1>, vector<16xf32>
          %select_n3A_284 = arith.select %gt3A_282, %select_n3A_281, %while3A_248 : vector<16xi1>, vector<16xi32>
          %reduce_max3A_285 = arith.constant true
          %reduce_max3A_286 = vector.broadcast %reduce_max3A_285 : i1 to vector<16xi1>
          %reduce_max3A_287 = arith.constant -2147483648 : i32
          %reduce_max3A_288 = vector.broadcast %reduce_max3A_287 : i32 to vector<16xi32>
          %reduce_max3A_289 = arith.xori %cumsum3A_273, %reduce_max3A_288 : vector<16xi32>
          %reduce_max3A_290 = tpu.scan <max>, %reduce_max3A_289 masked %reduce_max3A_286 : vector<16xi32>, vector<16xi1> -> vector<16xi32>
          %reduce_max3A_291 = arith.xori %reduce_max3A_290, %reduce_max3A_288 : vector<16xi32>
          %reduce_max3A_292 = vector.extract %reduce_max3A_291[15] : i32 from vector<16xi32>
          %add3A_293 = arith.addi %while3A_249, %reduce_max3A_292 : i32
          %mul3A_294 = arith.constant 4 : i32
          %mul3A_295 = arith.muli %mul3A_294, %while3A_246 : i32
          %mul3A_296 = arith.constant 16 : i32
          %mul3A_297 = arith.muli %mul3A_295, %mul3A_296 : i32
          %add3A_298 = arith.constant 16 : i32
          %add3A_299 = arith.addi %mul3A_297, %add3A_298 : i32
          %get3A_300 = arith.index_cast %add3A_299 : i32 to index
          %get3A_301 = tpu.vector_load %arg15[%get3A_300] {strides = array<i32>} : memref<1088xf32, #tpu.memory_space<vmem>>, vector<16xf32>,
          %get3A_302 = arith.index_cast %add3A_299 : i32 to index
          %get3A_303 = tpu.vector_load %arg17[%get3A_302] {strides = array<i32>} : memref<1088xi32, #tpu.memory_space<vmem>>, vector<16xi32>,
          %get3A_304 = arith.index_cast %add3A_299 : i32 to index
          %get3A_305 = tpu.vector_load %arg10[%get3A_304] {strides = array<i32>} : memref<1088xf32, #tpu.memory_space<vmem>>, vector<16xf32>,
          %get3A_306 = arith.index_cast %add3A_299 : i32 to index
          %get3A_307 = tpu.vector_load %arg11[%get3A_306] {strides = array<i32>} : memref<1088xf32, #tpu.memory_space<vmem>>, vector<16xf32>,
          %get3A_308 = arith.index_cast %add3A_299 : i32 to index
          %get3A_309 = tpu.vector_load %arg12[%get3A_308] {strides = array<i32>} : memref<1088xf32, #tpu.memory_space<vmem>>, vector<16xf32>,
          %get3A_310 = arith.index_cast %add3A_299 : i32 to index
          %get3A_311 = tpu.vector_load %arg13[%get3A_310] {strides = array<i32>} : memref<1088xf32, #tpu.memory_space<vmem>>, vector<16xf32>,
          %get3A_312 = arith.index_cast %add3A_299 : i32 to index
          %get3A_313 = tpu.vector_load %arg14[%get3A_312] {strides = array<i32>} : memref<1088xf32, #tpu.memory_space<vmem>>, vector<16xf32>,
          %gt3A_314 = arith.constant -9.99999968E+37 : f32
          %gt3A_315 = vector.broadcast %gt3A_314 : f32 to vector<16xf32>
          %gt3A_316 = arith.cmpf ogt, %get3A_301, %gt3A_315 : vector<16xf32>
          %convert_element_type3A_317 = arith.extui %gt3A_316 : vector<16xi1> to vector<16xi32>
          %cumsum3A_318 = arith.constant true
          %cumsum3A_319 = vector.broadcast %cumsum3A_318 : i1 to vector<16xi1>
          %cumsum3A_320 = tpu.scan <sum>, %convert_element_type3A_317 masked %cumsum3A_319 : vector<16xi32>, vector<16xi1> -> vector<16xi32>
          %add3A_321 = vector.broadcast %add3A_293 : i32 to vector<16xi32>
          %add3A_322 = arith.addi %add3A_321, %cumsum3A_320 : vector<16xi32>
          %sub3A_323 = arith.constant 1 : i32
          %sub3A_324 = vector.broadcast %sub3A_323 : i32 to vector<16xi32>
          %sub3A_325 = arith.subi %add3A_322, %sub3A_324 : vector<16xi32>
          %jit3A_326 = arith.constant 1087 : i32
          %broadcast_in_dim3A_327 = vector.broadcast %jit3A_326 : i32 to vector<16xi32>
          %select_n3A_328 = arith.select %gt3A_316, %sub3A_325, %broadcast_in_dim3A_327 : vector<16xi1>, vector<16xi32>
          tpu.vector_store_idx %arg10[%select_n3A_328], %get3A_305 : memref<1088xf32, #tpu.memory_space<vmem>>[vector<16xi32>], vector<16xf32>,
          tpu.vector_store_idx %arg11[%select_n3A_328], %get3A_307 : memref<1088xf32, #tpu.memory_space<vmem>>[vector<16xi32>], vector<16xf32>,
          tpu.vector_store_idx %arg12[%select_n3A_328], %get3A_309 : memref<1088xf32, #tpu.memory_space<vmem>>[vector<16xi32>], vector<16xf32>,
          tpu.vector_store_idx %arg13[%select_n3A_328], %get3A_311 : memref<1088xf32, #tpu.memory_space<vmem>>[vector<16xi32>], vector<16xf32>,
          tpu.vector_store_idx %arg14[%select_n3A_328], %get3A_313 : memref<1088xf32, #tpu.memory_space<vmem>>[vector<16xi32>], vector<16xf32>,
          tpu.vector_store_idx %arg15[%select_n3A_328], %get3A_301 : memref<1088xf32, #tpu.memory_space<vmem>>[vector<16xi32>], vector<16xf32>,
          tpu.vector_store_idx %arg17[%select_n3A_328], %get3A_303 : memref<1088xi32, #tpu.memory_space<vmem>>[vector<16xi32>], vector<16xi32>,
          %gt3A_329 = arith.cmpf ogt, %get3A_301, %select_n3A_283 : vector<16xf32>
          %select_n3A_330 = arith.select %gt3A_329, %get3A_301, %select_n3A_283 : vector<16xi1>, vector<16xf32>
          %select_n3A_331 = arith.select %gt3A_329, %select_n3A_328, %select_n3A_284 : vector<16xi1>, vector<16xi32>
          %reduce_max3A_332 = arith.constant true
          %reduce_max3A_333 = vector.broadcast %reduce_max3A_332 : i1 to vector<16xi1>
          %reduce_max3A_334 = arith.constant -2147483648 : i32
          %reduce_max3A_335 = vector.broadcast %reduce_max3A_334 : i32 to vector<16xi32>
          %reduce_max3A_336 = arith.xori %cumsum3A_320, %reduce_max3A_335 : vector<16xi32>
          %reduce_max3A_337 = tpu.scan <max>, %reduce_max3A_336 masked %reduce_max3A_333 : vector<16xi32>, vector<16xi1> -> vector<16xi32>
          %reduce_max3A_338 = arith.xori %reduce_max3A_337, %reduce_max3A_335 : vector<16xi32>
          %reduce_max3A_339 = vector.extract %reduce_max3A_338[15] : i32 from vector<16xi32>
          %add3A_340 = arith.addi %add3A_293, %reduce_max3A_339 : i32
          %mul3A_341 = arith.constant 4 : i32
          %mul3A_342 = arith.muli %mul3A_341, %while3A_246 : i32
          %mul3A_343 = arith.constant 16 : i32
          %mul3A_344 = arith.muli %mul3A_342, %mul3A_343 : i32
          %add3A_345 = arith.constant 32 : i32
          %add3A_346 = arith.addi %mul3A_344, %add3A_345 : i32
          %get3A_347 = arith.index_cast %add3A_346 : i32 to index
          %get3A_348 = tpu.vector_load %arg15[%get3A_347] {strides = array<i32>} : memref<1088xf32, #tpu.memory_space<vmem>>, vector<16xf32>,
          %get3A_349 = arith.index_cast %add3A_346 : i32 to index
          %get3A_350 = tpu.vector_load %arg17[%get3A_349] {strides = array<i32>} : memref<1088xi32, #tpu.memory_space<vmem>>, vector<16xi32>,
          %get3A_351 = arith.index_cast %add3A_346 : i32 to index
          %get3A_352 = tpu.vector_load %arg10[%get3A_351] {strides = array<i32>} : memref<1088xf32, #tpu.memory_space<vmem>>, vector<16xf32>,
          %get3A_353 = arith.index_cast %add3A_346 : i32 to index
          %get3A_354 = tpu.vector_load %arg11[%get3A_353] {strides = array<i32>} : memref<1088xf32, #tpu.memory_space<vmem>>, vector<16xf32>,
          %get3A_355 = arith.index_cast %add3A_346 : i32 to index
          %get3A_356 = tpu.vector_load %arg12[%get3A_355] {strides = array<i32>} : memref<1088xf32, #tpu.memory_space<vmem>>, vector<16xf32>,
          %get3A_357 = arith.index_cast %add3A_346 : i32 to index
          %get3A_358 = tpu.vector_load %arg13[%get3A_357] {strides = array<i32>} : memref<1088xf32, #tpu.memory_space<vmem>>, vector<16xf32>,
          %get3A_359 = arith.index_cast %add3A_346 : i32 to index
          %get3A_360 = tpu.vector_load %arg14[%get3A_359] {strides = array<i32>} : memref<1088xf32, #tpu.memory_space<vmem>>, vector<16xf32>,
          %gt3A_361 = arith.constant -9.99999968E+37 : f32
          %gt3A_362 = vector.broadcast %gt3A_361 : f32 to vector<16xf32>
          %gt3A_363 = arith.cmpf ogt, %get3A_348, %gt3A_362 : vector<16xf32>
          %convert_element_type3A_364 = arith.extui %gt3A_363 : vector<16xi1> to vector<16xi32>
          %cumsum3A_365 = arith.constant true
          %cumsum3A_366 = vector.broadcast %cumsum3A_365 : i1 to vector<16xi1>
          %cumsum3A_367 = tpu.scan <sum>, %convert_element_type3A_364 masked %cumsum3A_366 : vector<16xi32>, vector<16xi1> -> vector<16xi32>
          %add3A_368 = vector.broadcast %add3A_340 : i32 to vector<16xi32>
          %add3A_369 = arith.addi %add3A_368, %cumsum3A_367 : vector<16xi32>
          %sub3A_370 = arith.constant 1 : i32
          %sub3A_371 = vector.broadcast %sub3A_370 : i32 to vector<16xi32>
          %sub3A_372 = arith.subi %add3A_369, %sub3A_371 : vector<16xi32>
          %jit3A_373 = arith.constant 1087 : i32
          %broadcast_in_dim3A_374 = vector.broadcast %jit3A_373 : i32 to vector<16xi32>
          %select_n3A_375 = arith.select %gt3A_363, %sub3A_372, %broadcast_in_dim3A_374 : vector<16xi1>, vector<16xi32>
          tpu.vector_store_idx %arg10[%select_n3A_375], %get3A_352 : memref<1088xf32, #tpu.memory_space<vmem>>[vector<16xi32>], vector<16xf32>,
          tpu.vector_store_idx %arg11[%select_n3A_375], %get3A_354 : memref<1088xf32, #tpu.memory_space<vmem>>[vector<16xi32>], vector<16xf32>,
          tpu.vector_store_idx %arg12[%select_n3A_375], %get3A_356 : memref<1088xf32, #tpu.memory_space<vmem>>[vector<16xi32>], vector<16xf32>,
          tpu.vector_store_idx %arg13[%select_n3A_375], %get3A_358 : memref<1088xf32, #tpu.memory_space<vmem>>[vector<16xi32>], vector<16xf32>,
          tpu.vector_store_idx %arg14[%select_n3A_375], %get3A_360 : memref<1088xf32, #tpu.memory_space<vmem>>[vector<16xi32>], vector<16xf32>,
          tpu.vector_store_idx %arg15[%select_n3A_375], %get3A_348 : memref<1088xf32, #tpu.memory_space<vmem>>[vector<16xi32>], vector<16xf32>,
          tpu.vector_store_idx %arg17[%select_n3A_375], %get3A_350 : memref<1088xi32, #tpu.memory_space<vmem>>[vector<16xi32>], vector<16xi32>,
          %gt3A_376 = arith.cmpf ogt, %get3A_348, %select_n3A_330 : vector<16xf32>
          %select_n3A_377 = arith.select %gt3A_376, %get3A_348, %select_n3A_330 : vector<16xi1>, vector<16xf32>
          %select_n3A_378 = arith.select %gt3A_376, %select_n3A_375, %select_n3A_331 : vector<16xi1>, vector<16xi32>
          %reduce_max3A_379 = arith.constant true
          %reduce_max3A_380 = vector.broadcast %reduce_max3A_379 : i1 to vector<16xi1>
          %reduce_max3A_381 = arith.constant -2147483648 : i32
          %reduce_max3A_382 = vector.broadcast %reduce_max3A_381 : i32 to vector<16xi32>
          %reduce_max3A_383 = arith.xori %cumsum3A_367, %reduce_max3A_382 : vector<16xi32>
          %reduce_max3A_384 = tpu.scan <max>, %reduce_max3A_383 masked %reduce_max3A_380 : vector<16xi32>, vector<16xi1> -> vector<16xi32>
          %reduce_max3A_385 = arith.xori %reduce_max3A_384, %reduce_max3A_382 : vector<16xi32>
          %reduce_max3A_386 = vector.extract %reduce_max3A_385[15] : i32 from vector<16xi32>
          %add3A_387 = arith.addi %add3A_340, %reduce_max3A_386 : i32
          %mul3A_388 = arith.constant 4 : i32
          %mul3A_389 = arith.muli %mul3A_388, %while3A_246 : i32
          %mul3A_390 = arith.constant 16 : i32
          %mul3A_391 = arith.muli %mul3A_389, %mul3A_390 : i32
          %add3A_392 = arith.constant 48 : i32
          %add3A_393 = arith.addi %mul3A_391, %add3A_392 : i32
          %get3A_394 = arith.index_cast %add3A_393 : i32 to index
          %get3A_395 = tpu.vector_load %arg15[%get3A_394] {strides = array<i32>} : memref<1088xf32, #tpu.memory_space<vmem>>, vector<16xf32>,
          %get3A_396 = arith.index_cast %add3A_393 : i32 to index
          %get3A_397 = tpu.vector_load %arg17[%get3A_396] {strides = array<i32>} : memref<1088xi32, #tpu.memory_space<vmem>>, vector<16xi32>,
          %get3A_398 = arith.index_cast %add3A_393 : i32 to index
          %get3A_399 = tpu.vector_load %arg10[%get3A_398] {strides = array<i32>} : memref<1088xf32, #tpu.memory_space<vmem>>, vector<16xf32>,
          %get3A_400 = arith.index_cast %add3A_393 : i32 to index
          %get3A_401 = tpu.vector_load %arg11[%get3A_400] {strides = array<i32>} : memref<1088xf32, #tpu.memory_space<vmem>>, vector<16xf32>,
          %get3A_402 = arith.index_cast %add3A_393 : i32 to index
          %get3A_403 = tpu.vector_load %arg12[%get3A_402] {strides = array<i32>} : memref<1088xf32, #tpu.memory_space<vmem>>, vector<16xf32>,
          %get3A_404 = arith.index_cast %add3A_393 : i32 to index
          %get3A_405 = tpu.vector_load %arg13[%get3A_404] {strides = array<i32>} : memref<1088xf32, #tpu.memory_space<vmem>>, vector<16xf32>,
          %get3A_406 = arith.index_cast %add3A_393 : i32 to index
          %get3A_407 = tpu.vector_load %arg14[%get3A_406] {strides = array<i32>} : memref<1088xf32, #tpu.memory_space<vmem>>, vector<16xf32>,
          %gt3A_408 = arith.constant -9.99999968E+37 : f32
          %gt3A_409 = vector.broadcast %gt3A_408 : f32 to vector<16xf32>
          %gt3A_410 = arith.cmpf ogt, %get3A_395, %gt3A_409 : vector<16xf32>
          %convert_element_type3A_411 = arith.extui %gt3A_410 : vector<16xi1> to vector<16xi32>
          %cumsum3A_412 = arith.constant true
          %cumsum3A_413 = vector.broadcast %cumsum3A_412 : i1 to vector<16xi1>
          %cumsum3A_414 = tpu.scan <sum>, %convert_element_type3A_411 masked %cumsum3A_413 : vector<16xi32>, vector<16xi1> -> vector<16xi32>
          %add3A_415 = vector.broadcast %add3A_387 : i32 to vector<16xi32>
          %add3A_416 = arith.addi %add3A_415, %cumsum3A_414 : vector<16xi32>
          %sub3A_417 = arith.constant 1 : i32
          %sub3A_418 = vector.broadcast %sub3A_417 : i32 to vector<16xi32>
          %sub3A_419 = arith.subi %add3A_416, %sub3A_418 : vector<16xi32>
          %jit3A_420 = arith.constant 1087 : i32
          %broadcast_in_dim3A_421 = vector.broadcast %jit3A_420 : i32 to vector<16xi32>
          %select_n3A_422 = arith.select %gt3A_410, %sub3A_419, %broadcast_in_dim3A_421 : vector<16xi1>, vector<16xi32>
          tpu.vector_store_idx %arg10[%select_n3A_422], %get3A_399 : memref<1088xf32, #tpu.memory_space<vmem>>[vector<16xi32>], vector<16xf32>,
          tpu.vector_store_idx %arg11[%select_n3A_422], %get3A_401 : memref<1088xf32, #tpu.memory_space<vmem>>[vector<16xi32>], vector<16xf32>,
          tpu.vector_store_idx %arg12[%select_n3A_422], %get3A_403 : memref<1088xf32, #tpu.memory_space<vmem>>[vector<16xi32>], vector<16xf32>,
          tpu.vector_store_idx %arg13[%select_n3A_422], %get3A_405 : memref<1088xf32, #tpu.memory_space<vmem>>[vector<16xi32>], vector<16xf32>,
          tpu.vector_store_idx %arg14[%select_n3A_422], %get3A_407 : memref<1088xf32, #tpu.memory_space<vmem>>[vector<16xi32>], vector<16xf32>,
          tpu.vector_store_idx %arg15[%select_n3A_422], %get3A_395 : memref<1088xf32, #tpu.memory_space<vmem>>[vector<16xi32>], vector<16xf32>,
          tpu.vector_store_idx %arg17[%select_n3A_422], %get3A_397 : memref<1088xi32, #tpu.memory_space<vmem>>[vector<16xi32>], vector<16xi32>,
          %gt3A_423 = arith.cmpf ogt, %get3A_395, %select_n3A_377 : vector<16xf32>
          %select_n3A_424 = arith.select %gt3A_423, %get3A_395, %select_n3A_377 : vector<16xi1>, vector<16xf32>
          %select_n3A_425 = arith.select %gt3A_423, %select_n3A_422, %select_n3A_378 : vector<16xi1>, vector<16xi32>
          %reduce_max3A_426 = arith.constant true
          %reduce_max3A_427 = vector.broadcast %reduce_max3A_426 : i1 to vector<16xi1>
          %reduce_max3A_428 = arith.constant -2147483648 : i32
          %reduce_max3A_429 = vector.broadcast %reduce_max3A_428 : i32 to vector<16xi32>
          %reduce_max3A_430 = arith.xori %cumsum3A_414, %reduce_max3A_429 : vector<16xi32>
          %reduce_max3A_431 = tpu.scan <max>, %reduce_max3A_430 masked %reduce_max3A_427 : vector<16xi32>, vector<16xi1> -> vector<16xi32>
          %reduce_max3A_432 = arith.xori %reduce_max3A_431, %reduce_max3A_429 : vector<16xi32>
          %reduce_max3A_433 = vector.extract %reduce_max3A_432[15] : i32 from vector<16xi32>
          %add3A_434 = arith.addi %add3A_387, %reduce_max3A_433 : i32
          scf.yield %select_n3A_424, %select_n3A_425, %add3A_434 : vector<16xf32>, vector<16xi32>, i32
        }
        %add3A_205 = arith.constant 0 : i32
        %add3A_206 = arith.addi %while3A_204#2, %add3A_205 : i32
        %swap3A_207 = arith.index_cast %add3A_206 : i32 to index
        %swap3A_208 = tpu.vector_load %arg15[%swap3A_207] {strides = array<i32>} : memref<1088xf32, #tpu.memory_space<vmem>>, vector<16xf32>,
        tpu.vector_store %arg15[%swap3A_207], %broadcast_in_dim3A_1 {strides = array<i32>} : memref<1088xf32, #tpu.memory_space<vmem>>, vector<16xf32>,
        %swap3A_209 = arith.index_cast %add3A_206 : i32 to index
        %swap3A_210 = tpu.vector_load %arg17[%swap3A_209] {strides = array<i32>} : memref<1088xi32, #tpu.memory_space<vmem>>, vector<16xi32>,
        tpu.vector_store %arg17[%swap3A_209], %broadcast_in_dim3A_3 {strides = array<i32>} : memref<1088xi32, #tpu.memory_space<vmem>>, vector<16xi32>,
        %add3A_211 = arith.constant 16 : i32
        %add3A_212 = arith.addi %while3A_204#2, %add3A_211 : i32
        %swap3A_213 = arith.index_cast %add3A_212 : i32 to index
        %swap3A_214 = tpu.vector_load %arg15[%swap3A_213] {strides = array<i32>} : memref<1088xf32, #tpu.memory_space<vmem>>, vector<16xf32>,
        tpu.vector_store %arg15[%swap3A_213], %broadcast_in_dim3A_1 {strides = array<i32>} : memref<1088xf32, #tpu.memory_space<vmem>>, vector<16xf32>,
        %swap3A_215 = arith.index_cast %add3A_212 : i32 to index
        %swap3A_216 = tpu.vector_load %arg17[%swap3A_215] {strides = array<i32>} : memref<1088xi32, #tpu.memory_space<vmem>>, vector<16xi32>,
        tpu.vector_store %arg17[%swap3A_215], %broadcast_in_dim3A_3 {strides = array<i32>} : memref<1088xi32, #tpu.memory_space<vmem>>, vector<16xi32>,
        %add3A_217 = arith.constant 32 : i32
        %add3A_218 = arith.addi %while3A_204#2, %add3A_217 : i32
        %swap3A_219 = arith.index_cast %add3A_218 : i32 to index
        %swap3A_220 = tpu.vector_load %arg15[%swap3A_219] {strides = array<i32>} : memref<1088xf32, #tpu.memory_space<vmem>>, vector<16xf32>,
        tpu.vector_store %arg15[%swap3A_219], %broadcast_in_dim3A_1 {strides = array<i32>} : memref<1088xf32, #tpu.memory_space<vmem>>, vector<16xf32>,
        %swap3A_221 = arith.index_cast %add3A_218 : i32 to index
        %swap3A_222 = tpu.vector_load %arg17[%swap3A_221] {strides = array<i32>} : memref<1088xi32, #tpu.memory_space<vmem>>, vector<16xi32>,
        tpu.vector_store %arg17[%swap3A_221], %broadcast_in_dim3A_3 {strides = array<i32>} : memref<1088xi32, #tpu.memory_space<vmem>>, vector<16xi32>,
        %add3A_223 = arith.constant 48 : i32
        %add3A_224 = arith.addi %while3A_204#2, %add3A_223 : i32
        %swap3A_225 = arith.index_cast %add3A_224 : i32 to index
        %swap3A_226 = tpu.vector_load %arg15[%swap3A_225] {strides = array<i32>} : memref<1088xf32, #tpu.memory_space<vmem>>, vector<16xf32>,
        tpu.vector_store %arg15[%swap3A_225], %broadcast_in_dim3A_1 {strides = array<i32>} : memref<1088xf32, #tpu.memory_space<vmem>>, vector<16xf32>,
        %swap3A_227 = arith.index_cast %add3A_224 : i32 to index
        %swap3A_228 = tpu.vector_load %arg17[%swap3A_227] {strides = array<i32>} : memref<1088xi32, #tpu.memory_space<vmem>>, vector<16xi32>,
        tpu.vector_store %arg17[%swap3A_227], %broadcast_in_dim3A_3 {strides = array<i32>} : memref<1088xi32, #tpu.memory_space<vmem>>, vector<16xi32>,
        %reduce_max3A_229 = arith.constant true
        %reduce_max3A_230 = vector.broadcast %reduce_max3A_229 : i1 to vector<16xi1>
        %reduce_max3A_231 = tpu.scan <max>, %while3A_204#0 masked %reduce_max3A_230 : vector<16xf32>, vector<16xi1> -> vector<16xf32>
        %reduce_max3A_232 = vector.extract %reduce_max3A_231[15] : f32 from vector<16xf32>
        %eq3A_233 = vector.broadcast %reduce_max3A_232 : f32 to vector<16xf32>
        %eq3A_234 = arith.cmpf oeq, %while3A_204#0, %eq3A_233 : vector<16xf32>
        %jit3A_235 = arith.constant 1073741824 : i32
        %broadcast_in_dim3A_236 = vector.broadcast %jit3A_235 : i32 to vector<16xi32>
        %select_n3A_237 = arith.select %eq3A_234, %while3A_204#1, %broadcast_in_dim3A_236 : vector<16xi1>, vector<16xi32>
        %reduce_min3A_238 = arith.constant true
        %reduce_min3A_239 = vector.broadcast %reduce_min3A_238 : i1 to vector<16xi1>
        %reduce_min3A_240 = arith.constant -2147483648 : i32
        %reduce_min3A_241 = vector.broadcast %reduce_min3A_240 : i32 to vector<16xi32>
        %reduce_min3A_242 = arith.xori %select_n3A_237, %reduce_min3A_241 : vector<16xi32>
        %reduce_min3A_243 = tpu.scan <min>, %reduce_min3A_242 masked %reduce_min3A_239 : vector<16xi32>, vector<16xi1> -> vector<16xi32>
        %reduce_min3A_244 = arith.xori %reduce_min3A_243, %reduce_min3A_241 : vector<16xi32>
        %reduce_min3A_245 = vector.extract %reduce_min3A_244[15] : i32 from vector<16xi32>
        scf.yield %reduce_max3A_232, %reduce_min3A_245, %while3A_204#2 : f32, i32, i32
      }
      "tpu.region"() ({
        %run_scoped3A = tpu.sem_alloc : memref<!tpu.dma_semaphore, #tpu.memory_space<semaphore_mem>>
        %dma_start3A = arith.constant 0 : i32
        %dma_start3A_160 = arith.constant 0 : i32
        %dma_start3A_161 = tpu.memref_slice %arg5[%add3A_14, %dma_start3A, %dma_start3A_160] : memref<80x5x1024xf32, #tpu.memory_space<hbm>> -> memref<1x1x1024xf32, #tpu.memory_space<hbm>>
        %dma_start3A_162 = tpu.memref_squeeze %dma_start3A_161 : memref<1x1x1024xf32, #tpu.memory_space<hbm>> -> memref<1x1024xf32, #tpu.memory_space<hbm>>
        %dma_start3A_163 = arith.constant 0 : i32
        %dma_start3A_164 = arith.constant 0 : i32
        %dma_start3A_165 = tpu.memref_slice %arg5[%add3A_14, %dma_start3A_163, %dma_start3A_164] : memref<80x5x1024xf32, #tpu.memory_space<hbm>> -> memref<1x1x1024xf32, #tpu.memory_space<hbm>>
        %dma_start3A_166 = tpu.memref_squeeze %dma_start3A_165 : memref<1x1x1024xf32, #tpu.memory_space<hbm>> -> memref<1x1024xf32, #tpu.memory_space<hbm>>
        tpu.enqueue_dma source(%arg19 : memref<1x1024xf32, #tpu.memory_space<vmem>>) target(%dma_start3A_166 : memref<1x1024xf32, #tpu.memory_space<hbm>>) target_semaphore(%run_scoped3A : memref<!tpu.dma_semaphore, #tpu.memory_space<semaphore_mem>>)
        %dma_wait3A = arith.constant 0 : i32
        %dma_wait3A_167 = arith.constant 0 : i32
        %dma_wait3A_168 = tpu.memref_slice %arg5[%add3A_14, %dma_wait3A, %dma_wait3A_167] : memref<80x5x1024xf32, #tpu.memory_space<hbm>> -> memref<1x1x1024xf32, #tpu.memory_space<hbm>>
        %dma_wait3A_169 = tpu.memref_squeeze %dma_wait3A_168 : memref<1x1x1024xf32, #tpu.memory_space<hbm>> -> memref<1x1024xf32, #tpu.memory_space<hbm>>
        %dma_wait3A_170 = arith.constant 0 : i32
        %dma_wait3A_171 = arith.constant 0 : i32
        %dma_wait3A_172 = tpu.memref_slice %arg5[%add3A_14, %dma_wait3A_170, %dma_wait3A_171] : memref<80x5x1024xf32, #tpu.memory_space<hbm>> -> memref<1x1x1024xf32, #tpu.memory_space<hbm>>
        %dma_wait3A_173 = tpu.memref_squeeze %dma_wait3A_172 : memref<1x1x1024xf32, #tpu.memory_space<hbm>> -> memref<1x1024xf32, #tpu.memory_space<hbm>>
        tpu.wait_dma2 semaphore(%run_scoped3A : memref<!tpu.dma_semaphore, #tpu.memory_space<semaphore_mem>>) src(%arg19 : memref<1x1024xf32, #tpu.memory_space<vmem>>) dst(%dma_wait3A_173 : memref<1x1024xf32, #tpu.memory_space<hbm>>)
        tpu.yield
      }) : () -> ()
      "tpu.region"() ({
        %run_scoped3A = tpu.sem_alloc : memref<!tpu.dma_semaphore, #tpu.memory_space<semaphore_mem>>
        %dma_start3A = arith.constant 1 : i32
        %dma_start3A_160 = arith.constant 0 : i32
        %dma_start3A_161 = tpu.memref_slice %arg5[%add3A_14, %dma_start3A, %dma_start3A_160] : memref<80x5x1024xf32, #tpu.memory_space<hbm>> -> memref<1x1x1024xf32, #tpu.memory_space<hbm>>
        %dma_start3A_162 = tpu.memref_squeeze %dma_start3A_161 : memref<1x1x1024xf32, #tpu.memory_space<hbm>> -> memref<1x1024xf32, #tpu.memory_space<hbm>>
        %dma_start3A_163 = arith.constant 1 : i32
        %dma_start3A_164 = arith.constant 0 : i32
        %dma_start3A_165 = tpu.memref_slice %arg5[%add3A_14, %dma_start3A_163, %dma_start3A_164] : memref<80x5x1024xf32, #tpu.memory_space<hbm>> -> memref<1x1x1024xf32, #tpu.memory_space<hbm>>
        %dma_start3A_166 = tpu.memref_squeeze %dma_start3A_165 : memref<1x1x1024xf32, #tpu.memory_space<hbm>> -> memref<1x1024xf32, #tpu.memory_space<hbm>>
        tpu.enqueue_dma source(%arg20 : memref<1x1024xf32, #tpu.memory_space<vmem>>) target(%dma_start3A_166 : memref<1x1024xf32, #tpu.memory_space<hbm>>) target_semaphore(%run_scoped3A : memref<!tpu.dma_semaphore, #tpu.memory_space<semaphore_mem>>)
        %dma_wait3A = arith.constant 1 : i32
        %dma_wait3A_167 = arith.constant 0 : i32
        %dma_wait3A_168 = tpu.memref_slice %arg5[%add3A_14, %dma_wait3A, %dma_wait3A_167] : memref<80x5x1024xf32, #tpu.memory_space<hbm>> -> memref<1x1x1024xf32, #tpu.memory_space<hbm>>
        %dma_wait3A_169 = tpu.memref_squeeze %dma_wait3A_168 : memref<1x1x1024xf32, #tpu.memory_space<hbm>> -> memref<1x1024xf32, #tpu.memory_space<hbm>>
        %dma_wait3A_170 = arith.constant 1 : i32
        %dma_wait3A_171 = arith.constant 0 : i32
        %dma_wait3A_172 = tpu.memref_slice %arg5[%add3A_14, %dma_wait3A_170, %dma_wait3A_171] : memref<80x5x1024xf32, #tpu.memory_space<hbm>> -> memref<1x1x1024xf32, #tpu.memory_space<hbm>>
        %dma_wait3A_173 = tpu.memref_squeeze %dma_wait3A_172 : memref<1x1x1024xf32, #tpu.memory_space<hbm>> -> memref<1x1024xf32, #tpu.memory_space<hbm>>
        tpu.wait_dma2 semaphore(%run_scoped3A : memref<!tpu.dma_semaphore, #tpu.memory_space<semaphore_mem>>) src(%arg20 : memref<1x1024xf32, #tpu.memory_space<vmem>>) dst(%dma_wait3A_173 : memref<1x1024xf32, #tpu.memory_space<hbm>>)
        tpu.yield
      }) : () -> ()
      "tpu.region"() ({
        %run_scoped3A = tpu.sem_alloc : memref<!tpu.dma_semaphore, #tpu.memory_space<semaphore_mem>>
        %dma_start3A = arith.constant 2 : i32
        %dma_start3A_160 = arith.constant 0 : i32
        %dma_start3A_161 = tpu.memref_slice %arg5[%add3A_14, %dma_start3A, %dma_start3A_160] : memref<80x5x1024xf32, #tpu.memory_space<hbm>> -> memref<1x1x1024xf32, #tpu.memory_space<hbm>>
        %dma_start3A_162 = tpu.memref_squeeze %dma_start3A_161 : memref<1x1x1024xf32, #tpu.memory_space<hbm>> -> memref<1x1024xf32, #tpu.memory_space<hbm>>
        %dma_start3A_163 = arith.constant 2 : i32
        %dma_start3A_164 = arith.constant 0 : i32
        %dma_start3A_165 = tpu.memref_slice %arg5[%add3A_14, %dma_start3A_163, %dma_start3A_164] : memref<80x5x1024xf32, #tpu.memory_space<hbm>> -> memref<1x1x1024xf32, #tpu.memory_space<hbm>>
        %dma_start3A_166 = tpu.memref_squeeze %dma_start3A_165 : memref<1x1x1024xf32, #tpu.memory_space<hbm>> -> memref<1x1024xf32, #tpu.memory_space<hbm>>
        tpu.enqueue_dma source(%arg21 : memref<1x1024xf32, #tpu.memory_space<vmem>>) target(%dma_start3A_166 : memref<1x1024xf32, #tpu.memory_space<hbm>>) target_semaphore(%run_scoped3A : memref<!tpu.dma_semaphore, #tpu.memory_space<semaphore_mem>>)
        %dma_wait3A = arith.constant 2 : i32
        %dma_wait3A_167 = arith.constant 0 : i32
        %dma_wait3A_168 = tpu.memref_slice %arg5[%add3A_14, %dma_wait3A, %dma_wait3A_167] : memref<80x5x1024xf32, #tpu.memory_space<hbm>> -> memref<1x1x1024xf32, #tpu.memory_space<hbm>>
        %dma_wait3A_169 = tpu.memref_squeeze %dma_wait3A_168 : memref<1x1x1024xf32, #tpu.memory_space<hbm>> -> memref<1x1024xf32, #tpu.memory_space<hbm>>
        %dma_wait3A_170 = arith.constant 2 : i32
        %dma_wait3A_171 = arith.constant 0 : i32
        %dma_wait3A_172 = tpu.memref_slice %arg5[%add3A_14, %dma_wait3A_170, %dma_wait3A_171] : memref<80x5x1024xf32, #tpu.memory_space<hbm>> -> memref<1x1x1024xf32, #tpu.memory_space<hbm>>
        %dma_wait3A_173 = tpu.memref_squeeze %dma_wait3A_172 : memref<1x1x1024xf32, #tpu.memory_space<hbm>> -> memref<1x1024xf32, #tpu.memory_space<hbm>>
        tpu.wait_dma2 semaphore(%run_scoped3A : memref<!tpu.dma_semaphore, #tpu.memory_space<semaphore_mem>>) src(%arg21 : memref<1x1024xf32, #tpu.memory_space<vmem>>) dst(%dma_wait3A_173 : memref<1x1024xf32, #tpu.memory_space<hbm>>)
        tpu.yield
      }) : () -> ()
      "tpu.region"() ({
        %run_scoped3A = tpu.sem_alloc : memref<!tpu.dma_semaphore, #tpu.memory_space<semaphore_mem>>
        %dma_start3A = arith.constant 3 : i32
        %dma_start3A_160 = arith.constant 0 : i32
        %dma_start3A_161 = tpu.memref_slice %arg5[%add3A_14, %dma_start3A, %dma_start3A_160] : memref<80x5x1024xf32, #tpu.memory_space<hbm>> -> memref<1x1x1024xf32, #tpu.memory_space<hbm>>
        %dma_start3A_162 = tpu.memref_squeeze %dma_start3A_161 : memref<1x1x1024xf32, #tpu.memory_space<hbm>> -> memref<1x1024xf32, #tpu.memory_space<hbm>>
        %dma_start3A_163 = arith.constant 3 : i32
        %dma_start3A_164 = arith.constant 0 : i32
        %dma_start3A_165 = tpu.memref_slice %arg5[%add3A_14, %dma_start3A_163, %dma_start3A_164] : memref<80x5x1024xf32, #tpu.memory_space<hbm>> -> memref<1x1x1024xf32, #tpu.memory_space<hbm>>
        %dma_start3A_166 = tpu.memref_squeeze %dma_start3A_165 : memref<1x1x1024xf32, #tpu.memory_space<hbm>> -> memref<1x1024xf32, #tpu.memory_space<hbm>>
        tpu.enqueue_dma source(%arg22 : memref<1x1024xf32, #tpu.memory_space<vmem>>) target(%dma_start3A_166 : memref<1x1024xf32, #tpu.memory_space<hbm>>) target_semaphore(%run_scoped3A : memref<!tpu.dma_semaphore, #tpu.memory_space<semaphore_mem>>)
        %dma_wait3A = arith.constant 3 : i32
        %dma_wait3A_167 = arith.constant 0 : i32
        %dma_wait3A_168 = tpu.memref_slice %arg5[%add3A_14, %dma_wait3A, %dma_wait3A_167] : memref<80x5x1024xf32, #tpu.memory_space<hbm>> -> memref<1x1x1024xf32, #tpu.memory_space<hbm>>
        %dma_wait3A_169 = tpu.memref_squeeze %dma_wait3A_168 : memref<1x1x1024xf32, #tpu.memory_space<hbm>> -> memref<1x1024xf32, #tpu.memory_space<hbm>>
        %dma_wait3A_170 = arith.constant 3 : i32
        %dma_wait3A_171 = arith.constant 0 : i32
        %dma_wait3A_172 = tpu.memref_slice %arg5[%add3A_14, %dma_wait3A_170, %dma_wait3A_171] : memref<80x5x1024xf32, #tpu.memory_space<hbm>> -> memref<1x1x1024xf32, #tpu.memory_space<hbm>>
        %dma_wait3A_173 = tpu.memref_squeeze %dma_wait3A_172 : memref<1x1x1024xf32, #tpu.memory_space<hbm>> -> memref<1x1024xf32, #tpu.memory_space<hbm>>
        tpu.wait_dma2 semaphore(%run_scoped3A : memref<!tpu.dma_semaphore, #tpu.memory_space<semaphore_mem>>) src(%arg22 : memref<1x1024xf32, #tpu.memory_space<vmem>>) dst(%dma_wait3A_173 : memref<1x1024xf32, #tpu.memory_space<hbm>>)
        tpu.yield
      }) : () -> ()
      "tpu.region"() ({
        %run_scoped3A = tpu.sem_alloc : memref<!tpu.dma_semaphore, #tpu.memory_space<semaphore_mem>>
        %dma_start3A = arith.constant 4 : i32
        %dma_start3A_160 = arith.constant 0 : i32
        %dma_start3A_161 = tpu.memref_slice %arg5[%add3A_14, %dma_start3A, %dma_start3A_160] : memref<80x5x1024xf32, #tpu.memory_space<hbm>> -> memref<1x1x1024xf32, #tpu.memory_space<hbm>>
        %dma_start3A_162 = tpu.memref_squeeze %dma_start3A_161 : memref<1x1x1024xf32, #tpu.memory_space<hbm>> -> memref<1x1024xf32, #tpu.memory_space<hbm>>
        %dma_start3A_163 = arith.constant 4 : i32
        %dma_start3A_164 = arith.constant 0 : i32
        %dma_start3A_165 = tpu.memref_slice %arg5[%add3A_14, %dma_start3A_163, %dma_start3A_164] : memref<80x5x1024xf32, #tpu.memory_space<hbm>> -> memref<1x1x1024xf32, #tpu.memory_space<hbm>>
        %dma_start3A_166 = tpu.memref_squeeze %dma_start3A_165 : memref<1x1x1024xf32, #tpu.memory_space<hbm>> -> memref<1x1024xf32, #tpu.memory_space<hbm>>
        tpu.enqueue_dma source(%arg23 : memref<1x1024xf32, #tpu.memory_space<vmem>>) target(%dma_start3A_166 : memref<1x1024xf32, #tpu.memory_space<hbm>>) target_semaphore(%run_scoped3A : memref<!tpu.dma_semaphore, #tpu.memory_space<semaphore_mem>>)
        %dma_wait3A = arith.constant 4 : i32
        %dma_wait3A_167 = arith.constant 0 : i32
        %dma_wait3A_168 = tpu.memref_slice %arg5[%add3A_14, %dma_wait3A, %dma_wait3A_167] : memref<80x5x1024xf32, #tpu.memory_space<hbm>> -> memref<1x1x1024xf32, #tpu.memory_space<hbm>>
        %dma_wait3A_169 = tpu.memref_squeeze %dma_wait3A_168 : memref<1x1x1024xf32, #tpu.memory_space<hbm>> -> memref<1x1024xf32, #tpu.memory_space<hbm>>
        %dma_wait3A_170 = arith.constant 4 : i32
        %dma_wait3A_171 = arith.constant 0 : i32
        %dma_wait3A_172 = tpu.memref_slice %arg5[%add3A_14, %dma_wait3A_170, %dma_wait3A_171] : memref<80x5x1024xf32, #tpu.memory_space<hbm>> -> memref<1x1x1024xf32, #tpu.memory_space<hbm>>
        %dma_wait3A_173 = tpu.memref_squeeze %dma_wait3A_172 : memref<1x1x1024xf32, #tpu.memory_space<hbm>> -> memref<1x1024xf32, #tpu.memory_space<hbm>>
        tpu.wait_dma2 semaphore(%run_scoped3A : memref<!tpu.dma_semaphore, #tpu.memory_space<semaphore_mem>>) src(%arg23 : memref<1x1024xf32, #tpu.memory_space<vmem>>) dst(%dma_wait3A_173 : memref<1x1024xf32, #tpu.memory_space<hbm>>)
        tpu.yield
      }) : () -> ()
      %sc_fetch_and_add3A_156 = arith.constant 1 : i32
      %sc_fetch_and_add3A_157 = arith.constant 0 : i32
      %sc_fetch_and_add3A_158 = arith.constant 0 : i32
      %sc_fetch_and_add3A_159 = tpu.fetch_and_add_sync %arg24[%sc_fetch_and_add3A_157], %sc_fetch_and_add3A_156, %sc_fetch_and_add3A_158 : memref<1xi32, #tpu.memory_space<smem>>, i32 -> i32
      scf.yield %sc_fetch_and_add3A_159 : i32
    }
    return
  }
}

</mosaic_0001>

<sc_bundles>
// kernel: kernel.3.cloned.1.call-start
scs
__scs_entry_jumppad:
0x0: {  	(pc) =	sbr.rel $0x88, $3  }
0x1: {  	(tag) =	ssettag $0x0;
	lr =	simm.s32 $0x1  }
0x2: {  	[smem:$0x3F9E] =	sst lr;
	_ =	strace $0xD0000000  }
0x3: {  	_ = 	snop  }
0x4: {  	_ = 	snop  }
0x5: {  	_ = 	snop  }
0x6: {  	_ = 	snop  }
0x7: {  	_ = 	snop  }
__scs_overlays_trampoline_lowered:
0x8: {  	[smem:$0x3FAD] =	sst s0  }
0x9: {  	[smem:$0x3FAE] =	sst s1  }
0xa: {  	[smem:$0x3FAF] =	sst s2  }
0xb: {  	[smem:$0x3FB0] =	sst s3  }
0xc: {  	[smem:$0x3FB1] =	sst s4  }
0xd: {  	[smem:$0x3FB2] =	sst s5  }
0xe: {  	[smem:$0x3FB3] =	sst s6  }
0xf: {  	[smem:$0x3FB4] =	sst s7  }
0x10: {  	[smem:$0x3FB5] =	sst s8  }
0x11: {  	[smem:$0x3FB6] =	sst s9;
	s0 =	simm.s32 @!p0 $0x0  }
0x12: {  	s1 =	sld [smem:$0x3F9C];
	s0 =	simm.s32 @p0 $0x1  }
0x13: {  	[smem:$0x3FB7] =	sst s0;
	s0 =	simm.s32 @!p1 $0x0  }
0x14: {  	s2 =	sld [smem:$0x3F9B];
	s0 =	simm.s32 @p1 $0x1  }
0x15: {  	[smem:$0x3FB8] =	sst s0;
	s0 =	simm.s32 @!p2 $0x0  }
0x16: {  	s3 =	sld [smem:$0x3FDB];
	s0 =	simm.s32 @p2 $0x1  }
0x17: {  	s4 =	simm.s32 $0x1BF5;
	[smem:$0x3FBA] =	sst s0  }
0x18: {  	s0 =	sld [smem:$0x3F9D];
	_ =	swait.ge [sflag:s4], $0x0  }
0x19: {  	s7 =	sld [smem:$0x3F9E]  }
0x1a: {  	s8 =	sadd.s32 $0xFFFFE003, lr  }
0x1b: {  	s9 =	sadd.s32 $0xFFFFFEF7, lr;
	s5 =	simm.s32 $0xFFFFFFFF;
	p2 =	slt.u32 s8, $0xFFFFF086  }
0x1c: {  	p1 =	slt.u32 s9, $0xF7A;
	s5 =	simm.s32 @!p2 $0x0  }
0x1d: {  	s5 =	simm.s32 @p1 $0x1;
	p0 =	seq.s32 s7, s2  }
0x1e: {  	s7 =	smul.u32 @!p0 $0xF7A, s2;
	p2 =	seq.s32 @!p0 s5, $0x0  }
0x1f: {  	s9 =	smul.u32 $0xF7A, s1;
	s8 =	simm.s32 @!p0 $0x1BF5;
	p2 =	por !p2, p0  }
0x20: {  	[sflag:s8] =	ssyncset.s32 @!p0 $0xFFFFF086;
	s6 =	sadd.s32 @!p0 s3, s7;
	s7 =	simm.s32 @!p0 $0x108  }
0x21: {  	s3 =	sadd.s32 s3, s9;
	s6 =	sadd.s32 @!p0 $0x88, s6;
	s7 =	simm.s32 @p2 $0x1082  }
0x22: {  	[simem:s7], [sflag:s8] =	dma.local @!p0 [hbm:s6], $0xF7A  }
0x23: {  	s9 =	sor.u32 $0xD0000000, s2;
	s6 =	simm.s32 $0x108;
	_ =	swait.ge @!p0 [sflag:s8], $0x0  }
0x24: {  	s3 =	sadd.s32 $0x88, s3;
	s6 =	simm.s32 @!p1 $0x1082;
	[sflag:s4] =	ssyncset.s32 $0xFFFFF086  }
0x25: {  	[simem:s6], [sflag:s4] =	dma.local [hbm:s3], $0xF7A  }
0x26: {  	[smem:$0x3F9E] =	sst s1;
	(tag) =	ssettag s2;
	_ =	strace s9  }
0x27: {  	s1 =	sld [smem:$0x3FAE]  }
0x28: {  	s2 =	sld [smem:$0x3FAF]  }
0x29: {  	s4 =	sld [smem:$0x3FB1]  }
0x2a: {  	p0 =	seq.s32 s5, $0x0;
	s5 =	sld [smem:$0x3FB2]  }
0x2b: {  	s6 =	sld [smem:$0x3FB3]  }
0x2c: {  	s7 =	sld [smem:$0x3FB4]  }
0x2d: {  	s3 =	simm.s32 $0x108;
	s8 =	sld [smem:$0x3FB5]  }
0x2e: {  	s3 =	simm.s32 @!p0 $0x1082;
	s9 =	sld [smem:$0x3FB6]  }
0x2f: {  	lr =	sadd.s32 s0, s3;
	s0 =	sld [smem:$0x3FAD]  }
0x30: {  	s3 =	sld [smem:$0x3FB0]  }
0x31: {  	[smem:$0x3FB9] =	sst s10  }
0x32: {  	s10 =	sld [smem:$0x3FB7];
	_ =	sdelay $0x3  }
0x33: {  	p0 =	seq.s32 s10, $0x1;
	s10 =	sld [smem:$0x3FB9];
	_ =	sdelay $0x3  }
0x34: {  	[smem:$0x3FB9] =	sst s10  }
0x35: {  	s10 =	sld [smem:$0x3FB8];
	_ =	sdelay $0x3  }
0x36: {  	p1 =	seq.s32 s10, $0x1;
	s10 =	sld [smem:$0x3FB9];
	_ =	sdelay $0x3  }
0x37: {  	[smem:$0x3FB9] =	sst s10  }
0x38: {  	s10 =	sld [smem:$0x3FBA]  }
0x39: {  	_ = 	snop;
	(pc) =	sbr.ind lr, $3  }
0x3a: {  	_ = 	snop  }
0x3b: {  	_ = 	snop  }
0x3c: {  	p2 =	seq.s32 s10, $0x1;
	s10 =	sld [smem:$0x3FB9]  }
0x3d: {  	_ =	shalt  }
0x3e: {  	_ =	shalt  }
0x3f: {  	_ =	shalt  }
0x40: {  	_ =	shalt  }
0x41: {  	_ =	shalt  }
0x42: {  	_ =	shalt  }
0x43: {  	_ =	shalt  }
0x44: {  	_ =	shalt  }
0x45: {  	_ =	shalt  }
0x46: {  	_ =	shalt  }
0x47: {  	_ =	shalt  }
0x48: {  	_ =	shalt  }
0x49: {  	_ =	shalt  }
0x4a: {  	_ =	shalt  }
0x4b: {  	_ =	shalt  }
0x4c: {  	_ =	shalt  }
0x4d: {  	_ =	shalt  }
0x4e: {  	_ =	shalt  }
0x4f: {  	_ =	shalt  }
0x50: {  	_ =	shalt  }
0x51: {  	_ =	shalt  }
0x52: {  	_ =	shalt  }
0x53: {  	_ =	shalt  }
0x54: {  	_ =	shalt  }
0x55: {  	_ =	shalt  }
0x56: {  	_ =	shalt  }
0x57: {  	_ =	shalt  }
0x58: {  	_ =	shalt  }
0x59: {  	_ =	shalt  }
0x5a: {  	_ =	shalt  }
0x5b: {  	_ =	shalt  }
0x5c: {  	_ =	shalt  }
0x5d: {  	_ =	shalt  }
0x5e: {  	_ =	shalt  }
0x5f: {  	_ =	shalt  }
0x60: {  	_ =	shalt  }
0x61: {  	_ =	shalt  }
0x62: {  	_ =	shalt  }
0x63: {  	_ =	shalt  }
0x64: {  	_ =	shalt  }
0x65: {  	_ =	shalt  }
0x66: {  	_ =	shalt  }
0x67: {  	_ =	shalt  }
0x68: {  	_ =	shalt  }
0x69: {  	_ =	shalt  }
0x6a: {  	_ =	shalt  }
0x6b: {  	_ =	shalt  }
0x6c: {  	_ =	shalt  }
0x6d: {  	_ =	shalt  }
0x6e: {  	_ =	shalt  }
0x6f: {  	_ =	shalt  }
0x70: {  	_ =	shalt  }
0x71: {  	_ =	shalt  }
0x72: {  	_ =	shalt  }
0x73: {  	_ =	shalt  }
0x74: {  	_ =	shalt  }
0x75: {  	_ =	shalt  }
0x76: {  	_ =	shalt  }
0x77: {  	_ =	shalt  }
0x78: {  	_ =	shalt  }
0x79: {  	_ =	shalt  }
0x7a: {  	_ =	shalt  }
0x7b: {  	_ =	shalt  }
0x7c: {  	_ =	shalt  }
0x7d: {  	_ =	shalt  }
0x7e: {  	_ =	shalt  }
0x7f: {  	_ =	shalt  }
0x80: {  	_ =	shalt  }
0x81: {  	_ =	shalt  }
0x82: {  	_ =	shalt  }
0x83: {  	_ =	shalt  }
0x84: {  	_ =	shalt  }
0x85: {  	_ =	shalt  }
0x86: {  	_ =	shalt  }
0x87: {  	_ =	shalt  }
.Lfunc_end0:
.L_simem_size_0:
called_computation_lowered:
.L_overlay_start_0:
0x88: {  	s2 =	sld [smem:$0x3FD9]  }
0x89: {  	s3 =	sld [smem:$0x3FFE];
	_ =	sdelay $0x1  }
0x8a: {  	s1 =	srdreg.scid  }
0x8b: {  	s0 =	sand.u32 $0x1, s1  }
0x8c: {  	s17 =	sshll.u32 s0, $0xA;
	s2 =	sadd.s32 s3, s2  }
0x8d: {  	s2 =	sadd.s32 s2, s17  }
0x8e: {  	[smem:$0x3FC5] =	sst s2  }
0x8f: {  	_ = 	snop  }
0x90: {  	s2 =	sld [smem:$0x3FD0];
	(tm) =	ssettm $0x1  }
0x91: {  	s18 =	sld [smem:$0x3FFB];
	_ =	sdelay $0x3  }
0x92: {  	_ =	strace s18  }
0x93: {  	s3 =	sld [smem:$0x3FFC];
	_ =	sdelay $0x3  }
0x94: {  	_ =	strace s3  }
0x95: {  	s3 =	sld [smem:$0x3FFD];
	_ =	sdelay $0x3  }
0x96: {  	_ =	strace s3  }
0x97: {  	_ =	strace $0x8FFFFFFF  }
0x98: {  	s19 =	sld [smem:$0x3FDB];
	_ =	sdelay $0x1  }
0x99: {  	s4 =	simm.s32 $_scs_section_size  }
0x9a: {  	s5 =	simm.s32 $_size__tile_overlayer_lowered;
	s6 =	simm.s32 $_tile_overlayer_lowered  }
0x9b: {  	s22 =	simm.s32 $0x1BFF;
	s21 =	sshll.u32 s6, $0x1;
	s3 =	sadd.s32 s4, s19  }
0x9c: {  	s7 =	simm.s32 $0x0;
	s20 =	sshll.u32 s5, $0x1;
	s5 =	sadd.s32 s21, s3  }
0x9d: {  	[timem:s7], [sflag:s22] =	dma.local [hbm:s5], s20  }
0x9e: {  	_ =	swait.ge [sflag:s22], s20  }
0x9f: {  	s4 =	ssub.s32 $0x0, s20;
	[sflag:s22] =	ssyncset.done $0x0  }
0xa0: {  	[sflag:s22] =	ssyncadd.s32 s4;
	_ =	sdelay $0x1  }
0xa1: {  	s23 =	simm.s32 $0x1B8B  }
0xa2: {  	_ =	swait.ge [sflag:s23], $0x1  }
0xa3: {  	[sflag:s23] =	ssyncset.done $0x0  }
0xa4: {  	s25 =	simm.s32 $0x1B8E;
	s24 =	sld [smem:$0x3FFE];
	[sflag:s23] =	ssyncadd.s32 $0xFFFFFFFF  }
0xa5: {  	s26 =	simm.s32 $execute0_lowered;
	[smem:$0x3FD2] =	sst s25  }
0xa6: {  	s5 =	sshll.u32 s26, $0x1;
	_ =	strace $0x80000046;
	[dreg:$0x1] =	wrdreg $0xFFFFFFFF  }
0xa7: {  	s28 =	simm.s32 $_size_execute0_lowered;
	s3 =	sadd.s32 s3, s5;
	[dreg:$0x0] =	wrdreg $0x0  }
0xa8: {  	s5 =	sshll.u32 s28, $0x1;
	[dreg:$0x2] =	wrdreg s3  }
0xa9: {  	[dreg:$0x3] =	wrdreg s5  }
0xaa: {  	[dreg:$0x4] =	wrdreg $0xC0  }
0xab: {  	_ =	task [dreg:s7], $0x5FFFF  }
0xac: {  	[dreg:$0x1] =	wrdreg $0xFFFFFFFF  }
0xad: {  	[dreg:$0x0] =	wrdreg $0x60  }
0xae: {  	[dreg:$0x2] =	wrdreg s2  }
0xaf: {  	[dreg:$0x3] =	wrdreg s24  }
0xb0: {  	[dreg:$0x4] =	wrdreg $0x9  }
0xb1: {  	_ =	task.clear_ibuf [dreg:s7], $0x5FFFF;
	_ =	strace $0x90000046  }
0xb2: {  	s29 =	simm.s32 $0x9;
	_ =	strace $0x80000048  }
0xb3: {  	_ =	swait.ge [sflag:s29], $0x1  }
0xb4: {  	[sflag:s29] =	ssyncadd.s32 $0xFFFFFFFF  }
0xb5: {  	_ =	strace $0x90000048  }
0xb6: {  	_ =	sfence  }
0xb7: {  	s30 =	sld [smem:$0x0];
	_ =	sdelay $0x2  }
0xb8: {  	s31 =	sshll.u32 s1, $0xD;
	s1 =	sshrl.u32 s1, $0x2  }
0xb9: {  	s3 =	sand.u32 $0x4000, s31;
	s1 =	sadd.s32 s1, s30  }
0xba: {  	s0 =	sor.u32 s3, s0;
	s1 =	sshll.u32 s1, $0x11  }
0xbb: {  	s0 =	sor.u32 s1, s0  }
0xbc: {  	s0 =	sadd.s32 $0x8F2B, s0  }
0xbd: {  	[sflag:s0] =	ssyncadd.remote.s32 $0x1  }
0xbe: {  	_ =	sfence.sel $0xFFFF  }
0xbf: {  	[dreg:$0x0] =	wrdreg $0xFFFFFFFF;
	(pc) =	sbr.abs _section_cstart, $3  }
0xc0: {  	[dreg:$0x1] =	wrdreg $0xFFFFFFFF  }
0xc1: {  	_ =	task.clear_ibuf [dreg:s7], $0x2FFFF;
	_ =	strace $0x9FFFFFFF  }
0xc2: {  	(tm) =	ssettm $0x7FFFFFFF  }
0xc3: {  	_ =	shalt  }
tec
execute0_lowered:
.L_overlay_start_1:
0x0: {  	(tag) =	ssettag $0x1  }
0x1: {  	s0 =	rddreg [dreg:$0x1];
	s2 =	simm.s32 $0x0;
	s1 =	srdreg.scid  }
0x2: {  	s4 =	stileid.u32;
	s13 =	simm.s32 $0x3;
	s15 =	simm.s32 $0x80  }
0x3: {  	s16 =	simm.s32 $0x400;
	s25 =	simm.s32 $0x9F00;
	s26 =	simm.s32 $0xA800  }
0x4: {  	s28 =	simm.s32 $0xB480;
	[smem:$0x7FF] =	sst s2;
	s17 =	sadd.s32 $0x600, s0  }
0x5: {  	s3 =	sadd.s32 $0x400, s0;
	_ =	strace $0x80000047;
	[dreg:$0x5] =	wrdreg s17  }
0x6: {  	s29 =	simm.s32 $0xB880;
	s19 =	sadd.s32 $0xE00, s0;
	[dreg:$0x6] =	wrdreg s3  }
0x7: {  	v0 =	vimm.f32 $2.000000000e+00;
	s30 =	simm.s32 $0xBC80;
	s21 =	sadd.s32 $0xE10, s0;
	[dreg:$0x7] =	wrdreg s19  }
0x8: {  	s31 =	simm.s32 $0x2;
	s22 =	sadd.s32 $0xE20, s0;
	[dreg:$0x9] =	wrdreg s21;
	(erf) = vrcp.f32 v0  }
0x9: {  	s1 =	sand.u32 $0x1, s1;
	s23 =	sadd.s32 $0xE30, s0;
	[dreg:$0xa] =	wrdreg s22  }
0xa: {  	s0 =	sadd.s32 $0xE40, s0;
	p0 =	sne.s32 s4, $0x0;
	[dreg:$0xb] =	wrdreg s23  }
0xb: {  	s18 =	ssub.s32 $0x2, s1;
	s1 =	smul.u32 $0x28, s1;
	[dreg:$0xc] =	wrdreg s0  }
0xc: {  	s19 =	simm.s32 $0x8880;
	s21 =	simm.s32 $0x9180;
	s22 =	simm.s32 $0x9600  }
.Ltmp0:
0xd: {  	s23 =	simm.s32 $0x9A80;
	[dreg:$0x3] =	wrdreg s25;
	(pc) =	sbr.rel .LBB2_1-.Ltmp0, $4  }
0xe: {  	[dreg:$0x4] =	wrdreg s26;
	s25 =	simm.s32 $0xAC80;
	s20 =	sshrl.u32 s18, $0x1  }
0xf: {  	s26 =	simm.s32 $0xB080;
	s2 =	ssub.s32 s18, s20;
	[dreg:$0x8] =	wrdreg s1  }
0x10: {  	v1 =	vlaneseq.u32;
	v3 =	vimm.f32 $0.0e+00;
	s18 =	simm.s32 $0x8400;
	s20 =	simm.s32 $0x8D00;
	s24 =	smax.u32 s2, $0x1  }
0x11: {  	v4 =	vimm.s32 $0x40000000;
	v5 =	vimm.f32 $-Inf;
	v0 =	vimm.s32 $0x0;
	s1 =	simm.s32 $0x0;
	[dreg:$0xd] =	wrdreg s24;
	s24 =	simm.s32 $0xA380;
	v2 =	vpop (erf)  }
.LBB2_37:
0x12: {  	s1 =	rddreg [dreg:$0xe]  }
0x13: {  	s0 =	rddreg [dreg:$0xd];
	s1 =	sadd.s32 $0x1, s1  }
0x14: {  	p1 =	sne.s32 s1, s0  }
.Ltmp1:
0x15: {  	_ = 	snop;
	(pc) =	sbr.rel @!p1 .LBB2_38-.Ltmp1, $1  }
0x16: {  	_ =	sdelay $0x3  }
.LBB2_1:
0x17: {  	[dreg:$0xe] =	wrdreg s1  }
0x18: {  	s14 =	simm.s32 $0x0;
	s0 =	rddreg [dreg:$0x6];
	s2 =	simm.s32 $0x7400  }
0x19: {  	[tilespmem:s2], [sflag:$0x3] =	stream.linear.gather [hbm4b:s0+s14], $0x1000, $0x38;
	[tilespmem:$0xC080] =	vst v63  }
0x1a: {  	_ =	swait.ge [sflag:s13], $0x1000  }
0x1b: {  	[sflag:s13] =	ssyncset.done $0x0  }
0x1c: {  	s0 =	simm.s32 @!p0 $0x0;
	[sflag:s13] =	ssyncadd.s32 $0xFFFFF000  }
0x1d: {  	[smem:$0x0] =	sst @!p0 s0  }
0x1e: {  	s17 =	simm.s32 $0x1;
	[bflag:$0x0] =	sbarrier.arrive $0xFFFF  }
0x1f: {  	[sflag:s17] =	ssyncset.done $0x0  }
0x20: {  	[smem:s14], [sflag:$0x1] =	smem.add.s32 $0x1  }
0x21: {  	_ =	swait.done [sflag:s17]  }
0x22: {  	s0 =	ssyncread [sflag:$0x1];
	_ =	sdelay $0x2  }
0x23: {  	p1 =	sgt.s32 s0, $0x27  }
.Ltmp2:
0x24: {  	_ = 	snop;
	(pc) =	sbr.rel @p1 .LBB2_37-.Ltmp2, $4  }
.Ltmp3:
0x25: {  	_ = 	snop;
	(pc) =	sbr.rel @!p1 .LBB2_2-.Ltmp3, $4  }
0x26: {  	_ = 	snop  }
0x27: {  	[sflag:s17] =	ssyncset.s32 $0x0  }
0x28: {  	[sflag:s17] =	ssyncset.done $0x0  }
0x29: {  	_ = 	snop  }
.LBB2_36:
0x2a: {  	s0 =	sshll.u32 s12, $0xA  }
0x2b: {  	s1 =	rddreg [dreg:$0x7];
	s0 =	sand.u32 $0x1FFFFC00, s0  }
0x2c: {  	s1 =	sadd.s32 s1, s0  }
0x2d: {  	[hbm4b:s1+s15] =	stream.strided.scatter [tilespmem:s25], [sflag:$0x3], $0x400, s16, s15, $0x38;
	[tilespmem:$0xC080] =	vst v63  }
0x2e: {  	_ =	swait.ge [sflag:s13], $0x400  }
0x2f: {  	[sflag:s13] =	ssyncset.done $0x0;
	s10 =	rddreg [dreg:$0x9]  }
0x30: {  	[sflag:s13] =	ssyncadd.s32 $0xFFFFFC00;
	s1 =	sadd.s32 s0, s10  }
0x31: {  	[hbm4b:s1+s15] =	stream.strided.scatter [tilespmem:s26], [sflag:$0x3], $0x400, s16, s15, $0x38;
	[tilespmem:$0xC080] =	vst v63  }
0x32: {  	_ =	swait.ge [sflag:s13], $0x400  }
0x33: {  	[sflag:s13] =	ssyncset.done $0x0;
	s11 =	rddreg [dreg:$0xa]  }
0x34: {  	[sflag:s13] =	ssyncadd.s32 $0xFFFFFC00;
	s1 =	sadd.s32 s0, s11  }
0x35: {  	[hbm4b:s1+s15] =	stream.strided.scatter [tilespmem:s28], [sflag:$0x3], $0x400, s16, s15, $0x38;
	[tilespmem:$0xC080] =	vst v63  }
0x36: {  	_ =	swait.ge [sflag:s13], $0x400  }
0x37: {  	[sflag:s13] =	ssyncset.done $0x0;
	s12 =	rddreg [dreg:$0xb]  }
0x38: {  	[sflag:s13] =	ssyncadd.s32 $0xFFFFFC00;
	s1 =	sadd.s32 s0, s12  }
0x39: {  	[hbm4b:s1+s15] =	stream.strided.scatter [tilespmem:s29], [sflag:$0x3], $0x400, s16, s15, $0x38;
	[tilespmem:$0xC080] =	vst v63  }
0x3a: {  	_ =	swait.ge [sflag:s13], $0x400  }
0x3b: {  	[sflag:s13] =	ssyncset.done $0x0;
	s14 =	rddreg [dreg:$0xc]  }
0x3c: {  	[sflag:s13] =	ssyncadd.s32 $0xFFFFFC00;
	s0 =	sadd.s32 s0, s14  }
0x3d: {  	[hbm4b:s0+s15] =	stream.strided.scatter [tilespmem:s30], [sflag:$0x3], $0x400, s16, s15, $0x38;
	[tilespmem:$0xC080] =	vst v63  }
0x3e: {  	_ =	swait.ge [sflag:s13], $0x400  }
0x3f: {  	[sflag:s13] =	ssyncset.done $0x0  }
0x40: {  	[sflag:s13] =	ssyncadd.s32 $0xFFFFFC00  }
0x41: {  	s17 =	simm.s32 $0x0;
	[sflag:s31] =	ssyncset.done $0x0  }
0x42: {  	[smem:s17], [sflag:$0x2] =	smem.add.s32 $0x1  }
0x43: {  	_ =	swait.done [sflag:s31]  }
0x44: {  	s0 =	ssyncread [sflag:$0x2];
	_ =	sdelay $0x2  }
0x45: {  	p1 =	slt.s32 s0, $0x28  }
.Ltmp4:
0x46: {  	_ = 	snop;
	(pc) =	sbr.rel @!p1 .LBB2_37-.Ltmp4, $3  }
0x47: {  	_ =	sdelay $0x1  }
0x48: {  	[sflag:s31] =	ssyncset.s32 $0x0  }
0x49: {  	[sflag:s31] =	ssyncset.done $0x0  }
.LBB2_2:
0x4a: {  	s1 =	rddreg [dreg:$0x8]  }
0x4b: {  	s12 =	sadd.s32 s1, s0  }
0x4c: {  	s0 =	smulhi.u32 $0x66666667, s12;
	s1 =	sshra.s32 s12, $0x1F  }
0x4d: {  	s1 =	smul.u32 $0x66666667, s1;
	_ =	sdelay $0x1  }
0x4e: {  	s0 =	sadd.s32 s1, s0  }
0x4f: {  	s1 =	sshrl.u32 s0, $0x1F;
	s0 =	sshra.s32 s0, $0x3  }
0x50: {  	s0 =	sadd.s32 s1, s0  }
0x51: {  	s1 =	smul.u32 $0xFFFFFFEC, s0;
	_ =	sdelay $0x1  }
0x52: {  	s1 =	sadd.s32 s12, s1  }
0x53: {  	p1 =	slt.s32 s12, $0x1;
	p2 =	sne.s32 s1, $0x0  }
0x54: {  	p1 =	por !p1, !p2  }
0x55: {  	s2 =	simm.s32 $0x1;
	p1 =	por !p1, !p1  }
0x56: {  	s2 =	simm.s32 @!p1 $0x0  }
0x57: {  	s0 =	ssub.s32 s0, s2  }
0x58: {  	s2 =	smul.u32 $0x6000, s0;
	_ =	sdelay $0x1  }
0x59: {  	s5 =	rddreg [dreg:$0x0];
	s3 =	sshrl.u32 s2, $0x3  }
0x5a: {  	s4 =	simm.s32 $0x0;
	s3 =	sadd.s32 s5, s3  }
0x5b: {  	[tilespmem:s4], [sflag:$0x3] =	stream.linear.gather [hbm4b:s3+s4], $0x6000, $0x38;
	[tilespmem:$0xC080] =	vst v63  }
0x5c: {  	p1 =	slt.s32 s1, $0x0;
	s3 =	sadd.s32 $0x14, s1  }
0x5d: {  	s1 =	smov.u32 @p1 s3  }
0x5e: {  	s1 =	sadd.s32 $0x1, s1  }
0x5f: {  	s11 =	sshll.u32 s1, $0xA  }
0x60: {  	s1 =	sshll.u32 s1, $0x7;
	s3 =	sand.u32 $0xFFFFE000, s11  }
0x61: {  	s1 =	sand.u32 $0x380, s1;
	s2 =	sadd.s32 s3, s2  }
0x62: {  	_ =	swait.ge [sflag:s13], $0x6000;
	s1 =	sor.u32 s1, s2  }
0x63: {  	[sflag:s13] =	ssyncset.done $0x0;
	s1 =	sshrl.u32 s1, $0x3  }
0x64: {  	[sflag:s13] =	ssyncadd.s32 $0xFFFFA000;
	s11 =	simm.s32 $0x6000;
	s1 =	sadd.s32 s5, s1  }
0x65: {  	[tilespmem:s11], [sflag:$0x3] =	stream.strided.gather [hbm4b:s1+s15], $0x400, s16, s15, $0x38;
	[tilespmem:$0xC080] =	vst v63  }
0x66: {  	s0 =	sshll.u32 s0, $0x9;
	_ =	swait.ge [sflag:s13], $0x400  }
0x67: {  	s0 =	sand.u32 $0x1FFFFE00, s0;
	[sflag:s13] =	ssyncset.done $0x0;
	s14 =	rddreg [dreg:$0x5]  }
0x68: {  	s17 =	simm.s32 $0x6400;
	[sflag:s13] =	ssyncadd.s32 $0xFFFFFC00;
	s0 =	sadd.s32 s14, s0  }
0x69: {  	[tilespmem:s17], [sflag:$0x3] =	stream.linear.gather [hbm4b:s0+s4], $0x1000, $0x38;
	[tilespmem:$0xC080] =	vst v63  }
0x6a: {  	s0 =	simm.s32 $0x0;
	_ =	swait.ge [sflag:s13], $0x1000  }
0x6b: {  	s2 =	sand.u32 $0x70, s4;
	s1 =	sand.u32 $0x3FFFFC00, s0;
	[sflag:s13] =	ssyncset.done $0x0  }
0x6c: {  	s1 =	sor.u32 s2, s1;
	[sflag:s13] =	ssyncadd.s32 $0xFFFFF000  }
0x6d: {  	v6 =	vld [tilespmem:s1+$0x0]  }
0x6e: {  	v7 =	vld [tilespmem:s1+$0x80]  }
0x6f: {  	v8 =	vld [tilespmem:s1+$0x100]  }
0x70: {  	v9 =	vld [tilespmem:s1+$0x180]  }
0x71: {  	v10 =	vld [tilespmem:s1+$0x200]  }
0x72: {  	v11 =	vld [tilespmem:s1+$0x280]  }
0x73: {  	v13 =	vld [tilespmem:s1+$0x300];
	v12 =	vmax.f32 v6, v7  }
0x74: {  	v14 =	vld [tilespmem:s1+$0x380];
	v12 =	vmax.f32 v12, v8  }
0x75: {  	v15 =	vld [tilespmem:s1+$0x2000];
	v12 =	vmax.f32 v12, v9  }
0x76: {  	v16 =	vld [tilespmem:s1+$0x2080];
	v12 =	vmax.f32 v12, v10  }
0x77: {  	v17 =	vld [tilespmem:s1+$0x2100];
	v12 =	vmax.f32 v12, v11  }
0x78: {  	v18 =	vld [tilespmem:s1+$0x2180];
	v12 =	vmax.f32 v12, v13  }
0x79: {  	v19 =	vld [tilespmem:s1+$0x2200];
	v12 =	vmax.f32 v12, v14  }
0x7a: {  	v20 =	vld [tilespmem:s1+$0x2280];
	v12 =	vmax.f32 v12, v15  }
0x7b: {  	v21 =	vld [tilespmem:s1+$0x2300];
	v12 =	vmax.f32 v12, v16  }
0x7c: {  	v22 =	vld [tilespmem:s1+$0x2380];
	v12 =	vmax.f32 v12, v17  }
0x7d: {  	v23 =	vld [tilespmem:s1+$0x4000];
	v12 =	vmax.f32 v12, v18  }
0x7e: {  	v24 =	vld [tilespmem:s1+$0x4080];
	v12 =	vmax.f32 v12, v19  }
0x7f: {  	v25 =	vld [tilespmem:s1+$0x4100];
	v12 =	vmax.f32 v12, v20  }
0x80: {  	v26 =	vld [tilespmem:s1+$0x4180];
	v12 =	vmax.f32 v12, v21  }
0x81: {  	v27 =	vld [tilespmem:s1+$0x4200];
	v12 =	vmax.f32 v12, v22  }
0x82: {  	v12 =	vmax.f32 v12, v23  }
0x83: {  	v12 =	vmax.f32 v12, v24  }
0x84: {  	v12 =	vmax.f32 v12, v25  }
0x85: {  	v12 =	vmax.f32 v12, v26  }
0x86: {  	v12 =	vmax.f32 v12, v27  }
0x87: {  	v6 =	vsub.f32 v6, v12  }
0x88: {  	v7 =	vsub.f32 v7, v12  }
0x89: {  	v6 =	vmul.f32 $1.442695020e+00, v6  }
0x8a: {  	v8 =	vsub.f32 v8, v12;
	v7 =	vmul.f32 $1.442695020e+00, v7  }
0x8b: {  	(erf) = vpow2.f32 v6  }
0x8c: {  	v8 =	vmul.f32 $1.442695020e+00, v8;
	v6 =	vsub.f32 v9, v12;
	(erf) = vpow2.f32 v7  }
0x8d: {  	v7 =	vsub.f32 v10, v12  }
0x8e: {  	v6 =	vmul.f32 $1.442695020e+00, v6;
	(erf) = vpow2.f32 v8;
	v8 =	vsub.f32 v11, v12  }
0x8f: {  	v7 =	vmul.f32 $1.442695020e+00, v7  }
0x90: {  	(erf) = vpow2.f32 v6;
	v8 =	vmul.f32 $1.442695020e+00, v8;
	_ =	sdelay $0x1  }
0x91: {  	v6 =	vsub.f32 v13, v12;
	(erf) = vpow2.f32 v7;
	_ =	sdelay $0x1  }
0x92: {  	v7 =	vsub.f32 v14, v12;
	v6 =	vmul.f32 $1.442695020e+00, v6;
	(erf) = vpow2.f32 v8;
	v8 =	vpop (erf)  }
0x93: {  	v9 =	vsub.f32 v15, v12;
	v10 =	vpop (erf)  }
0x94: {  	v7 =	vmul.f32 $1.442695020e+00, v7;
	(erf) = vpow2.f32 v6;
	v6 =	vadd.f32 v10, v8  }
0x95: {  	v9 =	vmul.f32 $1.442695020e+00, v9;
	v10 =	vpop (erf)  }
0x96: {  	(erf) = vpow2.f32 v7;
	v8 =	vsub.f32 v16, v12;
	v6 =	vadd.f32 v6, v10  }
0x97: {  	v7 =	vsub.f32 v17, v12;
	v10 =	vpop (erf)  }
0x98: {  	(erf) = vpow2.f32 v9;
	v8 =	vmul.f32 $1.442695020e+00, v8;
	v6 =	vadd.f32 v6, v10  }
0x99: {  	v9 =	vsub.f32 v18, v12;
	v10 =	vpop (erf)  }
0x9a: {  	v7 =	vmul.f32 $1.442695020e+00, v7;
	(erf) = vpow2.f32 v8;
	v6 =	vadd.f32 v6, v10  }
0x9b: {  	v9 =	vmul.f32 $1.442695020e+00, v9;
	v10 =	vpop (erf)  }
0x9c: {  	v8 =	vsub.f32 v19, v12;
	(erf) = vpow2.f32 v7;
	v6 =	vadd.f32 v6, v10  }
0x9d: {  	v7 =	vsub.f32 v20, v12;
	v10 =	vpop (erf)  }
0x9e: {  	v8 =	vmul.f32 $1.442695020e+00, v8;
	(erf) = vpow2.f32 v9;
	v6 =	vadd.f32 v6, v10  }
0x9f: {  	v7 =	vmul.f32 $1.442695020e+00, v7;
	v10 =	vpop (erf)  }
0xa0: {  	v9 =	vsub.f32 v21, v12;
	(erf) = vpow2.f32 v8;
	v6 =	vadd.f32 v6, v10  }
0xa1: {  	v8 =	vsub.f32 v22, v12;
	v10 =	vpop (erf)  }
0xa2: {  	v9 =	vmul.f32 $1.442695020e+00, v9;
	(erf) = vpow2.f32 v7;
	v6 =	vadd.f32 v6, v10  }
0xa3: {  	v7 =	vsub.f32 v23, v12;
	v10 =	vpop (erf)  }
0xa4: {  	v8 =	vmul.f32 $1.442695020e+00, v8;
	(erf) = vpow2.f32 v9;
	v6 =	vadd.f32 v6, v10  }
0xa5: {  	v9 =	vsub.f32 v24, v12;
	v10 =	vpop (erf)  }
0xa6: {  	v7 =	vmul.f32 $1.442695020e+00, v7;
	(erf) = vpow2.f32 v8;
	v6 =	vadd.f32 v6, v10  }
0xa7: {  	v8 =	vsub.f32 v25, v12;
	v10 =	vpop (erf)  }
0xa8: {  	v9 =	vmul.f32 $1.442695020e+00, v9;
	(erf) = vpow2.f32 v7;
	v6 =	vadd.f32 v6, v10  }
0xa9: {  	v7 =	vsub.f32 v26, v12;
	v8 =	vmul.f32 $1.442695020e+00, v8;
	v10 =	vpop (erf)  }
0xaa: {  	(erf) = vpow2.f32 v9;
	v6 =	vadd.f32 v6, v10  }
0xab: {  	v7 =	vmul.f32 $1.442695020e+00, v7;
	v10 =	vpop (erf)  }
0xac: {  	v9 =	vsub.f32 v27, v12;
	(erf) = vpow2.f32 v8;
	v6 =	vadd.f32 v6, v10  }
0xad: {  	v8 =	vpop (erf)  }
0xae: {  	v9 =	vmul.f32 $1.442695020e+00, v9;
	(erf) = vpow2.f32 v7;
	v6 =	vadd.f32 v6, v8  }
0xaf: {  	v7 =	vpop (erf)  }
0xb0: {  	(erf) = vpow2.f32 v9;
	v6 =	vadd.f32 v6, v7  }
0xb1: {  	v7 =	vpop (erf)  }
0xb2: {  	v8 =	vld [tilespmem:s11+$0x0];
	v6 =	vadd.f32 v6, v7  }
0xb3: {  	v7 =	vpop (erf)  }
0xb4: {  	v6 =	vadd.f32 v6, v7  }
0xb5: {  	v7 =	vpop (erf)  }
0xb6: {  	v6 =	vadd.f32 v6, v7  }
0xb7: {  	v7 =	vsub.f32 v8, v12;
	v8 =	vpop (erf)  }
0xb8: {  	v6 =	vadd.f32 v6, v8  }
0xb9: {  	s3 =	simm.s32 $0x0;
	v7 =	vmul.f32 $1.442695020e+00, v7;
	v8 =	vpop (erf)  }
0xba: {  	s1 =	sand.u32 $0xFFFFFE00, s3;
	v6 =	vadd.f32 v6, v8  }
0xbb: {  	s0 =	sor.u32 s2, s1;
	(erf) = vpow2.f32 v7  }
0xbc: {  	v7 =	vld [tilespmem:s0+$0x6580];
	(erf) = vrcp.f32 v6  }
0xbd: {  	v6 =	vld [tilespmem:s0+$0x6500];
	_ =	sdelay $0x3  }
0xbe: {  	v7 =	vmul.f32 $2.000000030e-01, v7  }
0xbf: {  	v6 =	vmul.f32 $2.000000030e-01, v6  }
0xc0: {  	v7 =	vmul.f32 $1.442695020e+00, v7  }
0xc1: {  	v6 =	vmul.f32 $1.442695020e+00, v6;
	v8 =	vpop (erf)  }
0xc2: {  	(erf) = vpow2.f32 v7;
	v9 =	vpop (erf)  }
0xc3: {  	(erf) = vpow2.f32 v6;
	v7 =	vmul.f32 v9, v8;
	_ =	sdelay $0x1  }
0xc4: {  	vm0 =	vge.f32 v7, $5.000000070e-02  }
0xc5: {  	v6 =	vld [tilespmem:s0+$0x6400];
	v8 =	vsel vm0, $0x1, v0  }
0xc6: {  	v9 =	vld [tilespmem:s0+$0x6480];
	(xrf0) =	vadd.scan.msk.s32 $0xffff, v8  }
0xc7: {  	v8 =	vld [tilespmem:s0+$0x7500]  }
0xc8: {  	v10 =	vld [tilespmem:s0+$0x7580]  }
0xc9: {  	v58 =	vld [tilespmem:s0+$0x7400];
	v11 =	vmov s4  }
0xca: {  	v59 =	vld [tilespmem:s0+$0x7480];
	v11 =	vadd.s32 $0xFFFFFFFF, v11;
	v6 =	vmul.f32 $1.000000010e-01, v6;
	v60 =	vpop (erf)  }
0xcb: {  	v11 =	vbroadcast v11, $0x0;
	v9 =	vmul.f32 $1.000000010e-01, v9;
	v61 =	vpop (erf)  }
0xcc: {  	v6 =	vmul.f32 v6, v8;
	v8 =	vmul.f32 v61, v8;
	v62, _, _ =	vpop (xrf0)  }
0xcd: {  	v9 =	vmul.f32 v9, v10;
	v10 =	vmul.f32 v60, v10;
	v11 =	vadd.s32 v62, v11  }
0xce: {  	v6 =	vadd.f32 v6, v58;
	v8 =	vmul.f32 v8, v2;
	v11 =	vnsel vm0, $0x43F, v11  }
0xcf: {  	v10 =	vmul.f32 v10, v2;
	v9 =	vadd.f32 v9, v59  }
0xd0: {  	v12 =	vsub.f32 v6, v8;
	v6 =	vadd.f32 v8, v6  }
0xd1: {  	v8 =	vsub.f32 v9, v10;
	v9 =	vadd.f32 v10, v9;
	_ =	sdelay $0x1  }
0xd2: {  	v10 =	vsub.f32 v6, v12;
	v63 =	vsub.f32 v9, v8;
	[tilespmem:v11+s18+$0x0] =	vst.idx.msk $0xffff, v12  }
0xd3: {  	[tilespmem:v11+s19+$0x0] =	vst.idx.msk $0xffff, v8  }
0xd4: {  	v8 =	vmul.f32 v63, v10;
	[tilespmem:v11+s20+$0x0] =	vst.idx.msk $0xffff, v6  }
0xd5: {  	[tilespmem:v11+s21+$0x0] =	vst.idx.msk $0xffff, v9  }
0xd6: {  	[tilespmem:v11+s22+$0x0] =	vst.idx.msk $0xffff, v8  }
0xd7: {  	s5 =	rddreg [dreg:$0x3];
	[tilespmem:v11+s23+$0x0] =	vst.idx.msk $0xffff, v7  }
0xd8: {  	v6 =	vor.u32 s4, v1;
	[tilespmem:v11+s5+$0x0] =	vst.idx.msk $0xffff, v7  }
0xd9: {  	s6 =	rddreg [dreg:$0x4];
	v7 =	vxor.u32 $0x80000000, v62;
	[tilespmem:v11+s24+$0x0] =	vst.idx.msk $0xffff, v6  }
0xda: {  	s14 =	simm.s32 $0xAC80;
	(xrf0) =	vmax.scan.msk.u32 $0xffff, v7;
	[tilespmem:v11+s6+$0x0] =	vst.idx.msk $0xffff, v6  }
0xdb: {  	s7 =	simm.s32 $0xB080;
	[tilespmem:s14+$0x0] =	vst v3  }
0xdc: {  	s8 =	simm.s32 $0xB480;
	[tilespmem:s7+$0x0] =	vst v3  }
0xdd: {  	s9 =	simm.s32 $0xB880;
	s10 =	simm.s32 $0x80;
	s0 =	simm.s32 $0x10;
	[tilespmem:s8+$0x0] =	vst v3  }
0xde: {  	s17 =	simm.s32 $0xBC80;
	s3 =	sand.u32 $0x3FFFFC00, s10;
	s6 =	sand.u32 $0x70, s0;
	[tilespmem:s9+$0x0] =	vst v3  }
0xdf: {  	s9 =	sor.u32 s6, s3;
	[tilespmem:s17+$0x0] =	vst v3  }
0xe0: {  	s1 =	simm.s32 $0xB090;
	s2 =	simm.s32 $0xB890;
	s5 =	simm.s32 $0x1;
	v6, _, _ =	vpop (xrf0);
	v7 =	vld [tilespmem:s9+$0x0]  }
0xe1: {  	s7 =	simm.s32 $0x2;
	s3 =	simm.s32 $0xB490;
	s17 =	simm.s32 $0xBC90;
	(v2sf) =	vpush v6, $0xF;
	v8 =	vld [tilespmem:s9+$0x80]  }
.LBB2_3:
0xe2: {  	_ =	sdelay $0xa  }
0xe3: {  	v9 =	vld [tilespmem:s9+$0x100]  }
0xe4: {  	v10 =	vld [tilespmem:s9+$0x180]  }
0xe5: {  	s8 =	smov.u32 s7;
	v11 =	vld [tilespmem:s9+$0x200]  }
0xe6: {  	s10 =	sadd.s32 $0x1, s7;
	p1 =	sne.s32 s7, $0x3F;
	v12 =	vld [tilespmem:s9+$0x280];
	s7 =	spop (v2sf)  }
0xe7: {  	v13 =	vld [tilespmem:s9+$0x300];
	v6 =	vmax.f32 v7, v8;
	s4 =	sadd.s32 s7, s4  }
0xe8: {  	v16 =	vld [tilespmem:s9+$0x380];
	v15 =	vmax.f32 v6, v9;
	s4 =	sadd.s32 $0x80000000, s4  }
0xe9: {  	v63 =	vld [tilespmem:s9+$0x2000];
	v62 =	vmax.f32 v15, v10;
	v14 =	vmov s4  }
0xea: {  	v17 =	vld [tilespmem:s9+$0x2080];
	v6 =	vadd.s32 $0xFFFFFFFF, v14;
	v14 =	vmax.f32 v62, v11  }
0xeb: {  	v18 =	vld [tilespmem:s9+$0x2100];
	v14 =	vmax.f32 v14, v12  }
0xec: {  	v19 =	vld [tilespmem:s9+$0x2180];
	v14 =	vmax.f32 v14, v13  }
0xed: {  	v20 =	vld [tilespmem:s9+$0x2200];
	v14 =	vmax.f32 v14, v16  }
0xee: {  	v21 =	vld [tilespmem:s9+$0x2280];
	v14 =	vmax.f32 v14, v63  }
0xef: {  	v22 =	vld [tilespmem:s9+$0x2300];
	v14 =	vmax.f32 v14, v17  }
0xf0: {  	v23 =	vld [tilespmem:s9+$0x2380];
	v14 =	vmax.f32 v14, v18  }
0xf1: {  	v24 =	vld [tilespmem:s9+$0x4000];
	v14 =	vmax.f32 v14, v19  }
0xf2: {  	v25 =	vld [tilespmem:s9+$0x4080];
	v14 =	vmax.f32 v14, v20  }
0xf3: {  	v26 =	vld [tilespmem:s9+$0x4100];
	v14 =	vmax.f32 v14, v21  }
0xf4: {  	v27 =	vld [tilespmem:s9+$0x4180];
	v14 =	vmax.f32 v14, v22  }
0xf5: {  	v28 =	vld [tilespmem:s9+$0x4200];
	v14 =	vmax.f32 v14, v23  }
0xf6: {  	v14 =	vmax.f32 v14, v24  }
0xf7: {  	v14 =	vmax.f32 v14, v25  }
0xf8: {  	v14 =	vmax.f32 v14, v26  }
0xf9: {  	v14 =	vmax.f32 v14, v27  }
0xfa: {  	v14 =	vmax.f32 v14, v28  }
0xfb: {  	v7 =	vsub.f32 v7, v14  }
0xfc: {  	v8 =	vsub.f32 v8, v14  }
0xfd: {  	v7 =	vmul.f32 $1.442695020e+00, v7  }
0xfe: {  	v9 =	vsub.f32 v9, v14;
	v8 =	vmul.f32 $1.442695020e+00, v8  }
0xff: {  	(erf) = vpow2.f32 v7  }
0x100: {  	v10 =	vsub.f32 v10, v14;
	v9 =	vmul.f32 $1.442695020e+00, v9;
	(erf) = vpow2.f32 v8;
	_ =	sdelay $0x1  }
0x101: {  	v11 =	vsub.f32 v11, v14;
	v10 =	vmul.f32 $1.442695020e+00, v10;
	(erf) = vpow2.f32 v9;
	_ =	sdelay $0x1  }
0x102: {  	v12 =	vsub.f32 v12, v14;
	v11 =	vmul.f32 $1.442695020e+00, v11;
	(erf) = vpow2.f32 v10;
	_ =	sdelay $0x1  }
0x103: {  	v13 =	vsub.f32 v13, v14;
	v7 =	vmul.f32 $1.442695020e+00, v12;
	(erf) = vpow2.f32 v11;
	_ =	sdelay $0x1  }
0x104: {  	v32 =	vsub.f32 v16, v14;
	v8 =	vmul.f32 $1.442695020e+00, v13;
	(erf) = vpow2.f32 v7;
	v46 =	vpop (erf)  }
0x105: {  	v33 =	vsub.f32 v63, v14;
	v48 =	vpop (erf)  }
0x106: {  	v9 =	vmul.f32 $1.442695020e+00, v32;
	(erf) = vpow2.f32 v8;
	v8 =	vadd.f32 v48, v46  }
0x107: {  	v34 =	vsub.f32 v17, v14;
	v50 =	vpop (erf)  }
0x108: {  	v13 =	vmul.f32 $1.442695020e+00, v33;
	(erf) = vpow2.f32 v9;
	v8 =	vadd.f32 v8, v50  }
0x109: {  	v10 =	vmul.f32 $1.442695020e+00, v34;
	v53 =	vpop (erf)  }
0x10a: {  	v35 =	vsub.f32 v18, v14;
	(erf) = vpow2.f32 v13;
	v8 =	vadd.f32 v8, v53  }
0x10b: {  	v36 =	vsub.f32 v19, v14;
	v56 =	vpop (erf)  }
0x10c: {  	v37 =	vmul.f32 $1.442695020e+00, v35;
	(erf) = vpow2.f32 v10;
	v8 =	vadd.f32 v8, v56  }
0x10d: {  	v38 =	vsub.f32 v20, v14;
	v10 =	vpop (erf)  }
0x10e: {  	v16 =	vmul.f32 $1.442695020e+00, v36;
	(erf) = vpow2.f32 v37;
	v8 =	vadd.f32 v8, v10  }
0x10f: {  	v39 =	vsub.f32 v21, v14;
	v10 =	vpop (erf)  }
0x110: {  	v11 =	vmul.f32 $1.442695020e+00, v38;
	(erf) = vpow2.f32 v16;
	v8 =	vadd.f32 v8, v10  }
0x111: {  	v40 =	vsub.f32 v22, v14;
	v10 =	vpop (erf)  }
0x112: {  	v17 =	vmul.f32 $1.442695020e+00, v39;
	(erf) = vpow2.f32 v11;
	v8 =	vadd.f32 v8, v10  }
0x113: {  	v41 =	vsub.f32 v23, v14;
	v10 =	vpop (erf)  }
0x114: {  	v7 =	vmul.f32 $1.442695020e+00, v40;
	(erf) = vpow2.f32 v17;
	v11 =	vadd.f32 v8, v10  }
0x115: {  	v42 =	vsub.f32 v24, v14;
	v10 =	vpop (erf)  }
0x116: {  	v44 =	vmul.f32 $1.442695020e+00, v41;
	(erf) = vpow2.f32 v7;
	v7 =	vadd.f32 v11, v10  }
0x117: {  	v45 =	vsub.f32 v25, v14;
	v8 =	vpop (erf)  }
0x118: {  	v19 =	vmul.f32 $1.442695020e+00, v42;
	(erf) = vpow2.f32 v44;
	v7 =	vadd.f32 v7, v8  }
0x119: {  	v47 =	vsub.f32 v26, v14;
	v8 =	vpop (erf)  }
0x11a: {  	v18 =	vmul.f32 $1.442695020e+00, v45;
	(erf) = vpow2.f32 v19;
	v7 =	vadd.f32 v7, v8  }
0x11b: {  	v49 =	vsub.f32 v27, v14;
	v8 =	vpop (erf)  }
0x11c: {  	v22 =	vmul.f32 $1.442695020e+00, v47;
	(erf) = vpow2.f32 v18;
	v7 =	vadd.f32 v7, v8  }
0x11d: {  	v51 =	vsub.f32 v28, v14;
	v8 =	vpop (erf)  }
0x11e: {  	v9 =	vmul.f32 $1.442695020e+00, v49;
	(erf) = vpow2.f32 v22;
	v7 =	vadd.f32 v7, v8  }
0x11f: {  	v8 =	vpop (erf)  }
0x120: {  	v54 =	vmul.f32 $1.442695020e+00, v51;
	(erf) = vpow2.f32 v9;
	v7 =	vadd.f32 v7, v8  }
0x121: {  	v8 =	vpop (erf)  }
0x122: {  	(erf) = vpow2.f32 v54;
	v7 =	vadd.f32 v7, v8  }
0x123: {  	s11 =	sadd.s32 $0x10, s11;
	v8 =	vpop (erf)  }
0x124: {  	v43 =	vld [tilespmem:s11+$0x0];
	v7 =	vadd.f32 v7, v8  }
0x125: {  	v8 =	vpop (erf)  }
0x126: {  	v7 =	vadd.f32 v7, v8  }
0x127: {  	v8 =	vpop (erf)  }
0x128: {  	v7 =	vadd.f32 v7, v8  }
0x129: {  	v52 =	vsub.f32 v43, v14;
	v8 =	vpop (erf)  }
0x12a: {  	v7 =	vadd.f32 v7, v8  }
0x12b: {  	s9 =	sshll.u32 s5, $0x6;
	v55 =	vmul.f32 $1.442695020e+00, v52;
	v8 =	vpop (erf)  }
0x12c: {  	s7 =	sand.u32 $0xFFFFFE00, s9;
	v7 =	vadd.f32 v7, v8  }
0x12d: {  	s6 =	sor.u32 s6, s7;
	(erf) = vpow2.f32 v55  }
0x12e: {  	v8 =	vld [tilespmem:s6+$0x6580];
	(erf) = vrcp.f32 v7  }
0x12f: {  	v7 =	vld [tilespmem:s6+$0x6500];
	_ =	sdelay $0x3  }
0x130: {  	v8 =	vmul.f32 $2.000000030e-01, v8  }
0x131: {  	v7 =	vmul.f32 $2.000000030e-01, v7  }
0x132: {  	v8 =	vmul.f32 $1.442695020e+00, v8  }
0x133: {  	v9 =	vpop (erf);
	v7 =	vmul.f32 $1.442695020e+00, v7  }
0x134: {  	v10 =	vpop (erf);
	(erf) = vpow2.f32 v8  }
0x135: {  	v8 =	vmul.f32 v10, v9;
	(erf) = vpow2.f32 v7;
	_ =	sdelay $0x1  }
0x136: {  	vm0 =	vge.f32 v8, $5.000000070e-02  }
0x137: {  	v7 =	vld [tilespmem:s6+$0x6480];
	v10 =	vsel vm0, $0x1, v0  }
0x138: {  	v9 =	vld [tilespmem:s6+$0x6400];
	(xrf0) =	vadd.scan.msk.s32 $0xffff, v10  }
0x139: {  	v11 =	vld [tilespmem:s6+$0x7580]  }
0x13a: {  	v10 =	vld [tilespmem:s6+$0x7500]  }
0x13b: {  	v58 =	vld [tilespmem:s6+$0x7480]  }
0x13c: {  	v57 =	vld [tilespmem:s6+$0x7400];
	v7 =	vmul.f32 $1.000000010e-01, v7;
	v59 =	vpop (erf)  }
0x13d: {  	v6 =	vbroadcast v6, $0x0;
	v9 =	vmul.f32 $1.000000010e-01, v9;
	v60 =	vpop (erf)  }
0x13e: {  	v7 =	vmul.f32 v7, v11;
	v11 =	vmul.f32 v59, v11;
	v61, _, _ =	vpop (xrf0)  }
0x13f: {  	v9 =	vmul.f32 v9, v10;
	v10 =	vmul.f32 v60, v10;
	v6 =	vadd.s32 v61, v6  }
0x140: {  	v7 =	vadd.f32 v7, v58;
	v11 =	vmul.f32 v11, v2;
	v6 =	vnsel vm0, $0x43F, v6  }
0x141: {  	v9 =	vadd.f32 v9, v57;
	v10 =	vmul.f32 v10, v2  }
0x142: {  	v62 =	vsub.f32 v7, v11;
	v7 =	vadd.f32 v11, v7  }
0x143: {  	v12 =	vsub.f32 v9, v10;
	v9 =	vadd.f32 v10, v9;
	_ =	sdelay $0x1  }
0x144: {  	v63 =	vsub.f32 v7, v62;
	v11 =	vsub.f32 v9, v12;
	[tilespmem:v6+s18+$0x0] =	vst.idx.msk $0xffff, v12  }
0x145: {  	[tilespmem:v6+s19+$0x0] =	vst.idx.msk $0xffff, v62  }
0x146: {  	v11 =	vmul.f32 v63, v11;
	[tilespmem:v6+s20+$0x0] =	vst.idx.msk $0xffff, v9  }
0x147: {  	[tilespmem:v6+s21+$0x0] =	vst.idx.msk $0xffff, v7  }
0x148: {  	[tilespmem:v6+s22+$0x0] =	vst.idx.msk $0xffff, v11  }
0x149: {  	s7 =	rddreg [dreg:$0x3];
	[tilespmem:v6+s23+$0x0] =	vst.idx.msk $0xffff, v8  }
0x14a: {  	v7 =	vor.u32 s0, v1;
	[tilespmem:v6+s7+$0x0] =	vst.idx.msk $0xffff, v8  }
0x14b: {  	s5 =	smov.u32 s8;
	s8 =	rddreg [dreg:$0x4];
	v14 =	vxor.u32 $0x80000000, v61;
	[tilespmem:v6+s24+$0x0] =	vst.idx.msk $0xffff, v7  }
0x14c: {  	s14 =	sadd.s32 $0x10, s14;
	(xrf0) =	vmax.scan.msk.u32 $0xffff, v14;
	[tilespmem:v6+s8+$0x0] =	vst.idx.msk $0xffff, v7  }
0x14d: {  	[tilespmem:s14+$0x0] =	vst v3  }
0x14e: {  	[tilespmem:s1+$0x0] =	vst v3  }
.Ltmp5:
0x14f: {  	s9 =	sshll.u32 s5, $0x7;
	s0 =	sadd.s32 $0x10, s0;
	[tilespmem:s3+$0x0] =	vst v3;
	(pc) =	sbr.rel @p1 .LBB2_3-.Ltmp5, $4  }
0x150: {  	s6 =	sand.u32 $0x70, s0;
	s7 =	sand.u32 $0x3FFFFC00, s9;
	[tilespmem:s2+$0x0] =	vst v3  }
0x151: {  	s9 =	sor.u32 s6, s7;
	[tilespmem:s17+$0x0] =	vst v3  }
0x152: {  	v10, _, _ =	vpop (xrf0);
	s7 =	smov.u32 s10;
	s1 =	sadd.s32 $0x10, s1;
	v7 =	vld [tilespmem:s9+$0x0]  }
0x153: {  	(v2sf) =	vpush v10, $0xF;
	s3 =	sadd.s32 $0x10, s3;
	s2 =	sadd.s32 $0x10, s2;
	s17 =	sadd.s32 $0x10, s17;
	v8 =	vld [tilespmem:s9+$0x80]  }
0x154: {  	v6 =	vld [tilespmem:s9+$0x100]  }
0x155: {  	v9 =	vld [tilespmem:s9+$0x180]  }
0x156: {  	v10 =	vld [tilespmem:s9+$0x200]  }
0x157: {  	v11 =	vld [tilespmem:s9+$0x280]  }
0x158: {  	v13 =	vld [tilespmem:s9+$0x300];
	v12 =	vmax.f32 v7, v8  }
0x159: {  	v14 =	vld [tilespmem:s9+$0x380];
	v12 =	vmax.f32 v12, v6  }
0x15a: {  	v15 =	vld [tilespmem:s9+$0x2000];
	v12 =	vmax.f32 v12, v9  }
0x15b: {  	v16 =	vld [tilespmem:s9+$0x2080];
	v12 =	vmax.f32 v12, v10  }
0x15c: {  	v17 =	vld [tilespmem:s9+$0x2100];
	v12 =	vmax.f32 v12, v11  }
0x15d: {  	v18 =	vld [tilespmem:s9+$0x2180];
	v12 =	vmax.f32 v12, v13  }
0x15e: {  	v19 =	vld [tilespmem:s9+$0x2200];
	v12 =	vmax.f32 v12, v14  }
0x15f: {  	v20 =	vld [tilespmem:s9+$0x2280];
	v12 =	vmax.f32 v12, v15  }
0x160: {  	v21 =	vld [tilespmem:s9+$0x2300];
	v12 =	vmax.f32 v12, v16  }
0x161: {  	v22 =	vld [tilespmem:s9+$0x2380];
	v12 =	vmax.f32 v12, v17  }
0x162: {  	v23 =	vld [tilespmem:s9+$0x4000];
	v12 =	vmax.f32 v12, v18  }
0x163: {  	v24 =	vld [tilespmem:s9+$0x4080];
	v12 =	vmax.f32 v12, v19  }
0x164: {  	v25 =	vld [tilespmem:s9+$0x4100];
	v12 =	vmax.f32 v12, v20  }
0x165: {  	v26 =	vld [tilespmem:s9+$0x4180];
	v12 =	vmax.f32 v12, v21  }
0x166: {  	v27 =	vld [tilespmem:s9+$0x4200];
	v12 =	vmax.f32 v12, v22  }
0x167: {  	v12 =	vmax.f32 v12, v23  }
0x168: {  	v12 =	vmax.f32 v12, v24  }
0x169: {  	v12 =	vmax.f32 v12, v25  }
0x16a: {  	v12 =	vmax.f32 v12, v26  }
0x16b: {  	v12 =	vmax.f32 v12, v27  }
0x16c: {  	v7 =	vsub.f32 v7, v12  }
0x16d: {  	v8 =	vsub.f32 v8, v12  }
0x16e: {  	v7 =	vmul.f32 $1.442695020e+00, v7  }
0x16f: {  	v6 =	vsub.f32 v6, v12;
	v8 =	vmul.f32 $1.442695020e+00, v8  }
0x170: {  	(erf) = vpow2.f32 v7  }
0x171: {  	v6 =	vmul.f32 $1.442695020e+00, v6;
	v7 =	vsub.f32 v9, v12;
	(erf) = vpow2.f32 v8  }
0x172: {  	v8 =	vsub.f32 v10, v12  }
0x173: {  	v7 =	vmul.f32 $1.442695020e+00, v7;
	(erf) = vpow2.f32 v6;
	v6 =	vsub.f32 v11, v12  }
0x174: {  	v8 =	vmul.f32 $1.442695020e+00, v8  }
0x175: {  	(erf) = vpow2.f32 v7;
	v6 =	vmul.f32 $1.442695020e+00, v6;
	_ =	sdelay $0x1  }
0x176: {  	v7 =	vsub.f32 v13, v12;
	(erf) = vpow2.f32 v8;
	_ =	sdelay $0x1  }
0x177: {  	v8 =	vsub.f32 v14, v12;
	v7 =	vmul.f32 $1.442695020e+00, v7;
	(erf) = vpow2.f32 v6;
	v6 =	vpop (erf)  }
0x178: {  	v30 =	vsub.f32 v15, v12;
	v31 =	vpop (erf)  }
0x179: {  	v8 =	vmul.f32 $1.442695020e+00, v8;
	(erf) = vpow2.f32 v7;
	v6 =	vadd.f32 v31, v6  }
0x17a: {  	v9 =	vmul.f32 $1.442695020e+00, v30;
	v32 =	vpop (erf)  }
0x17b: {  	v7 =	vsub.f32 v16, v12;
	(erf) = vpow2.f32 v8;
	v6 =	vadd.f32 v6, v32  }
0x17c: {  	v8 =	vsub.f32 v17, v12;
	v33 =	vpop (erf)  }
0x17d: {  	v7 =	vmul.f32 $1.442695020e+00, v7;
	(erf) = vpow2.f32 v9;
	v6 =	vadd.f32 v6, v33  }
0x17e: {  	v34 =	vsub.f32 v18, v12;
	v35 =	vpop (erf)  }
0x17f: {  	v8 =	vmul.f32 $1.442695020e+00, v8;
	(erf) = vpow2.f32 v7;
	v6 =	vadd.f32 v6, v35  }
0x180: {  	v9 =	vmul.f32 $1.442695020e+00, v34;
	v36 =	vpop (erf)  }
0x181: {  	v7 =	vsub.f32 v19, v12;
	(erf) = vpow2.f32 v8;
	v6 =	vadd.f32 v6, v36  }
0x182: {  	v8 =	vsub.f32 v20, v12;
	v37 =	vpop (erf)  }
0x183: {  	v7 =	vmul.f32 $1.442695020e+00, v7;
	(erf) = vpow2.f32 v9;
	v6 =	vadd.f32 v6, v37  }
0x184: {  	v38 =	vsub.f32 v21, v12;
	v39 =	vpop (erf)  }
0x185: {  	v8 =	vmul.f32 $1.442695020e+00, v8;
	(erf) = vpow2.f32 v7;
	v6 =	vadd.f32 v6, v39  }
0x186: {  	v9 =	vmul.f32 $1.442695020e+00, v38;
	v40 =	vpop (erf)  }
0x187: {  	v7 =	vsub.f32 v22, v12;
	(erf) = vpow2.f32 v8;
	v6 =	vadd.f32 v6, v40  }
0x188: {  	v8 =	vsub.f32 v23, v12;
	v41 =	vpop (erf)  }
0x189: {  	v7 =	vmul.f32 $1.442695020e+00, v7;
	(erf) = vpow2.f32 v9;
	v6 =	vadd.f32 v6, v41  }
0x18a: {  	v42 =	vsub.f32 v24, v12;
	v43 =	vpop (erf)  }
0x18b: {  	v8 =	vmul.f32 $1.442695020e+00, v8;
	(erf) = vpow2.f32 v7;
	v6 =	vadd.f32 v6, v43  }
0x18c: {  	v7 =	vsub.f32 v25, v12;
	v44 =	vpop (erf)  }
0x18d: {  	v9 =	vmul.f32 $1.442695020e+00, v42;
	(erf) = vpow2.f32 v8;
	v6 =	vadd.f32 v6, v44  }
0x18e: {  	v7 =	vmul.f32 $1.442695020e+00, v7;
	v45 =	vpop (erf)  }
0x18f: {  	v8 =	vsub.f32 v26, v12;
	(erf) = vpow2.f32 v9;
	v6 =	vadd.f32 v6, v45  }
0x190: {  	v46 =	vsub.f32 v27, v12;
	v47 =	vpop (erf)  }
0x191: {  	v8 =	vmul.f32 $1.442695020e+00, v8;
	(erf) = vpow2.f32 v7;
	v6 =	vadd.f32 v6, v47  }
0x192: {  	v7 =	vpop (erf)  }
0x193: {  	v9 =	vmul.f32 $1.442695020e+00, v46;
	(erf) = vpow2.f32 v8;
	v6 =	vadd.f32 v6, v7  }
0x194: {  	v7 =	vpop (erf)  }
0x195: {  	(erf) = vpow2.f32 v9;
	v6 =	vadd.f32 v6, v7  }
0x196: {  	s7 =	sadd.s32 $0x10, s11;
	v7 =	vpop (erf)  }
0x197: {  	v8 =	vld [tilespmem:s7+$0x0];
	v6 =	vadd.f32 v6, v7  }
0x198: {  	v7 =	vpop (erf)  }
0x199: {  	v6 =	vadd.f32 v6, v7  }
0x19a: {  	v7 =	vpop (erf)  }
0x19b: {  	v6 =	vadd.f32 v6, v7  }
0x19c: {  	v7 =	vsub.f32 v8, v12;
	v8 =	vpop (erf)  }
0x19d: {  	v6 =	vadd.f32 v6, v8  }
0x19e: {  	v7 =	vmul.f32 $1.442695020e+00, v7;
	v8 =	vpop (erf)  }
0x19f: {  	v6 =	vadd.f32 v6, v8  }
0x1a0: {  	(erf) = vpow2.f32 v7  }
0x1a1: {  	(erf) = vrcp.f32 v6;
	_ =	sdelay $0x3  }
0x1a2: {  	s5 =	sshll.u32 s5, $0x6  }
0x1a3: {  	s5 =	sand.u32 $0xFFFFFE00, s5  }
0x1a4: {  	s5 =	sor.u32 s6, s5  }
0x1a5: {  	v6 =	vld [tilespmem:s5+$0x6580]  }
0x1a6: {  	v7 =	vld [tilespmem:s5+$0x6500];
	v8 =	vpop (erf)  }
0x1a7: {  	v48 =	vpop (erf)  }
0x1a8: {  	v8 =	vmul.f32 v48, v8;
	_ =	sdelay $0x1  }
0x1a9: {  	v6 =	vmul.f32 $2.000000030e-01, v6;
	vm0 =	vge.f32 v8, $5.000000070e-02  }
0x1aa: {  	v7 =	vmul.f32 $2.000000030e-01, v7;
	v49 =	vsel vm0, $0x1, v0  }
0x1ab: {  	v6 =	vmul.f32 $1.442695020e+00, v6;
	(xrf0) =	vadd.scan.msk.s32 $0xffff, v49  }
0x1ac: {  	v7 =	vmul.f32 $1.442695020e+00, v7  }
0x1ad: {  	(erf) = vpow2.f32 v6  }
0x1ae: {  	(erf) = vpow2.f32 v7;
	_ =	sdelay $0x1  }
0x1af: {  	v7 =	vld [tilespmem:s5+$0x6480]  }
0x1b0: {  	s11 =	spop (v2sf);
	v6 =	vld [tilespmem:s5+$0x6400];
	v9, _, _ =	vpop (xrf0)  }
0x1b1: {  	v52 =	vld [tilespmem:s5+$0x7580];
	s4 =	sadd.s32 s11, s4;
	v51 =	vxor.u32 $0x80000000, v9  }
0x1b2: {  	v50 =	vld [tilespmem:s5+$0x7500];
	s4 =	sadd.s32 $0x80000000, s4;
	(xrf0) =	vmax.scan.msk.u32 $0xffff, v51  }
0x1b3: {  	v55 =	vld [tilespmem:s5+$0x7480];
	v53 =	vmov s4  }
0x1b4: {  	v54 =	vld [tilespmem:s5+$0x7400];
	v11 =	vadd.s32 $0xFFFFFFFF, v53;
	v7 =	vmul.f32 $1.000000010e-01, v7  }
0x1b5: {  	v11 =	vbroadcast v11, $0x0;
	v6 =	vmul.f32 $1.000000010e-01, v6;
	v56 =	vpop (erf)  }
0x1b6: {  	v7 =	vmul.f32 v7, v52;
	v57 =	vpop (erf);
	v12 =	vmul.f32 v56, v52  }
0x1b7: {  	v6 =	vmul.f32 v6, v50;
	v10 =	vmul.f32 v57, v50;
	v9 =	vadd.s32 v9, v11  }
0x1b8: {  	v7 =	vadd.f32 v7, v55;
	v12 =	vmul.f32 v12, v2;
	v9 =	vnsel vm0, $0x43F, v9;
	v58, _, _ =	vpop (xrf0)  }
0x1b9: {  	v6 =	vadd.f32 v6, v54;
	v10 =	vmul.f32 v10, v2;
	(v2sf) =	vpush v58, $0xF  }
0x1ba: {  	v60 =	vsub.f32 v7, v12;
	v7 =	vadd.f32 v12, v7  }
0x1bb: {  	v59 =	vsub.f32 v6, v10;
	v6 =	vadd.f32 v10, v6;
	_ =	sdelay $0x1  }
0x1bc: {  	v62 =	vsub.f32 v7, v60;
	v61 =	vsub.f32 v6, v59;
	[tilespmem:v9+s18+$0x0] =	vst.idx.msk $0xffff, v59  }
0x1bd: {  	[tilespmem:v9+s19+$0x0] =	vst.idx.msk $0xffff, v60  }
0x1be: {  	v63 =	vmul.f32 v62, v61;
	[tilespmem:v9+s20+$0x0] =	vst.idx.msk $0xffff, v6  }
0x1bf: {  	[tilespmem:v9+s21+$0x0] =	vst.idx.msk $0xffff, v7  }
0x1c0: {  	[tilespmem:v9+s22+$0x0] =	vst.idx.msk $0xffff, v63  }
0x1c1: {  	s6 =	rddreg [dreg:$0x3];
	[tilespmem:v9+s23+$0x0] =	vst.idx.msk $0xffff, v8  }
0x1c2: {  	v6 =	vor.u32 s0, v1;
	[tilespmem:v9+s6+$0x0] =	vst.idx.msk $0xffff, v8  }
0x1c3: {  	s7 =	rddreg [dreg:$0x4];
	[tilespmem:v9+s24+$0x0] =	vst.idx.msk $0xffff, v6  }
0x1c4: {  	s8 =	sadd.s32 $0x10, s14;
	[tilespmem:v9+s7+$0x0] =	vst.idx.msk $0xffff, v6  }
0x1c5: {  	[tilespmem:s8+$0x0] =	vst v3  }
0x1c6: {  	[tilespmem:s1+$0x0] =	vst v3  }
0x1c7: {  	[tilespmem:s3+$0x0] =	vst v3;
	s9 =	spop (v2sf)  }
0x1c8: {  	[tilespmem:s2+$0x0] =	vst v3;
	s0 =	sadd.s32 s9, s4  }
0x1c9: {  	v6 =	vimm.f32 $-Inf;
	[tilespmem:s17+$0x0] =	vst v3;
	s11 =	sadd.s32 $0x80000000, s0  }
0x1ca: {  	[tilespmem:s11+$0x9A80] =	vst v6  }
0x1cb: {  	[tilespmem:s11+$0xA380] =	vst v4  }
0x1cc: {  	[tilespmem:s11+$0x9A90] =	vst v6  }
0x1cd: {  	[tilespmem:s11+$0xA390] =	vst v4;
	s0 =	sadd.s32 $0x3F, s11  }
0x1ce: {  	[tilespmem:s11+$0x9AA0] =	vst v6;
	s10 =	sand.u32 $0x3F, s0  }
0x1cf: {  	[tilespmem:s11+$0xA3A0] =	vst v4;
	s14 =	sshra.s32 s0, $0x1F;
	p1 =	slt.s32 s0, $0x1;
	p2 =	sne.s32 s10, $0x0  }
0x1d0: {  	[tilespmem:s11+$0x9AB0] =	vst v6;
	s17 =	sshrl.u32 s14, $0x1A;
	p1 =	por !p1, !p2  }
0x1d1: {  	s1 =	simm.s32 $0x1;
	[tilespmem:s11+$0xA3B0] =	vst v4;
	s0 =	sadd.s32 s17, s0;
	p1 =	por !p1, !p1  }
0x1d2: {  	[tilespmem:s11+$0x9F00] =	vst v6;
	s0 =	sshra.s32 s0, $0x6;
	s1 =	simm.s32 @!p1 $0x0  }
0x1d3: {  	[tilespmem:s11+$0xA800] =	vst v4;
	s4 =	ssub.s32 s0, s1  }
0x1d4: {  	[tilespmem:s11+$0x9F10] =	vst v6;
	p1 =	slt.s32 s4, $0x1  }
.Ltmp6:
0x1d5: {  	[tilespmem:s11+$0xA810] =	vst v4;
	(pc) =	sbr.rel @p1 .LBB2_5-.Ltmp6, $4  }
0x1d6: {  	[tilespmem:s11+$0x9F20] =	vst v6  }
0x1d7: {  	[tilespmem:s11+$0xA820] =	vst v4  }
0x1d8: {  	[tilespmem:s11+$0x9F30] =	vst v6  }
0x1d9: {  	[tilespmem:s11+$0xA830] =	vst v4  }
0x1da: {  	p3 =	sne.s32 s4, $0x1  }
.Ltmp7:
0x1db: {  	_ = 	snop;
	(pc) =	sbr.rel @!p3 .LBB2_7-.Ltmp7, $3  }
0x1dc: {  	_ =	sdelay $0x1  }
0x1dd: {  	s1 =	simm.s32 $0x9AA0  }
0x1de: {  	v7 =	vimm.s32 $0x0;
	s0 =	simm.s32 $0x0;
	s2 =	sadd.s32 $0xFFFFFFFF, s4;
	p2 =	por $0x0, $0x0;
	v8 =	vld [tilespmem:s1+$0xFFFFFFE0]  }
0x1df: {  	_ = 	snop  }
0x1e0: {  	v11 =	vld [tilespmem:s1+$0xFFFFFFF0]  }
0x1e1: {  	p3 =	sne.s32 s2, $0x1  }
.Ltmp8:
0x1e2: {  	v9 =	vld [tilespmem:s1+$0x0];
	(pc) =	sbr.rel @!p3 .LBB2_9-.Ltmp8, $4  }
0x1e3: {  	vm0 =	vgt.f32 v8, v6  }
0x1e4: {  	v12 =	vor.u32 s0, v1;
	s3 =	simm.s32 $0x10;
	v10 =	vld [tilespmem:s1+$0x10];
	v13 =	vsel vm0, v8, v6  }
0x1e5: {  	s1 =	simm.s32 $0x9AE0;
	s5 =	simm.s32 $0x20;
	v15 =	vor.u32 s3, v1;
	v14 =	vsel vm0, v12, v7;
	vm15 =	vgt.f32 v11, v13  }
0x1e6: {  	p2 =	por $0x1, $0x1;
	s3 =	sadd.s32 $0xFFFFFFFF, s2;
	s2 =	simm.s32 $0x0;
	v8 =	vld [tilespmem:s1+$0xFFFFFFE0];
	v12 =	vsel vm15, v11, v13;
	v11 =	vsel vm15, v15, v14  }
.LBB2_10:
0x1e7: {  	p3 =	sne.s32 s3, $0x1;
	v13 =	vor.u32 s5, v1;
	vm0 =	vgt.f32 v9, v12  }
0x1e8: {  	s5 =	sadd.s32 $0x30, s2;
	v14 =	vld [tilespmem:s1+$0xFFFFFFF0];
	v12 =	vsel vm0, v9, v12;
	v11 =	vsel vm0, v13, v11  }
0x1e9: {  	v13 =	vor.u32 s5, v1;
	vm0 =	vgt.f32 v10, v12  }
.Ltmp9:
0x1ea: {  	s2 =	sadd.s32 $0x40, s2;
	v9 =	vld [tilespmem:s1+$0x0];
	v10 =	vsel vm0, v10, v12;
	v11 =	vsel vm0, v13, v11;
	(pc) =	sbr.rel @p3 .LBB2_10-.Ltmp9, $4  }
0x1eb: {  	v12 =	vor.u32 s2, v1;
	vm0 =	vgt.f32 v8, v10  }
0x1ec: {  	s5 =	sadd.s32 $0x10, s2;
	v13 =	vsel vm0, v8, v10;
	v11 =	vsel vm0, v12, v11;
	v10 =	vld [tilespmem:s1+$0x10]  }
0x1ed: {  	v15 =	vor.u32 s5, v1;
	s1 =	sadd.s32 $0x40, s1;
	vm0 =	vgt.f32 v14, v13  }
0x1ee: {  	s3 =	sadd.s32 $0xFFFFFFFF, s3;
	s5 =	sadd.s32 $0x20, s2;
	v8 =	vld [tilespmem:s1+$0xFFFFFFE0];
	v12 =	vsel vm0, v14, v13;
	v11 =	vsel vm0, v15, v11  }
.LBB2_11:
0x1ef: {  	vm0 =	vgt.f32 @p2 v9, v12  }
0x1f0: {  	v9 =	vsel @p2 vm0, v9, v12  }
0x1f1: {  	v58 =	vld [tilespmem:s1+$0xFFFFFFF0];
	vm1 =	vgt.f32 @p2 v10, v9  }
0x1f2: {  	v9 =	vsel @p2 vm1, v10, v9  }
0x1f3: {  	v59 =	vld [tilespmem:s1+$0x0];
	v6 =	vpsel p2, v9, v6  }
0x1f4: {  	s3 =	sadd.s32 @p2 $0x30, s2;
	v9 =	vor.u32 @p2 s5, v1;
	vm2 =	vgt.f32 v8, v6  }
0x1f5: {  	s2 =	sadd.s32 @p2 $0x40, s2;
	v9 =	vsel @p2 vm0, v9, v11;
	v11 =	vor.u32 @p2 s3, v1;
	v6 =	vsel vm2, v8, v6;
	v8 =	vld [tilespmem:s1+$0x10]  }
0x1f6: {  	s0 =	smov.u32 @p2 s2;
	v9 =	vsel @p2 vm1, v11, v9;
	vm13 =	vgt.f32 v58, v6  }
0x1f7: {  	v60 =	vor.u32 s0, v1;
	s14 =	sadd.s32 $0x10, s0;
	v7 =	vpsel p2, v9, v7;
	v6 =	vsel vm13, v58, v6  }
.Ltmp10:
0x1f8: {  	s17 =	sadd.s32 $0x20, s0;
	v61 =	vor.u32 s14, v1;
	v7 =	vsel vm2, v60, v7;
	vm14 =	vgt.f32 v59, v6;
	(pc) =	sbr.rel .LBB2_12-.Ltmp10, $4  }
0x1f9: {  	s0 =	sadd.s32 $0x30, s0;
	v62 =	vor.u32 s17, v1;
	v7 =	vsel vm13, v61, v7;
	v6 =	vsel vm14, v59, v6  }
0x1fa: {  	v63 =	vor.u32 s0, v1;
	v7 =	vsel vm14, v62, v7;
	vm15 =	vgt.f32 v8, v6  }
0x1fb: {  	v7 =	vsel vm15, v63, v7  }
0x1fc: {  	v6 =	vsel vm15, v8, v6;
	v7 =	vxor.u32 $0x80000000, v7  }
.LBB2_5:
0x1fd: {  	v7 =	vimm.s32 $0x80000000  }
.LBB2_12:
0x1fe: {  	(xrf0) =	vmax.scan.msk.f32 $0xffff, v6;
	_ =	sdelay $0x5  }
0x1ff: {  	v8, _, _ =	vpop (xrf0)  }
0x200: {  	(v2sf) =	vpush v8, $0xF;
	_ =	sdelay $0xe  }
0x201: {  	s1 =	spop (v2sf)  }
0x202: {  	p2 =	sgt.f32 s1, $-9.999999680e+37  }
.Ltmp11:
0x203: {  	_ = 	snop;
	(pc) =	sbr.rel @!p2 .LBB2_36-.Ltmp11, $1  }
0x204: {  	_ =	sdelay $0x3  }
0x205: {  	v8 =	vbroadcast v8, $0xF;
	_ =	sdelay $0x1  }
0x206: {  	vm0 =	veq.f32 v6, v8  }
0x207: {  	v6 =	vnsel vm0, $0xC0000000, v7  }
0x208: {  	(xrf0) =	vmin.scan.msk.u32 $0xffff, v6;
	_ =	sdelay $0x5  }
0x209: {  	v6, _, _ =	vpop (xrf0)  }
0x20a: {  	(v2sf) =	vpush v6, $0xF;
	_ =	sdelay $0xa  }
.Ltmp12:
0x20b: {  	_ = 	snop;
	(pc) =	sbr.rel .LBB2_14-.Ltmp12, $2  }
0x20c: {  	_ =	sdelay $0x2  }
0x20d: {  	s2 =	spop (v2sf)  }
.LBB2_19:
0x20e: {  	v6 =	vimm.s32 $0x80000000  }
.LBB2_35:
0x20f: {  	(xrf0) =	vmax.scan.msk.f32 $0xffff, v7;
	_ =	sdelay $0x5  }
0x210: {  	v8, _, _ =	vpop (xrf0)  }
0x211: {  	v9 =	vbroadcast v8, $0xF;
	_ =	sdelay $0x1  }
0x212: {  	vm0 =	veq.f32 v7, v9  }
0x213: {  	v6 =	vnsel vm0, $0xC0000000, v6  }
0x214: {  	(xrf0) =	vmin.scan.msk.u32 $0xffff, v6  }
0x215: {  	(v2sf) =	vpush v8, $0xF;
	_ =	sdelay $0x4  }
0x216: {  	v6, _, _ =	vpop (xrf0)  }
0x217: {  	(v2sf) =	vpush v6, $0xF;
	_ =	sdelay $0x7  }
0x218: {  	[tilespmem:s11+$0x9A80] =	vst v5  }
0x219: {  	[tilespmem:s11+$0xA380] =	vst v4;
	s1 =	spop (v2sf)  }
0x21a: {  	[tilespmem:s11+$0x9A90] =	vst v5;
	p2 =	sgt.f32 s1, $-9.999999680e+37  }
.Ltmp13:
0x21b: {  	[tilespmem:s11+$0xA390] =	vst v4;
	(pc) =	sbr.rel @!p2 .LBB2_36-.Ltmp13, $4  }
0x21c: {  	[tilespmem:s11+$0x9AA0] =	vst v5  }
0x21d: {  	[tilespmem:s11+$0xA3A0] =	vst v4  }
0x21e: {  	[tilespmem:s11+$0x9AB0] =	vst v5  }
0x21f: {  	[tilespmem:s11+$0xA3B0] =	vst v4;
	s2 =	spop (v2sf)  }
.LBB2_14:
0x220: {  	s0 =	sadd.s32 $0x3F, s11  }
0x221: {  	s3 =	sand.u32 $0x3F, s0  }
0x222: {  	s5 =	sshra.s32 s0, $0x1F;
	p2 =	slt.s32 s0, $0x1;
	p3 =	sne.s32 s3, $0x0  }
.Ltmp14:
0x223: {  	s17 =	sshrl.u32 s5, $0x1A;
	p2 =	por !p2, !p3;
	(pc) =	sbr.rel .LBB2_15-.Ltmp14, $4  }
0x224: {  	s3 =	simm.s32 $0x1;
	s0 =	sadd.s32 s17, s0;
	p2 =	por !p2, !p2  }
0x225: {  	s0 =	sshra.s32 s0, $0x6;
	s3 =	simm.s32 @!p2 $0x0  }
0x226: {  	s14 =	ssub.s32 s0, s3  }
0x227: {  	s0 =	simm.s32 $0x0;
	p2 =	slt.s32 s14, $0x1  }
.LBB2_24:
0x228: {  	v6 =	vimm.s32 $0x80000000  }
.LBB2_28:
0x229: {  	(xrf0) =	vmax.scan.msk.f32 $0xffff, v11;
	_ =	sdelay $0x5  }
0x22a: {  	v7, _, _ =	vpop (xrf0)  }
0x22b: {  	v8 =	vbroadcast v7, $0xF;
	_ =	sdelay $0x1  }
0x22c: {  	(v2sf) =	vpush v7, $0xF;
	vm0 =	veq.f32 v11, v8  }
0x22d: {  	v6 =	vnsel vm0, $0xC0000000, v6  }
0x22e: {  	(xrf0) =	vmin.scan.msk.u32 $0xffff, v6;
	_ =	sdelay $0x5  }
0x22f: {  	v6, _, _ =	vpop (xrf0)  }
0x230: {  	(v2sf) =	vpush v6, $0xF;
	_ =	sdelay $0x5  }
0x231: {  	s1 =	spop (v2sf)  }
0x232: {  	p3 =	sgt.f32 s1, $-9.999999680e+37;
	_ =	sdelay $0x1  }
0x233: {  	p4 =	slt.u32 @p3 s0, $0x1F  }
0x234: {  	p3 =	por !p3, !p4  }
.Ltmp15:
0x235: {  	_ = 	snop;
	(pc) =	sbr.rel @p3 .LBB2_18-.Ltmp15, $2  }
0x236: {  	_ =	sdelay $0x2  }
0x237: {  	s0 =	sadd.s32 $0x1, s0;
	s2 =	spop (v2sf)  }
.LBB2_15:
.Ltmp16:
0x238: {  	(pc) =	sbr.rel @p1 .LBB2_23-.Ltmp16, $3  }
0x239: {  	_ =	sdelay $0x1  }
0x23a: {  	s2 =	sxor.u32 $0x80000000, s2;
	v8 =	vmov s1  }
0x23b: {  	v7 =	vimm.s32 $0x0;
	v9 =	vimm.s32 $0x0;
	v6 =	vmov s2  }
0x23c: {  	_ =	sdelay $0x3  }
0x23d: {  	v9 =	vld.idx.msk [tilespmem:v6+s24+$0x0], $0xffff;
	s2 =	simm.s32 $0x9F20  }
0x23e: {  	s1 =	simm.s32 $0xA820;
	v10 =	vld [tilespmem:s2+$0x10]  }
0x23f: {  	p4 =	sne.s32 s4, $0x1;
	v13 =	vld [tilespmem:s1+$0x10]  }
.Ltmp17:
0x240: {  	v12 =	vld [tilespmem:s2+$0x0];
	(pc) =	sbr.rel @!p4 .LBB2_17-.Ltmp17, $4  }
0x241: {  	v14 =	vld [tilespmem:s1+$0x0]  }
0x242: {  	v11 =	vld [tilespmem:s2+$0xFFFFFFF0]  }
0x243: {  	v15 =	vld [tilespmem:s2+$0xFFFFFFE0]  }
0x244: {  	s3 =	sadd.s32 $0xFFFFFFFF, s4;
	p3 =	por $0x0, $0x0;
	v16 =	vld [tilespmem:s1+$0xFFFFFFE0]  }
0x245: {  	v17 =	vld [tilespmem:s1+$0xFFFFFFF0]  }
0x246: {  	vm0 =	vgt.f32 v10, v8  }
0x247: {  	vm1 =	vgt.f32 v12, v8;
	vm2 =	veq.f32 v10, v8;
	vm3 =	vlt.s32 v13, v9;
	s2 =	simm.s32 $0x9F60  }
0x248: {  	vm5 =	veq.f32 v12, v8;
	s1 =	simm.s32 $0xA860;
	v10 =	vld [tilespmem:s2+$0x10];
	vm6 =	vlt.s32 v14, v9;
	vm2 =	vmand vm2, vm3  }
0x249: {  	p4 =	sne.s32 s3, $0x1;
	v13 =	vld [tilespmem:s1+$0x10];
	vm13 =	veq.f32 v11, v8;
	vm8 =	veq.f32 v15, v8;
	vm9 =	vlt.s32 v16, v9  }
.Ltmp18:
0x24a: {  	v12 =	vld [tilespmem:s2+$0x0];
	vm7 =	vgt.f32 v15, v8;
	vm8 =	vmand vm8, vm9;
	vm10 =	vlt.s32 v17, v9;
	(pc) =	sbr.rel @!p4 .LBB2_22-.Ltmp18, $4  }
0x24b: {  	v14 =	vld [tilespmem:s1+$0x0];
	vm4 =	vgt.f32 v11, v8;
	vm7 =	vmor vm7, vm8;
	vm14 =	vmand vm13, vm10  }
0x24c: {  	v11 =	vld [tilespmem:s2+$0xFFFFFFF0];
	vm15 =	vmand vm5, vm6;
	v16 =	vsel vm7, $0x1, v0;
	vm3 =	vmor vm4, vm14  }
0x24d: {  	v15 =	vld [tilespmem:s2+$0xFFFFFFE0];
	vm1 =	vmor vm1, vm15;
	v17 =	vadd.s32 v16, v7;
	v18 =	vsel vm3, $0x1, v0  }
0x24e: {  	s3 =	sadd.s32 $0xFFFFFFFF, s3;
	p3 =	por $0x1, $0x1;
	vm0 =	vmor vm0, vm2;
	v16 =	vld [tilespmem:s1+$0xFFFFFFE0];
	v17 =	vadd.s32 v18, v17;
	v18 =	vsel vm1, $0x1, v0  }
.LBB2_21:
0x24f: {  	p4 =	sne.s32 s3, $0x1;
	v19 =	vld [tilespmem:s1+$0xFFFFFFF0];
	v17 =	vadd.s32 v18, v17;
	v18 =	vsel vm0, $0x1, v0  }
0x250: {  	vm0 =	vgt.f32 v10, v8;
	v17 =	vadd.s32 v18, v17  }
0x251: {  	vm1 =	vgt.f32 v12, v8;
	vm2 =	veq.f32 v10, v8;
	vm3 =	vlt.s32 v13, v9;
	s2 =	sadd.s32 $0x40, s2  }
0x252: {  	vm5 =	veq.f32 v12, v8;
	s1 =	sadd.s32 $0x40, s1;
	vm6 =	vlt.s32 v14, v9;
	vm4 =	vgt.f32 v11, v8;
	v10 =	vld [tilespmem:s2+$0x10]  }
0x253: {  	vm7 =	vgt.f32 v15, v8;
	vm8 =	veq.f32 v15, v8;
	v13 =	vld [tilespmem:s1+$0x10];
	vm9 =	vlt.s32 v16, v9  }
.Ltmp19:
0x254: {  	v12 =	vld [tilespmem:s2+$0x0];
	vm8 =	vmand vm8, vm9;
	vm9 =	veq.f32 v11, v8;
	vm10 =	vlt.s32 v19, v9;
	(pc) =	sbr.rel @p4 .LBB2_21-.Ltmp19, $4  }
0x255: {  	vm2 =	vmand vm2, vm3;
	v14 =	vld [tilespmem:s1+$0x0];
	vm7 =	vmor vm7, vm8;
	vm8 =	vmand vm9, vm10  }
0x256: {  	v11 =	vld [tilespmem:s2+$0xFFFFFFF0];
	v16 =	vsel vm7, $0x1, v0;
	vm3 =	vmor vm4, vm8;
	vm4 =	vmand vm5, vm6  }
0x257: {  	v15 =	vld [tilespmem:s2+$0xFFFFFFE0];
	v17 =	vadd.s32 v16, v17;
	v18 =	vsel vm3, $0x1, v0;
	vm1 =	vmor vm1, vm4  }
0x258: {  	s3 =	sadd.s32 $0xFFFFFFFF, s3;
	vm0 =	vmor vm0, vm2;
	v16 =	vld [tilespmem:s1+$0xFFFFFFE0];
	v17 =	vadd.s32 v18, v17;
	v18 =	vsel vm1, $0x1, v0  }
.LBB2_22:
0x259: {  	v19 =	vld [tilespmem:s1+$0xFFFFFFF0];
	v17 =	vadd.s32 @p3 v18, v17;
	v18 =	vsel @p3 vm0, $0x1, v0  }
0x25a: {  	vm12 =	vgt.f32 v10, v8;
	vm1 =	vgt.f32 v12, v8;
	vm2 =	veq.f32 v10, v8  }
0x25b: {  	vm3 =	vlt.s32 v13, v9;
	vm5 =	veq.f32 v12, v8;
	v17 =	vadd.s32 @p3 v18, v17  }
0x25c: {  	vm8 =	vlt.s32 v14, v9;
	vm2 =	vmand vm2, vm3;
	vm4 =	vgt.f32 v11, v8  }
0x25d: {  	vm13 =	veq.f32 v11, v8;
	vm6 =	veq.f32 v15, v8;
	vm7 =	vlt.s32 v16, v9  }
0x25e: {  	vm9 =	vgt.f32 v15, v8;
	vm6 =	vmand vm6, vm7;
	vm10 =	vlt.s32 v19, v9  }
0x25f: {  	vm15 =	vmand vm5, vm8;
	vm6 =	vmor vm9, vm6;
	vm7 =	vmand vm13, vm10  }
0x260: {  	v10 =	vpsel p3, v17, v7;
	v9 =	vsel vm6, $0x1, v0;
	vm14 =	vmor vm4, vm7  }
0x261: {  	vm1 =	vmor vm1, vm15;
	v9 =	vadd.s32 v9, v10;
	v10 =	vsel vm14, $0x1, v0  }
0x262: {  	vm0 =	vmor vm12, vm2;
	v9 =	vadd.s32 v10, v9;
	v10 =	vsel vm1, $0x1, v0  }
0x263: {  	v9 =	vadd.s32 v10, v9;
	v10 =	vsel vm0, $0x1, v0  }
0x264: {  	v9 =	vadd.s32 v10, v9  }
.LBB2_23:
0x265: {  	(xrf0) =	vadd.scan.msk.s32 $0xffff, v9;
	_ =	sdelay $0x5  }
0x266: {  	v9, _, _ =	vpop (xrf0)  }
0x267: {  	v9 =	vbroadcast v9, $0xF  }
0x268: {  	v15 =	vld.idx.msk [tilespmem:v6+s18+$0x0], $0xffff  }
0x269: {  	v14 =	vld.idx.msk [tilespmem:v6+s19+$0x0], $0xffff  }
0x26a: {  	v12 =	vld.idx.msk [tilespmem:v6+s20+$0x0], $0xffff  }
0x26b: {  	v13 =	vld.idx.msk [tilespmem:v6+s21+$0x0], $0xffff;
	_ =	sdelay $0x1  }
.Ltmp20:
0x26c: {  	v17 =	vld.idx.msk [tilespmem:v6+s22+$0x0], $0xffff;
	[tilespmem:v9+s25+$0x0] =	vst.idx.msk $0xffff, v15;
	(pc) =	sbr.rel @p2 .LBB2_24-.Ltmp20, $4  }
0x26d: {  	[tilespmem:v9+s26+$0x0] =	vst.idx.msk $0xffff, v14  }
0x26e: {  	[tilespmem:v9+s28+$0x0] =	vst.idx.msk $0xffff, v12  }
0x26f: {  	[tilespmem:v9+s29+$0x0] =	vst.idx.msk $0xffff, v13  }
0x270: {  	v11 =	vimm.f32 $-Inf;
	s2 =	simm.s32 $0x0;
	[tilespmem:v9+s30+$0x0] =	vst.idx.msk $0xffff, v8  }
0x271: {  	s1 =	simm.s32 $0x0  }
0x272: {  	v20 =	vld [tilespmem:s1+$0x9630]  }
0x273: {  	v18 =	vld [tilespmem:s1+$0x9620]  }
0x274: {  	v19 =	vld [tilespmem:s1+$0x9610]  }
0x275: {  	v21 =	vld [tilespmem:s1+$0x8430]  }
0x276: {  	v22 =	vld [tilespmem:s1+$0x88B0]  }
0x277: {  	v23 =	vld [tilespmem:s1+$0x8D30]  }
0x278: {  	v24 =	vld [tilespmem:s1+$0x91B0]  }
0x279: {  	v25 =	vld [tilespmem:s1+$0x9600]  }
0x27a: {  	v26 =	vld [tilespmem:s1+$0x8420]  }
0x27b: {  	v27 =	vld [tilespmem:s1+$0x88A0]  }
0x27c: {  	v28 =	vld [tilespmem:s1+$0x8D20]  }
0x27d: {  	p3 =	sne.s32 s14, $0x1;
	v29 =	vld [tilespmem:s1+$0x91A0]  }
.Ltmp21:
0x27e: {  	v31 =	vld [tilespmem:s1+$0x8410];
	(pc) =	sbr.rel @!p3 .LBB2_27-.Ltmp21, $4  }
0x27f: {  	v30 =	vld [tilespmem:s1+$0x8890]  }
0x280: {  	v10 =	vor.u32 s2, v1;
	s3 =	simm.s32 $0x20;
	s5 =	simm.s32 $0x30;
	s6 =	simm.s32 $0x10;
	v32 =	vld [tilespmem:s1+$0x8400]  }
0x281: {  	v9 =	vor.u32 s3, v1;
	v8 =	vor.u32 s5, v1;
	v33 =	vld [tilespmem:s1+$0x8880];
	v16 =	vor.u32 s6, v1  }
0x282: {  	v34 =	vld [tilespmem:s1+$0x8D00];
	vm1 =	veq.s32 v10, v6;
	s3 =	sadd.s32 $0xFFFFFFFF, s14;
	s5 =	simm.s32 $0x0;
	vm0 =	veq.s32 v8, v6;
	v20 =	vadd.f32 v20, v17  }
.LBB2_26:
0x283: {  	p3 =	sne.s32 s3, $0x1;
	v35 =	vld [tilespmem:s1+$0x9180];
	v36 =	vadd.f32 v19, v17;
	v37 =	vadd.f32 v18, v17;
	v18 =	vmax.f32 v15, v21  }
0x284: {  	v21 =	vmax.f32 v14, v22;
	v22 =	vmin.f32 v12, v23;
	v23 =	vmin.f32 v13, v24;
	v19 =	vld [tilespmem:s1+$0x8D10]  }
0x285: {  	v24 =	vadd.f32 v25, v17;
	v26 =	vmax.f32 v15, v26;
	v27 =	vmax.f32 v14, v27;
	v25 =	vld [tilespmem:s1+$0x9190]  }
0x286: {  	v31 =	vmax.f32 v15, v31;
	v28 =	vmin.f32 v12, v28;
	v29 =	vmin.f32 v13, v29  }
0x287: {  	v30 =	vmax.f32 v14, v30;
	v32 =	vmax.f32 v15, v32;
	v33 =	vmax.f32 v14, v33  }
0x288: {  	s2 =	sadd.s32 $0x100, s2;
	v38 =	vsub.f32 v22, v18;
	v34 =	vmin.f32 v12, v34;
	v35 =	vmin.f32 v13, v35  }
0x289: {  	s6 =	sshra.s32 s2, $0x2;
	v22 =	vsub.f32 v34, v32;
	v32 =	vsub.f32 v35, v33;
	v18 =	vmin.f32 v12, v19  }
0x28a: {  	v26 =	vsub.f32 v28, v26;
	v35 =	vld [tilespmem:s6+$0x9630];
	v19 =	vmin.f32 v13, v25;
	v25 =	vsub.f32 v18, v31  }
0x28b: {  	v22 =	vmax.f32 v22, $0.0e+00;
	v18 =	vld [tilespmem:s6+$0x9620];
	v28 =	vmax.f32 v32, $0.0e+00;
	v30 =	vsub.f32 v19, v30  }
0x28c: {  	v27 =	vsub.f32 v29, v27;
	v29 =	vsub.f32 v23, v21;
	v19 =	vld [tilespmem:s6+$0x9610];
	v28 =	vmul.f32 v28, v22  }
0x28d: {  	v26 =	vmax.f32 v26, $0.0e+00;
	v23 =	vmax.f32 v25, $0.0e+00;
	v21 =	vld [tilespmem:s6+$0x8430];
	v25 =	vmax.f32 v30, $0.0e+00  }
0x28e: {  	v22 =	vld [tilespmem:s6+$0x88B0];
	v24 =	vsub.f32 v24, v28;
	v30 =	vmul.f32 v25, v23;
	v25 =	vmax.f32 v27, $0.0e+00  }
0x28f: {  	v23 =	vld [tilespmem:s6+$0x8D30];
	v27 =	vmul.f32 v25, v26;
	v25 =	vmax.f32 v38, $0.0e+00;
	v26 =	vmax.f32 v29, $0.0e+00  }
0x290: {  	v29 =	vld [tilespmem:s1+$0x9A80];
	v31 =	vmax.f32 v24, $9.999999710e-10;
	v32 =	vsub.f32 v36, v30;
	v33 =	vmul.f32 v26, v25  }
0x291: {  	vm2 =	veq.s32 v9, v6;
	v24 =	vld [tilespmem:s6+$0x91B0];
	v26 =	vmul.f32 $5.000000000e-01, v31;
	v31 =	vsub.f32 v37, v27  }
0x292: {  	vm3 =	veq.s32 v16, v6;
	v34 =	vld [tilespmem:s1+$0x9A90];
	v32 =	vmax.f32 v32, $9.999999710e-10;
	v20 =	vsub.f32 v20, v33  }
0x293: {  	v25 =	vld [tilespmem:s6+$0x9600];
	vm4 =	vgt.f32 v28, v26;
	v28 =	vmul.f32 $5.000000000e-01, v32;
	v26 =	vmax.f32 v31, $9.999999710e-10  }
0x294: {  	vm1 =	vmor vm1, vm4;
	v31 =	vld [tilespmem:s1+$0x9AA0];
	v32 =	vmul.f32 $5.000000000e-01, v26;
	v20 =	vmax.f32 v20, $9.999999710e-10  }
0x295: {  	v26 =	vld [tilespmem:s6+$0x8420];
	v29 =	vsel vm1, $0xFF800000, v29;
	vm1 =	vgt.f32 v30, v28;
	v20 =	vmul.f32 $5.000000000e-01, v20  }
0x296: {  	[tilespmem:s1+$0x9A80] =	vst v29;
	vm4 =	vgt.f32 v29, v11;
	vm1 =	vmor vm3, vm1;
	vm3 =	vgt.f32 v27, v32;
	v32 =	vld [tilespmem:s1+$0x9AB0]  }
0x297: {  	v27 =	vld [tilespmem:s6+$0x88A0];
	v11 =	vsel vm4, v29, v11;
	v7 =	vsel vm4, v10, v7;
	v10 =	vsel vm1, $0xFF800000, v34  }
0x298: {  	vm2 =	vmor vm2, vm3;
	vm3 =	vgt.f32 v33, v20;
	v28 =	vld [tilespmem:s6+$0x8D20];
	[tilespmem:s1+$0x9A90] =	vst v10;
	vm1 =	vgt.f32 v10, v11  }
0x299: {  	s5 =	sadd.s32 $0x40, s5;
	v29 =	vld [tilespmem:s6+$0x91A0];
	v11 =	vsel vm1, v10, v11;
	v7 =	vsel vm1, v16, v7;
	v16 =	vsel vm2, $0xFF800000, v31  }
.Ltmp22:
0x29a: {  	vm0 =	vmor vm0, vm3;
	v10 =	vor.u32 s5, v1;
	v31 =	vld [tilespmem:s6+$0x8410];
	[tilespmem:s1+$0x9AA0] =	vst v16;
	vm1 =	vgt.f32 v16, v11;
	(pc) =	sbr.rel @p3 .LBB2_26-.Ltmp22, $4  }
0x29b: {  	s7 =	sadd.s32 $0x20, s5;
	s8 =	sadd.s32 $0x30, s5;
	v30 =	vld [tilespmem:s6+$0x8890];
	v11 =	vsel vm1, v16, v11;
	v7 =	vsel vm1, v9, v7;
	v20 =	vsel vm0, $0xFF800000, v32  }
0x29c: {  	s9 =	sadd.s32 $0x10, s5;
	v34 =	vor.u32 s8, v1;
	v9 =	vor.u32 s7, v1;
	v32 =	vld [tilespmem:s6+$0x8400];
	[tilespmem:s1+$0x9AB0] =	vst v20;
	vm0 =	vgt.f32 v20, v11;
	s1 =	smov.u32 s6  }
0x29d: {  	v16 =	vor.u32 s9, v1;
	v33 =	vld [tilespmem:s1+$0x8880];
	v11 =	vsel vm0, v20, v11;
	v7 =	vsel vm0, v8, v7;
	v8 =	vmovc v34  }
0x29e: {  	s3 =	sadd.s32 $0xFFFFFFFF, s3;
	vm1 =	veq.s32 v10, v6;
	v20 =	vadd.f32 v35, v17;
	v34 =	vld [tilespmem:s1+$0x8D00];
	vm0 =	veq.s32 v8, v6  }
.LBB2_27:
0x29f: {  	v35 =	vld [tilespmem:s1+$0x9180];
	v19 =	vadd.f32 v19, v17;
	v18 =	vadd.f32 v18, v17;
	v21 =	vmax.f32 v15, v21  }
0x2a0: {  	v36 =	vld [tilespmem:s1+$0x8D10];
	v22 =	vmax.f32 v14, v22;
	v23 =	vmin.f32 v12, v23;
	v24 =	vmin.f32 v13, v24  }
0x2a1: {  	v38 =	vadd.f32 v25, v17;
	v39 =	vld [tilespmem:s1+$0x9190];
	v26 =	vmax.f32 v15, v26;
	v27 =	vmax.f32 v14, v27  }
0x2a2: {  	v31 =	vmax.f32 v15, v31;
	v28 =	vmin.f32 v12, v28;
	v29 =	vmin.f32 v13, v29  }
0x2a3: {  	v44 =	vmax.f32 v14, v30;
	v21 =	vsub.f32 v23, v21;
	v40 =	vmax.f32 v15, v32  }
0x2a4: {  	v41 =	vmax.f32 v14, v33;
	v42 =	vmin.f32 v12, v34;
	v43 =	vmin.f32 v13, v35  }
0x2a5: {  	v15 =	vsub.f32 v42, v40;
	v46 =	vmin.f32 v12, v36;
	v45 =	vsub.f32 v43, v41  }
0x2a6: {  	v49 =	vsub.f32 v28, v26;
	v47 =	vmin.f32 v13, v39;
	v12 =	vsub.f32 v46, v31  }
0x2a7: {  	v13 =	vsub.f32 v47, v44;
	v15 =	vmax.f32 v15, $0.0e+00;
	v48 =	vmax.f32 v45, $0.0e+00  }
0x2a8: {  	v51 =	vsub.f32 v29, v27;
	v22 =	vsub.f32 v24, v22;
	v50 =	vmul.f32 v48, v15  }
0x2a9: {  	v52 =	vmax.f32 v49, $0.0e+00;
	v12 =	vmax.f32 v12, $0.0e+00;
	v13 =	vmax.f32 v13, $0.0e+00  }
0x2aa: {  	v53 =	vmax.f32 v51, $0.0e+00;
	v12 =	vmul.f32 v13, v12;
	v17 =	vsub.f32 v38, v50  }
0x2ab: {  	v54 =	vmax.f32 v21, $0.0e+00;
	v22 =	vmax.f32 v22, $0.0e+00;
	v13 =	vmul.f32 v53, v52  }
0x2ac: {  	v55 =	vld [tilespmem:s1+$0x9A80];
	v15 =	vmul.f32 v22, v54;
	v19 =	vsub.f32 v19, v12;
	v17 =	vmax.f32 v17, $9.999999710e-10  }
0x2ad: {  	vm2 =	veq.s32 v9, v6;
	v17 =	vmul.f32 $5.000000000e-01, v17  }
0x2ae: {  	v56 =	vld [tilespmem:s1+$0x9A90];
	v18 =	vsub.f32 v18, v13;
	v57 =	vsub.f32 v20, v15;
	v19 =	vmax.f32 v19, $9.999999710e-10  }
0x2af: {  	vm12 =	veq.s32 v16, v6;
	v58 =	vmul.f32 $5.000000000e-01, v19;
	vm3 =	vgt.f32 v50, v17  }
0x2b0: {  	v59 =	vld [tilespmem:s1+$0x9AA0];
	v6 =	vmax.f32 v18, $9.999999710e-10;
	v14 =	vmax.f32 v57, $9.999999710e-10;
	vm1 =	vmor vm1, vm3  }
0x2b1: {  	v6 =	vmul.f32 $5.000000000e-01, v6;
	vm13 =	vgt.f32 v12, v58;
	v60 =	vsel vm1, $0xFF800000, v55  }
0x2b2: {  	v62 =	vld [tilespmem:s1+$0x9AB0];
	v61 =	vmul.f32 $5.000000000e-01, v14;
	vm1 =	vmor vm12, vm13;
	vm4 =	vgt.f32 v60, v11  }
0x2b3: {  	vm14 =	vgt.f32 v13, v6;
	v6 =	vsel vm4, v60, v11;
	v11 =	vsel vm1, $0xFF800000, v56  }
0x2b4: {  	vm2 =	vmor vm2, vm14;
	vm1 =	vgt.f32 v11, v6  }
0x2b5: {  	vm15 =	vgt.f32 v15, v61;
	v63 =	vsel vm2, $0xFF800000, v59;
	v6 =	vsel vm1, v11, v6  }
.Ltmp23:
0x2b6: {  	vm0 =	vmor vm0, vm15;
	v7 =	vsel vm4, v10, v7;
	vm2 =	vgt.f32 v63, v6;
	(pc) =	sbr.rel .LBB2_28-.Ltmp23, $4  }
0x2b7: {  	[tilespmem:s1+$0x9A80] =	vst v60;
	v10 =	vsel vm0, $0xFF800000, v62;
	v7 =	vsel vm1, v16, v7;
	v6 =	vsel vm2, v63, v6  }
0x2b8: {  	[tilespmem:s1+$0x9AA0] =	vst v63;
	v7 =	vsel vm2, v9, v7;
	vm0 =	vgt.f32 v10, v6  }
0x2b9: {  	[tilespmem:s1+$0x9A90] =	vst v11;
	v7 =	vsel vm0, v8, v7  }
0x2ba: {  	[tilespmem:s1+$0x9AB0] =	vst v10;
	v11 =	vsel vm0, v10, v6;
	v6 =	vxor.u32 $0x80000000, v7  }
.LBB2_17:
.Ltmp24:
0x2bb: {  	(pc) =	sbr.rel .LBB2_22-.Ltmp24, $2  }
0x2bc: {  	_ =	sdelay $0x2  }
0x2bd: {  	_ = 	snop  }
.LBB2_18:
0x2be: {  	p2 =	sgt.s32 s14, $0x0  }
.Ltmp25:
0x2bf: {  	_ = 	snop;
	(pc) =	sbr.rel @!p2 .LBB2_19-.Ltmp25, $2  }
0x2c0: {  	_ =	sdelay $0x2  }
0x2c1: {  	v7 =	vimm.f32 $-Inf;
	s11 =	simm.s32 $0x0  }
0x2c2: {  	s6 =	simm.s32 $0x9AA0  }
0x2c3: {  	v8 =	vld [tilespmem:s6+$0xFFFFFFE0];
	_ =	sdelay $0x1  }
0x2c4: {  	p3 =	sne.s32 s14, $0x1  }
.Ltmp26:
0x2c5: {  	_ = 	snop;
	(pc) =	sbr.rel @!p3 .LBB2_30-.Ltmp26, $4  }
0x2c6: {  	_ = 	snop  }
0x2c7: {  	s0 =	simm.s32 $0x9620;
	s1 =	simm.s32 $0x91A0;
	vm0 =	vgt.f32 v8, $-9.999999680e+37  }
0x2c8: {  	s3 =	simm.s32 $0x8D20;
	s17 =	simm.s32 $0x88A0;
	s5 =	simm.s32 $0x8420;
	v9 =	vsel vm0, $0x1, v0  }
0x2c9: {  	v6 =	vimm.s32 $0x0;
	s2 =	simm.s32 $0xA3A0;
	s7 =	sadd.s32 $0xFFFFFFFF, s14;
	p2 =	por $0x0, $0x0;
	(xrf0) =	vadd.scan.msk.s32 $0xffff, v9  }
0x2ca: {  	_ =	sdelay $0x1  }
0x2cb: {  	v9 =	vmov s11  }
0x2cc: {  	v9 =	vadd.s32 $0xFFFFFFFF, v9  }
0x2cd: {  	v9 =	vbroadcast v9, $0x0  }
0x2ce: {  	v10, _, _ =	vpop (xrf0)  }
0x2cf: {  	v9 =	vadd.s32 v10, v9;
	v10 =	vxor.u32 $0x80000000, v10  }
0x2d0: {  	v12 =	vld [tilespmem:s5+$0xFFFFFFE0];
	v9 =	vnsel vm0, $0x43F, v9;
	(xrf0) =	vmax.scan.msk.u32 $0xffff, v10  }
0x2d1: {  	v10 =	vld [tilespmem:s17+$0xFFFFFFE0]  }
0x2d2: {  	v13 =	vld [tilespmem:s3+$0xFFFFFFE0]  }
0x2d3: {  	v14 =	vld [tilespmem:s1+$0xFFFFFFE0]  }
0x2d4: {  	v11 =	vld [tilespmem:s0+$0xFFFFFFE0]  }
0x2d5: {  	v15 =	vld [tilespmem:s2+$0xFFFFFFE0];
	[tilespmem:v9+s18+$0x0] =	vst.idx.msk $0xffff, v12  }
0x2d6: {  	[tilespmem:v9+s19+$0x0] =	vst.idx.msk $0xffff, v10;
	v10, _, _ =	vpop (xrf0)  }
0x2d7: {  	[tilespmem:v9+s20+$0x0] =	vst.idx.msk $0xffff, v13;
	(v2sf) =	vpush v10, $0xF  }
0x2d8: {  	[tilespmem:v9+s21+$0x0] =	vst.idx.msk $0xffff, v14  }
0x2d9: {  	[tilespmem:v9+s22+$0x0] =	vst.idx.msk $0xffff, v11  }
0x2da: {  	[tilespmem:v9+s23+$0x0] =	vst.idx.msk $0xffff, v8  }
0x2db: {  	[tilespmem:v9+s24+$0x0] =	vst.idx.msk $0xffff, v15  }
0x2dc: {  	v10 =	vld [tilespmem:s6+$0xFFFFFFF0];
	_ =	sdelay $0x4  }
0x2dd: {  	vm0 =	vgt.f32 v10, $-9.999999680e+37  }
0x2de: {  	v11 =	vsel vm0, $0x1, v0  }
0x2df: {  	(xrf0) =	vadd.scan.msk.s32 $0xffff, v11;
	_ =	sdelay $0x2  }
0x2e0: {  	s8 =	spop (v2sf)  }
0x2e1: {  	s8 =	sadd.s32 $0x0, s8  }
0x2e2: {  	s8 =	sadd.s32 $0x80000000, s8  }
0x2e3: {  	v11 =	vmov s8;
	v45, _, _ =	vpop (xrf0)  }
0x2e4: {  	v11 =	vadd.s32 $0xFFFFFFFF, v11;
	v46 =	vxor.u32 $0x80000000, v45  }
0x2e5: {  	v11 =	vbroadcast v11, $0x0;
	(xrf0) =	vmax.scan.msk.u32 $0xffff, v46;
	_ =	sdelay $0x1  }
0x2e6: {  	v11 =	vadd.s32 v45, v11  }
0x2e7: {  	v48 =	vld [tilespmem:s5+$0xFFFFFFF0];
	v11 =	vnsel vm0, $0x43F, v11  }
0x2e8: {  	v14 =	vld [tilespmem:s17+$0xFFFFFFF0]  }
0x2e9: {  	v15 =	vld [tilespmem:s3+$0xFFFFFFF0]  }
0x2ea: {  	v16 =	vld [tilespmem:s1+$0xFFFFFFF0];
	v17, _, _ =	vpop (xrf0)  }
0x2eb: {  	v47 =	vld [tilespmem:s0+$0xFFFFFFF0];
	(v2sf) =	vpush v17, $0xF  }
0x2ec: {  	v18 =	vld [tilespmem:s2+$0xFFFFFFF0];
	[tilespmem:v11+s18+$0x0] =	vst.idx.msk $0xffff, v48  }
0x2ed: {  	[tilespmem:v11+s19+$0x0] =	vst.idx.msk $0xffff, v14  }
0x2ee: {  	[tilespmem:v11+s20+$0x0] =	vst.idx.msk $0xffff, v15  }
0x2ef: {  	[tilespmem:v11+s21+$0x0] =	vst.idx.msk $0xffff, v16  }
0x2f0: {  	[tilespmem:v11+s22+$0x0] =	vst.idx.msk $0xffff, v47  }
0x2f1: {  	[tilespmem:v11+s23+$0x0] =	vst.idx.msk $0xffff, v10  }
0x2f2: {  	[tilespmem:v11+s24+$0x0] =	vst.idx.msk $0xffff, v18  }
0x2f3: {  	v12 =	vld [tilespmem:s6+$0x0];
	_ =	sdelay $0x4  }
0x2f4: {  	vm0 =	vgt.f32 v12, $-9.999999680e+37  }
0x2f5: {  	v49 =	vsel vm0, $0x1, v0  }
0x2f6: {  	s9 =	spop (v2sf);
	(xrf0) =	vadd.scan.msk.s32 $0xffff, v49  }
0x2f7: {  	s8 =	sadd.s32 s9, s8  }
0x2f8: {  	s8 =	sadd.s32 $0x80000000, s8  }
0x2f9: {  	v50 =	vmov s8  }
0x2fa: {  	v13 =	vadd.s32 $0xFFFFFFFF, v50  }
0x2fb: {  	v13 =	vbroadcast v13, $0x0  }
0x2fc: {  	v51, _, _ =	vpop (xrf0)  }
0x2fd: {  	v13 =	vadd.s32 v51, v13;
	v14 =	vxor.u32 $0x80000000, v51  }
0x2fe: {  	v16 =	vld [tilespmem:s5+$0x0];
	v13 =	vnsel vm0, $0x43F, v13;
	(xrf0) =	vmax.scan.msk.u32 $0xffff, v14  }
0x2ff: {  	v52 =	vld [tilespmem:s17+$0x0]  }
0x300: {  	v53 =	vld [tilespmem:s3+$0x0]  }
0x301: {  	v18 =	vld [tilespmem:s1+$0x0]  }
0x302: {  	v15 =	vld [tilespmem:s0+$0x0]  }
0x303: {  	v19 =	vld [tilespmem:s2+$0x0];
	[tilespmem:v13+s18+$0x0] =	vst.idx.msk $0xffff, v16  }
0x304: {  	[tilespmem:v13+s19+$0x0] =	vst.idx.msk $0xffff, v52;
	v54, _, _ =	vpop (xrf0)  }
0x305: {  	[tilespmem:v13+s20+$0x0] =	vst.idx.msk $0xffff, v53;
	(v2sf) =	vpush v54, $0xF  }
0x306: {  	[tilespmem:v13+s21+$0x0] =	vst.idx.msk $0xffff, v18  }
0x307: {  	[tilespmem:v13+s22+$0x0] =	vst.idx.msk $0xffff, v15  }
0x308: {  	[tilespmem:v13+s23+$0x0] =	vst.idx.msk $0xffff, v12  }
0x309: {  	[tilespmem:v13+s24+$0x0] =	vst.idx.msk $0xffff, v19  }
0x30a: {  	v55 =	vld [tilespmem:s6+$0x10];
	_ =	sdelay $0x4  }
0x30b: {  	vm0 =	vgt.f32 v55, $-9.999999680e+37  }
0x30c: {  	v56 =	vsel vm0, $0x1, v0  }
0x30d: {  	(xrf0) =	vadd.scan.msk.s32 $0xffff, v56;
	_ =	sdelay $0x2  }
0x30e: {  	s14 =	spop (v2sf)  }
0x30f: {  	s6 =	sadd.s32 s14, s8  }
0x310: {  	s8 =	sadd.s32 $0x80000000, s6  }
0x311: {  	v15, _, _ =	vpop (xrf0);
	v58 =	vmov s8  }
0x312: {  	v57 =	vxor.u32 $0x80000000, v15;
	v59 =	vadd.s32 $0xFFFFFFFF, v58  }
0x313: {  	(xrf0) =	vmax.scan.msk.u32 $0xffff, v57;
	v16 =	vbroadcast v59, $0x0;
	_ =	sdelay $0x1  }
0x314: {  	v15 =	vadd.s32 v15, v16  }
0x315: {  	v60 =	vld [tilespmem:s5+$0x10];
	v15 =	vnsel vm0, $0x43F, v15  }
0x316: {  	v61 =	vld [tilespmem:s17+$0x10]  }
0x317: {  	v18 =	vld [tilespmem:s3+$0x10]  }
0x318: {  	v20 =	vld [tilespmem:s1+$0x10];
	v62, _, _ =	vpop (xrf0)  }
0x319: {  	v21 =	vld [tilespmem:s0+$0x10];
	(v2sf) =	vpush v62, $0xF  }
0x31a: {  	v63 =	vld [tilespmem:s2+$0x10];
	[tilespmem:v15+s18+$0x0] =	vst.idx.msk $0xffff, v60  }
0x31b: {  	[tilespmem:v15+s19+$0x0] =	vst.idx.msk $0xffff, v61  }
0x31c: {  	[tilespmem:v15+s20+$0x0] =	vst.idx.msk $0xffff, v18  }
0x31d: {  	[tilespmem:v15+s21+$0x0] =	vst.idx.msk $0xffff, v20  }
0x31e: {  	[tilespmem:v15+s22+$0x0] =	vst.idx.msk $0xffff, v21  }
0x31f: {  	[tilespmem:v15+s23+$0x0] =	vst.idx.msk $0xffff, v55  }
0x320: {  	s6 =	simm.s32 $0x9AE0;
	vm0 =	vgt.f32 v8, v7;
	[tilespmem:v15+s24+$0x0] =	vst.idx.msk $0xffff, v63  }
0x321: {  	v7 =	vsel vm0, v8, v7;
	v8 =	vld [tilespmem:s6+$0xFFFFFFE0];
	_ =	sdelay $0x2  }
0x322: {  	p3 =	sne.s32 s7, $0x1;
	vm1 =	vgt.f32 v10, v7  }
.Ltmp27:
0x323: {  	v7 =	vsel vm1, v10, v7;
	(pc) =	sbr.rel @!p3 .LBB2_32-.Ltmp27, $4  }
0x324: {  	s7 =	sadd.s32 $0xFFFFFFFF, s7;
	v6 =	vsel vm0, v9, v6;
	vm2 =	vgt.f32 v12, v7;
	vm0 =	vgt.f32 v8, $-9.999999680e+37  }
0x325: {  	p2 =	por $0x1, $0x1;
	s5 =	simm.s32 $0x8460;
	s2 =	simm.s32 $0xA3E0;
	v6 =	vsel vm1, v11, v6;
	v7 =	vsel vm2, v12, v7;
	v9 =	vsel vm0, $0x1, v0  }
0x326: {  	s3 =	simm.s32 $0x8D60;
	s14 =	simm.s32 $0x91A0;
	v6 =	vsel vm2, v13, v6;
	vm1 =	vgt.f32 v55, v7;
	s17 =	spop (v2sf);
	(xrf0) =	vadd.scan.msk.s32 $0xffff, v9  }
0x327: {  	v7 =	vsel vm1, v55, v7;
	v6 =	vsel vm1, v15, v6;
	s9 =	sadd.s32 s17, s8;
	s17 =	simm.s32 $0x88E0;
	s8 =	simm.s32 $0x9620  }
.LBB2_33:
0x328: {  	s9 =	sadd.s32 $0x80000000, s9;
	s8 =	sadd.s32 $0x40, s8;
	s14 =	sadd.s32 $0x40, s14  }
0x329: {  	p3 =	sne.s32 s7, $0x1;
	s7 =	sadd.s32 $0xFFFFFFFF, s7;
	v9 =	vmov s9  }
0x32a: {  	v9 =	vadd.s32 $0xFFFFFFFF, v9  }
0x32b: {  	v9 =	vbroadcast v9, $0x0  }
0x32c: {  	v10, _, _ =	vpop (xrf0)  }
0x32d: {  	v11 =	vld [tilespmem:s8+$0xFFFFFFE0];
	v9 =	vadd.s32 v10, v9;
	v10 =	vxor.u32 $0x80000000, v10  }
0x32e: {  	v12 =	vld [tilespmem:s5+$0xFFFFFFE0];
	v9 =	vnsel vm0, $0x43F, v9;
	(xrf0) =	vmax.scan.msk.u32 $0xffff, v10  }
0x32f: {  	v10 =	vld [tilespmem:s17+$0xFFFFFFE0]  }
0x330: {  	v13 =	vld [tilespmem:s3+$0xFFFFFFE0]  }
0x331: {  	v14 =	vld [tilespmem:s14+$0xFFFFFFE0]  }
0x332: {  	v15 =	vld [tilespmem:s2+$0xFFFFFFE0]  }
0x333: {  	[tilespmem:v9+s18+$0x0] =	vst.idx.msk $0xffff, v12  }
0x334: {  	[tilespmem:v9+s19+$0x0] =	vst.idx.msk $0xffff, v10;
	v10, _, _ =	vpop (xrf0)  }
0x335: {  	[tilespmem:v9+s20+$0x0] =	vst.idx.msk $0xffff, v13;
	(v2sf) =	vpush v10, $0xF  }
0x336: {  	[tilespmem:v9+s21+$0x0] =	vst.idx.msk $0xffff, v14  }
0x337: {  	[tilespmem:v9+s22+$0x0] =	vst.idx.msk $0xffff, v11  }
0x338: {  	[tilespmem:v9+s23+$0x0] =	vst.idx.msk $0xffff, v8  }
0x339: {  	[tilespmem:v9+s24+$0x0] =	vst.idx.msk $0xffff, v15  }
0x33a: {  	v10 =	vld [tilespmem:s6+$0xFFFFFFF0];
	_ =	sdelay $0x4  }
0x33b: {  	vm0 =	vgt.f32 v10, $-9.999999680e+37  }
0x33c: {  	v11 =	vsel vm0, $0x1, v0  }
0x33d: {  	(xrf0) =	vadd.scan.msk.s32 $0xffff, v11;
	_ =	sdelay $0x2  }
0x33e: {  	s10 =	spop (v2sf)  }
0x33f: {  	s9 =	sadd.s32 s10, s9  }
0x340: {  	s9 =	sadd.s32 $0x80000000, s9  }
0x341: {  	v11 =	vmov s9;
	v12, _, _ =	vpop (xrf0)  }
0x342: {  	v11 =	vadd.s32 $0xFFFFFFFF, v11;
	v13 =	vxor.u32 $0x80000000, v12  }
0x343: {  	v11 =	vbroadcast v11, $0x0;
	(xrf0) =	vmax.scan.msk.u32 $0xffff, v13;
	_ =	sdelay $0x1  }
0x344: {  	v13 =	vld [tilespmem:s8+$0xFFFFFFF0];
	v11 =	vadd.s32 v12, v11  }
0x345: {  	v12 =	vld [tilespmem:s5+$0xFFFFFFF0];
	v11 =	vnsel vm0, $0x43F, v11  }
0x346: {  	v14 =	vld [tilespmem:s17+$0xFFFFFFF0]  }
0x347: {  	v15 =	vld [tilespmem:s3+$0xFFFFFFF0]  }
0x348: {  	v16 =	vld [tilespmem:s14+$0xFFFFFFF0];
	v17, _, _ =	vpop (xrf0)  }
0x349: {  	v18 =	vld [tilespmem:s2+$0xFFFFFFF0];
	(v2sf) =	vpush v17, $0xF  }
0x34a: {  	[tilespmem:v11+s18+$0x0] =	vst.idx.msk $0xffff, v12  }
0x34b: {  	[tilespmem:v11+s19+$0x0] =	vst.idx.msk $0xffff, v14  }
0x34c: {  	[tilespmem:v11+s20+$0x0] =	vst.idx.msk $0xffff, v15  }
0x34d: {  	[tilespmem:v11+s21+$0x0] =	vst.idx.msk $0xffff, v16  }
0x34e: {  	[tilespmem:v11+s22+$0x0] =	vst.idx.msk $0xffff, v13  }
0x34f: {  	[tilespmem:v11+s23+$0x0] =	vst.idx.msk $0xffff, v10  }
0x350: {  	[tilespmem:v11+s24+$0x0] =	vst.idx.msk $0xffff, v18  }
0x351: {  	v12 =	vld [tilespmem:s6+$0x0];
	_ =	sdelay $0x4  }
0x352: {  	vm0 =	vgt.f32 v12, $-9.999999680e+37  }
0x353: {  	v13 =	vsel vm0, $0x1, v0  }
0x354: {  	s10 =	spop (v2sf);
	(xrf0) =	vadd.scan.msk.s32 $0xffff, v13  }
0x355: {  	s9 =	sadd.s32 s10, s9  }
0x356: {  	s9 =	sadd.s32 $0x80000000, s9  }
0x357: {  	v13 =	vmov s9  }
0x358: {  	v13 =	vadd.s32 $0xFFFFFFFF, v13  }
0x359: {  	v13 =	vbroadcast v13, $0x0  }
0x35a: {  	v14, _, _ =	vpop (xrf0)  }
0x35b: {  	v15 =	vld [tilespmem:s8+$0x0];
	v13 =	vadd.s32 v14, v13;
	v14 =	vxor.u32 $0x80000000, v14  }
0x35c: {  	v16 =	vld [tilespmem:s5+$0x0];
	v13 =	vnsel vm0, $0x43F, v13;
	(xrf0) =	vmax.scan.msk.u32 $0xffff, v14  }
0x35d: {  	v14 =	vld [tilespmem:s17+$0x0]  }
0x35e: {  	v17 =	vld [tilespmem:s3+$0x0]  }
0x35f: {  	v18 =	vld [tilespmem:s14+$0x0]  }
0x360: {  	v19 =	vld [tilespmem:s2+$0x0]  }
0x361: {  	[tilespmem:v13+s18+$0x0] =	vst.idx.msk $0xffff, v16  }
0x362: {  	[tilespmem:v13+s19+$0x0] =	vst.idx.msk $0xffff, v14;
	v14, _, _ =	vpop (xrf0)  }
0x363: {  	[tilespmem:v13+s20+$0x0] =	vst.idx.msk $0xffff, v17;
	(v2sf) =	vpush v14, $0xF  }
0x364: {  	[tilespmem:v13+s21+$0x0] =	vst.idx.msk $0xffff, v18  }
0x365: {  	[tilespmem:v13+s22+$0x0] =	vst.idx.msk $0xffff, v15  }
0x366: {  	[tilespmem:v13+s23+$0x0] =	vst.idx.msk $0xffff, v12  }
0x367: {  	[tilespmem:v13+s24+$0x0] =	vst.idx.msk $0xffff, v19  }
0x368: {  	v14 =	vld [tilespmem:s6+$0x10]  }
0x369: {  	v15 =	vld [tilespmem:s5+$0x10]  }
0x36a: {  	v16 =	vld [tilespmem:s17+$0x10]  }
0x36b: {  	v17 =	vld [tilespmem:s3+$0x10]  }
0x36c: {  	v18 =	vld [tilespmem:s14+$0x10]  }
0x36d: {  	v19 =	vld [tilespmem:s2+$0x10];
	vm0 =	vgt.f32 v14, $-9.999999680e+37  }
0x36e: {  	v20 =	vld [tilespmem:s8+$0x10];
	v21 =	vsel vm0, $0x1, v0  }
0x36f: {  	(xrf0) =	vadd.scan.msk.s32 $0xffff, v21;
	_ =	sdelay $0x2  }
0x370: {  	s10 =	spop (v2sf)  }
0x371: {  	s9 =	sadd.s32 s10, s9  }
0x372: {  	vm1 =	vgt.f32 v8, v7;
	s9 =	sadd.s32 $0x80000000, s9  }
0x373: {  	v7 =	vsel vm1, v8, v7;
	v8 =	vmov s9;
	v21, _, _ =	vpop (xrf0)  }
0x374: {  	vm2 =	vgt.f32 v10, v7;
	v8 =	vadd.s32 $0xFFFFFFFF, v8;
	v22 =	vxor.u32 $0x80000000, v21  }
0x375: {  	v7 =	vsel vm2, v10, v7;
	v8 =	vbroadcast v8, $0x0;
	(xrf0) =	vmax.scan.msk.u32 $0xffff, v22  }
0x376: {  	v6 =	vsel vm1, v9, v6;
	vm1 =	vgt.f32 v12, v7  }
0x377: {  	v6 =	vsel vm2, v11, v6;
	v7 =	vsel vm1, v12, v7;
	v8 =	vadd.s32 v21, v8  }
0x378: {  	v6 =	vsel vm1, v13, v6;
	v8 =	vnsel vm0, $0x43F, v8;
	vm0 =	vgt.f32 v14, v7  }
0x379: {  	v7 =	vsel vm0, v14, v7;
	v6 =	vsel vm0, v8, v6;
	_ =	sdelay $0x1  }
0x37a: {  	v9, _, _ =	vpop (xrf0)  }
0x37b: {  	(v2sf) =	vpush v9, $0xF  }
0x37c: {  	[tilespmem:v8+s18+$0x0] =	vst.idx.msk $0xffff, v15  }
0x37d: {  	[tilespmem:v8+s19+$0x0] =	vst.idx.msk $0xffff, v16  }
0x37e: {  	[tilespmem:v8+s20+$0x0] =	vst.idx.msk $0xffff, v17  }
0x37f: {  	[tilespmem:v8+s21+$0x0] =	vst.idx.msk $0xffff, v18  }
0x380: {  	[tilespmem:v8+s22+$0x0] =	vst.idx.msk $0xffff, v20  }
0x381: {  	[tilespmem:v8+s23+$0x0] =	vst.idx.msk $0xffff, v14  }
0x382: {  	s6 =	sadd.s32 $0x40, s6;
	[tilespmem:v8+s24+$0x0] =	vst.idx.msk $0xffff, v19  }
0x383: {  	v8 =	vld [tilespmem:s6+$0xFFFFFFE0];
	_ =	sdelay $0x3  }
.Ltmp28:
0x384: {  	(pc) =	sbr.rel @p3 .LBB2_33-.Ltmp28, $4  }
0x385: {  	vm0 =	vgt.f32 v8, $-9.999999680e+37  }
0x386: {  	v9 =	vsel vm0, $0x1, v0  }
0x387: {  	s5 =	sadd.s32 $0x40, s5;
	s2 =	sadd.s32 $0x40, s2;
	(xrf0) =	vadd.scan.msk.s32 $0xffff, v9;
	s10 =	spop (v2sf)  }
0x388: {  	s17 =	sadd.s32 $0x40, s17;
	s3 =	sadd.s32 $0x40, s3;
	s9 =	sadd.s32 s10, s9  }
.LBB2_34:
0x389: {  	s7 =	sadd.s32 @p2 $0x80000000, s9  }
0x38a: {  	s11 =	smov.u32 @p2 s7  }
0x38b: {  	v9 =	vmov s11  }
0x38c: {  	v9 =	vadd.s32 $0xFFFFFFFF, v9  }
0x38d: {  	v9 =	vbroadcast v9, $0x0  }
0x38e: {  	v10, _, _ =	vpop (xrf0)  }
0x38f: {  	v9 =	vadd.s32 v10, v9;
	v10 =	vxor.u32 $0x80000000, v10  }
0x390: {  	v12 =	vld [tilespmem:s5+$0xFFFFFFE0];
	s7 =	sadd.s32 @p2 $0x40, s8;
	v9 =	vnsel vm0, $0x43F, v9;
	(xrf0) =	vmax.scan.msk.u32 $0xffff, v10  }
0x391: {  	v45 =	vld [tilespmem:s17+$0xFFFFFFE0];
	s0 =	smov.u32 @p2 s7;
	s7 =	sadd.s32 @p2 $0x40, s14  }
0x392: {  	v13 =	vld [tilespmem:s3+$0xFFFFFFE0];
	s1 =	smov.u32 @p2 s7  }
0x393: {  	v14 =	vld [tilespmem:s1+$0xFFFFFFE0]  }
0x394: {  	v11 =	vld [tilespmem:s0+$0xFFFFFFE0]  }
0x395: {  	v15 =	vld [tilespmem:s2+$0xFFFFFFE0];
	[tilespmem:v9+s18+$0x0] =	vst.idx.msk $0xffff, v12  }
0x396: {  	[tilespmem:v9+s19+$0x0] =	vst.idx.msk $0xffff, v45;
	v46, _, _ =	vpop (xrf0)  }
0x397: {  	[tilespmem:v9+s20+$0x0] =	vst.idx.msk $0xffff, v13;
	(v2sf) =	vpush v46, $0xF  }
0x398: {  	[tilespmem:v9+s21+$0x0] =	vst.idx.msk $0xffff, v14  }
0x399: {  	[tilespmem:v9+s22+$0x0] =	vst.idx.msk $0xffff, v11  }
0x39a: {  	[tilespmem:v9+s23+$0x0] =	vst.idx.msk $0xffff, v8  }
0x39b: {  	[tilespmem:v9+s24+$0x0] =	vst.idx.msk $0xffff, v15  }
0x39c: {  	v47 =	vld [tilespmem:s6+$0xFFFFFFF0];
	_ =	sdelay $0x4  }
0x39d: {  	vm10 =	vgt.f32 v47, $-9.999999680e+37  }
0x39e: {  	v48 =	vsel vm10, $0x1, v0  }
0x39f: {  	(xrf0) =	vadd.scan.msk.s32 $0xffff, v48;
	_ =	sdelay $0x2  }
0x3a0: {  	s10 =	spop (v2sf)  }
0x3a1: {  	s7 =	sadd.s32 s10, s11  }
0x3a2: {  	s7 =	sadd.s32 $0x80000000, s7  }
0x3a3: {  	v49 =	vmov s7;
	v50, _, _ =	vpop (xrf0)  }
0x3a4: {  	v11 =	vadd.s32 $0xFFFFFFFF, v49;
	v51 =	vxor.u32 $0x80000000, v50  }
0x3a5: {  	v11 =	vbroadcast v11, $0x0;
	(xrf0) =	vmax.scan.msk.u32 $0xffff, v51;
	_ =	sdelay $0x1  }
0x3a6: {  	v11 =	vadd.s32 v50, v11  }
0x3a7: {  	v53 =	vld [tilespmem:s5+$0xFFFFFFF0];
	v11 =	vnsel vm10, $0x43F, v11  }
0x3a8: {  	v14 =	vld [tilespmem:s17+$0xFFFFFFF0]  }
0x3a9: {  	v15 =	vld [tilespmem:s3+$0xFFFFFFF0]  }
0x3aa: {  	v16 =	vld [tilespmem:s1+$0xFFFFFFF0];
	v17, _, _ =	vpop (xrf0)  }
0x3ab: {  	v52 =	vld [tilespmem:s0+$0xFFFFFFF0];
	(v2sf) =	vpush v17, $0xF  }
0x3ac: {  	v18 =	vld [tilespmem:s2+$0xFFFFFFF0];
	[tilespmem:v11+s18+$0x0] =	vst.idx.msk $0xffff, v53  }
0x3ad: {  	[tilespmem:v11+s19+$0x0] =	vst.idx.msk $0xffff, v14  }
0x3ae: {  	[tilespmem:v11+s20+$0x0] =	vst.idx.msk $0xffff, v15  }
0x3af: {  	[tilespmem:v11+s21+$0x0] =	vst.idx.msk $0xffff, v16  }
0x3b0: {  	[tilespmem:v11+s22+$0x0] =	vst.idx.msk $0xffff, v52  }
0x3b1: {  	[tilespmem:v11+s23+$0x0] =	vst.idx.msk $0xffff, v47  }
0x3b2: {  	[tilespmem:v11+s24+$0x0] =	vst.idx.msk $0xffff, v18  }
0x3b3: {  	v12 =	vld [tilespmem:s6+$0x0];
	_ =	sdelay $0x4  }
0x3b4: {  	vm11 =	vgt.f32 v12, $-9.999999680e+37  }
0x3b5: {  	v54 =	vsel vm11, $0x1, v0  }
0x3b6: {  	s11 =	spop (v2sf);
	(xrf0) =	vadd.scan.msk.s32 $0xffff, v54  }
0x3b7: {  	s7 =	sadd.s32 s11, s7  }
0x3b8: {  	s7 =	sadd.s32 $0x80000000, s7  }
0x3b9: {  	v55 =	vmov s7  }
0x3ba: {  	v13 =	vadd.s32 $0xFFFFFFFF, v55  }
0x3bb: {  	v13 =	vbroadcast v13, $0x0  }
0x3bc: {  	v56, _, _ =	vpop (xrf0)  }
0x3bd: {  	v13 =	vadd.s32 v56, v13  }
0x3be: {  	v16 =	vld [tilespmem:s5+$0x0];
	v13 =	vnsel vm11, $0x43F, v13  }
0x3bf: {  	v57 =	vld [tilespmem:s17+$0x0]  }
0x3c0: {  	v18 =	vld [tilespmem:s3+$0x0]  }
0x3c1: {  	v19 =	vld [tilespmem:s1+$0x0]  }
0x3c2: {  	v15 =	vld [tilespmem:s0+$0x0]  }
0x3c3: {  	v20 =	vld [tilespmem:s2+$0x0];
	[tilespmem:v13+s18+$0x0] =	vst.idx.msk $0xffff, v16  }
0x3c4: {  	[tilespmem:v13+s19+$0x0] =	vst.idx.msk $0xffff, v57  }
0x3c5: {  	[tilespmem:v13+s20+$0x0] =	vst.idx.msk $0xffff, v18  }
0x3c6: {  	[tilespmem:v13+s21+$0x0] =	vst.idx.msk $0xffff, v19  }
0x3c7: {  	v14 =	vxor.u32 $0x80000000, v56;
	[tilespmem:v13+s22+$0x0] =	vst.idx.msk $0xffff, v15  }
0x3c8: {  	(xrf0) =	vmax.scan.msk.u32 $0xffff, v14;
	[tilespmem:v13+s23+$0x0] =	vst.idx.msk $0xffff, v12  }
0x3c9: {  	[tilespmem:v13+s24+$0x0] =	vst.idx.msk $0xffff, v20  }
0x3ca: {  	v58 =	vld [tilespmem:s6+$0x10];
	_ =	sdelay $0x3  }
0x3cb: {  	v59, _, _ =	vpop (xrf0)  }
0x3cc: {  	(v2sf) =	vpush v59, $0xF;
	vm12 =	vgt.f32 v58, $-9.999999680e+37  }
0x3cd: {  	v60 =	vsel vm12, $0x1, v0  }
0x3ce: {  	(xrf0) =	vadd.scan.msk.s32 $0xffff, v60;
	_ =	sdelay $0x5  }
0x3cf: {  	v15, _, _ =	vpop (xrf0)  }
0x3d0: {  	v61 =	vxor.u32 $0x80000000, v15  }
0x3d1: {  	(xrf0) =	vmax.scan.msk.u32 $0xffff, v61;
	_ =	sdelay $0x4  }
0x3d2: {  	s14 =	spop (v2sf)  }
0x3d3: {  	s6 =	sadd.s32 s14, s7;
	v16, _, _ =	vpop (xrf0)  }
0x3d4: {  	s6 =	sadd.s32 $0x80000000, s6;
	(v2sf) =	vpush v16, $0xF  }
0x3d5: {  	v62 =	vmov s6  }
0x3d6: {  	v16 =	vadd.s32 $0xFFFFFFFF, v62  }
0x3d7: {  	v16 =	vbroadcast v16, $0x0;
	_ =	sdelay $0x1  }
0x3d8: {  	v15 =	vadd.s32 v15, v16  }
0x3d9: {  	v17 =	vld [tilespmem:s5+$0x10];
	v15 =	vnsel vm12, $0x43F, v15  }
0x3da: {  	v63 =	vld [tilespmem:s17+$0x10]  }
0x3db: {  	v18 =	vld [tilespmem:s3+$0x10]  }
0x3dc: {  	vm13 =	vgt.f32 v8, v7;
	v19 =	vld [tilespmem:s1+$0x10]  }
0x3dd: {  	v7 =	vsel vm13, v8, v7;
	v21 =	vld [tilespmem:s0+$0x10]  }
0x3de: {  	vm1 =	vgt.f32 v47, v7;
	v20 =	vld [tilespmem:s2+$0x10];
	[tilespmem:v15+s18+$0x0] =	vst.idx.msk $0xffff, v17  }
0x3df: {  	v7 =	vsel vm1, v47, v7;
	[tilespmem:v15+s19+$0x0] =	vst.idx.msk $0xffff, v63  }
.Ltmp29:
0x3e0: {  	v6 =	vsel vm13, v9, v6;
	vm14 =	vgt.f32 v12, v7;
	[tilespmem:v15+s20+$0x0] =	vst.idx.msk $0xffff, v18;
	(pc) =	sbr.rel .LBB2_35-.Ltmp29, $4  }
0x3e1: {  	v6 =	vsel vm1, v11, v6;
	v7 =	vsel vm14, v12, v7;
	[tilespmem:v15+s21+$0x0] =	vst.idx.msk $0xffff, v19  }
0x3e2: {  	v6 =	vsel vm14, v13, v6;
	vm15 =	vgt.f32 v58, v7;
	[tilespmem:v15+s22+$0x0] =	vst.idx.msk $0xffff, v21;
	s17 =	spop (v2sf)  }
0x3e3: {  	v6 =	vsel vm15, v15, v6;
	[tilespmem:v15+s23+$0x0] =	vst.idx.msk $0xffff, v58;
	s0 =	sadd.s32 s17, s6  }
0x3e4: {  	v7 =	vsel vm15, v58, v7;
	v6 =	vxor.u32 $0x80000000, v6;
	[tilespmem:v15+s24+$0x0] =	vst.idx.msk $0xffff, v20;
	s11 =	sadd.s32 $0x80000000, s0  }
.LBB2_30:
.Ltmp30:
0x3e5: {  	(pc) =	sbr.rel .LBB2_34-.Ltmp30, $2  }
0x3e6: {  	_ =	sdelay $0x2  }
0x3e7: {  	s8 =	simm.s32 $0x9620;
	s14 =	simm.s32 $0x91A0  }
.LBB2_32:
.Ltmp31:
0x3e8: {  	(pc) =	sbr.rel .LBB2_34-.Ltmp31, $2  }
0x3e9: {  	_ =	sdelay $0x2  }
0x3ea: {  	s8 =	simm.s32 $0x9620;
	s14 =	simm.s32 $0x91A0  }
.LBB2_7:
.Ltmp32:
0x3eb: {  	(pc) =	sbr.rel .LBB2_11-.Ltmp32, $2  }
0x3ec: {  	_ =	sdelay $0x2  }
0x3ed: {  	s2 =	simm.s32 $0x0  }
.LBB2_9:
.Ltmp33:
0x3ee: {  	(pc) =	sbr.rel .LBB2_11-.Ltmp33, $2  }
0x3ef: {  	_ =	sdelay $0x2  }
0x3f0: {  	s2 =	simm.s32 $0x0  }
.LBB2_38:
0x3f1: {  	_ =	sfence.sel $0x180000  }
0x3f2: {  	[bflag:$0x0] =	sbarrier.arrive $0xFFFF  }
0x3f3: {  	_ =	strace $0x90000047  }
0x3f4: {  	[bflag:$0x2] =	sbarrier.arrive $0xFFFF  }
0x3f5: {  	s0 =	rddreg [dreg:$0x2]  }
0x3f6: {  	s0 =	sadd.s32 @!p0 $0x100000, s0  }
0x3f7: {  	[sflag:s0] =	ssyncadd.tile.s32 @!p0 $0x1;
	_ =	shalt  }
.Lfunc_end2:
_tile_overlayer_lowered:
.L_overlay_start_2:
0x3f8: {  	(tag) =	ssettag $0x2  }
0x3f9: {  	s0 =	rddreg [dreg:$0x0];
	s2 =	stileid.u32  }
0x3fa: {  	s1 =	rddreg [dreg:$0x1];
	p0 =	sne.s32 s2, $0x0  }
0x3fb: {  	s3 =	rddreg [dreg:$0x2];
	[bflag:$0x3] =	sbarrier.arrive $0xFFFF;
	s2 =	simm.s32 @!p0 $0x1C01  }
0x3fc: {  	[timem:s3], [sflag:s2] =	dma.local @!p0 [hbm:s0], s1  }
0x3fd: {  	s0 =	simm.s32 @!p0 $0x1  }
0x3fe: {  	_ =	swait.ge @!p0 [sflag:s0], s1  }
0x3ff: {  	s1 =	ssub.s32 @!p0 $0x0, s1;
	[sflag:s0] =	ssyncset.done @!p0 $0x0  }
0x400: {  	[sflag:s0] =	ssyncadd.s32 @!p0 s1  }
0x401: {  	[bflag:$0x3] =	sbarrier.arrive $0xFFFF  }
0x402: {  	_ =	shalt  }

</sc_bundles>
